<compile_context>
chip_gen: v7x
topology: tpu7x:2x2x1
jax: 0.10.2.dev20260603
libtpu: 0.0.44.dev20260713+nightly
codegen_flags: <defaults>
</compile_context>

<pallas_src>
import jax
import jax.numpy as jnp
from jax import lax
from jax.experimental import pallas as pl
from jax.experimental.pallas import tpu as pltpu
from jax.experimental.pallas import tpu_sc as plsc

B, L = 4096, 50
VOCAB = 1000000
K = 8
M, E = 32768, 64

N = B * L
NC, NS, LANES = 2, 16, 16
NW = NC * NS
T = N // NW
NB = 64
NBLK = T // NB


def _sc_body(idx_hbm, im_hbm, emb_hbm, out_hbm,
             idxb, exp0, exp1, flat, sidx, rows, shout,
             sem_map, sem_emb0, sem_emb1, sem_out0, sem_out1):
  wid = lax.axis_index("s") * NC + lax.axis_index("c")
  sid = lax.axis_index("s")
  base = wid * T
  outb = shout.at[sid]
  exp = (exp0, exp1)
  sem_emb = (sem_emb0, sem_emb1)
  sem_out = (sem_out0, sem_out1)

  def init_sidx(j, _):
    lane = lax.iota(jnp.int32, LANES)
    sidx[pl.ds(j * LANES, LANES)] = j * LANES + lane
    return 0
  lax.fori_loop(0, NB // LANES, init_sidx, 0)

  def fire_map(b, p):
    tok0 = base + b * NB
    pltpu.sync_copy(idx_hbm.at[pl.ds(tok0, NB)], idxb.at[p])
    pltpu.make_async_copy(im_hbm.at[idxb.at[p]], exp[p], sem_map).start()

  def wait_map(p):
    pltpu.make_async_copy(im_hbm.at[idxb.at[p]], exp[p], sem_map).wait()

  def flatten(p):
    def body(j, _):
      lane = lax.iota(jnp.int32, LANES)
      k = j // (NB // LANES)
      toks = (j % (NB // LANES)) * LANES + lane
      col = jnp.full((LANES,), 0, jnp.int32) + k
      v = plsc.load_gather(exp[p], [toks, col])
      flat[p, k, pl.ds((j % (NB // LANES)) * LANES, LANES)] = v
      return 0
    lax.fori_loop(0, NB * K // LANES, body, 0)

  def emb_copies(p):
    return [pltpu.make_async_copy(
        emb_hbm.at[flat.at[p].at[k]], rows.at[p].at[k], sem_emb[p])
        for k in range(K)]

  def out_copy(b, p):
    tok0 = base + b * NB
    return pltpu.make_async_copy(
        outb.at[p], out_hbm.at[pl.ds(tok0, NB)], sem_out[p])

  fire_map(0, 0)
  wait_map(0)
  flatten(0)
  for cp in emb_copies(0):
    cp.start()
  fire_map(1, 1)

  def pair_body(m, _):
    for i in range(2):
      b = 2 * m + i
      p = i
      q = 1 - i

      @pl.when(b + 1 < NBLK)
      def _():
        wait_map(q)
        flatten(q)
        for cp in emb_copies(q):
          cp.start()

      @pl.when(b + 2 < NBLK)
      def _():
        fire_map(b + 2, p)

      @pl.when(b >= 2)
      def _():
        out_copy(0, p).wait()

      for cp in emb_copies(p):
        cp.wait()

      pltpu.sync_copy(rows.at[p].at[0], outb.at[p].at[sidx])
      for k in range(1, K):
        pltpu.sync_copy(
            rows.at[p].at[k], outb.at[p].at[sidx], add=True)

      out_copy(b, p).start()
    return 0

  lax.fori_loop(0, NBLK // 2, pair_body, 0)

  out_copy(0, (NBLK - 2) % 2).wait()
  out_copy(0, (NBLK - 1) % 2).wait()


@jax.jit
def kernel(indices, emb_table, index_map):
  idx_flat = indices.reshape(-1)
  mesh = plsc.VectorSubcoreMesh(
      core_axis_name="c", subcore_axis_name="s",
      num_cores=NC, num_subcores=NS)
  out = pl.kernel(
      _sc_body,
      out_type=jax.ShapeDtypeStruct((N, E), jnp.float32),
      mesh=mesh,
      compiler_params=pltpu.CompilerParams(
          needs_layout_passes=False, use_tc_tiling_on_sc=False),
      scratch_types=[
          pltpu.VMEM((2, NB), jnp.int32),
          pltpu.VMEM((NB, K), jnp.int32),
          pltpu.VMEM((NB, K), jnp.int32),
          pltpu.VMEM((2, K, NB), jnp.int32),
          pltpu.VMEM((NB,), jnp.int32),
          pltpu.VMEM((2, K, NB, E), jnp.float32),
          pltpu.VMEM_SHARED((NS, 2, NB, E), jnp.float32),
          pltpu.SemaphoreType.DMA,
          pltpu.SemaphoreType.DMA,
          pltpu.SemaphoreType.DMA,
          pltpu.SemaphoreType.DMA,
          pltpu.SemaphoreType.DMA,
      ],
  )(idx_flat, index_map, emb_table)
  return out.reshape(B, L, E)

# --- scband reference (transcript-rebuilt; emitter-appended) ---
"""Pipeline reference for scband-factorized-embeddings-input-22273700397183 (READ-ONLY COPY).

The authoritative reference and input builder live on the scoring server;
editing this copy changes nothing except your own understanding.
"""

import jax, jax.numpy as jnp
import numpy as np

B, L = 4096, 50
VOCAB = 1000000
K = 8
M, E = 32768, 64


def setup_inputs(seed: int = 0) -> dict:
    key = jax.random.key(seed)
    k1, k2, k3 = jax.random.split(key, 3)
    indices = jax.random.randint(k1, (B, L), 0, VOCAB, dtype=jnp.int64 if jax.config.read('jax_enable_x64') else jnp.int32).astype(jnp.int32)
    emb_table = jax.random.normal(k2, (M, E), dtype=jnp.float32)
    index_map = jax.random.randint(k3, (VOCAB, K), 0, M, dtype=jnp.int32)
    return {"indices": indices, "emb_table": emb_table, "index_map": index_map}


def reference(indices, emb_table, index_map):
    # exp_indices = self.index_map[indices.view(-1)]  -> [B*L, K]
    flat = indices.reshape(-1)
    exp_indices = jnp.take(index_map, flat, axis=0)
    # exp_embs = self.emb_tables(exp_indices)          -> [B*L, K, E]
    exp_embs = jnp.take(emb_table, exp_indices, axis=0)
    # sum over the K code vectors
    exp_embs = exp_embs.sum(axis=-2)
    # reshape back to [B, L, E]
    exp_embs = exp_embs.reshape(indices.shape[0], indices.shape[1], -1)
    return exp_embs

if __name__ == "__main__":
    import jax
    _d = setup_inputs()
    print(jax.jit(kernel)(*tuple(_d.values())))

</pallas_src>

<mosaic_0001>
#map = affine_map<(d0, d1) -> (0)>
#map1 = affine_map<(d0, d1) -> (0, 0)>
module attributes {stable_mosaic.version = 14 : i64} {
  func.func @_sc_body(%arg0: i32, %arg1: i32, %arg2: memref<204800xi32, #tpu.memory_space<hbm>>, %arg3: memref<1000000x8xi32, #tpu.memory_space<hbm>>, %arg4: memref<32768x64xf32, #tpu.memory_space<hbm>>, %arg5: memref<204800x64xf32, #tpu.memory_space<hbm>>, %arg6: memref<2x64xi32, #tpu.memory_space<vmem>>, %arg7: memref<64x8xi32, #tpu.memory_space<vmem>>, %arg8: memref<64x8xi32, #tpu.memory_space<vmem>>, %arg9: memref<2x8x64xi32, #tpu.memory_space<vmem>>, %arg10: memref<64xi32, #tpu.memory_space<vmem>>, %arg11: memref<2x8x64x64xf32, #tpu.memory_space<vmem>>, %arg12: memref<16x2x64x64xf32, #tpu.memory_space<vmem_shared>>, %arg13: memref<!tpu.dma_semaphore, #tpu.memory_space<semaphore_mem>>, %arg14: memref<!tpu.dma_semaphore, #tpu.memory_space<semaphore_mem>>, %arg15: memref<!tpu.dma_semaphore, #tpu.memory_space<semaphore_mem>>, %arg16: memref<!tpu.dma_semaphore, #tpu.memory_space<semaphore_mem>>, %arg17: memref<!tpu.dma_semaphore, #tpu.memory_space<semaphore_mem>>) attributes {dimension_semantics = [#tpu.dimension_semantics<core_parallel>, #tpu.dimension_semantics<subcore_parallel>], iteration_bounds = array<i64: 2, 16>, scalar_prefetch = 0 : i64, scratch_operands = 12 : i64, tpu.core_type = #tpu.core_type<sc_vector_subcore>, window_params = [{transform_indices = #map}, {transform_indices = #map1}, {transform_indices = #map1}, {transform_indices = #map1}]} {
    %mul3A = arith.constant 2 : i32
    %mul3A_0 = arith.muli %arg1, %mul3A : i32
    %add3A = arith.addi %mul3A_0, %arg0 : i32
    %mul3A_1 = arith.constant 6400 : i32
    %mul3A_2 = arith.muli %add3A, %mul3A_1 : i32
    %scan3A = arith.constant 0 : i32
    %scan3A_3 = arith.constant 0 : i32
    %scan3A_4 = arith.constant 4 : i32
    %scan3A_5 = arith.addi %scan3A_3, %scan3A_4 : i32
    %scan3A_6 = arith.constant 1 : i32
    %scan3A_7 = scf.for %scan3A_259 = %scan3A_3 to %scan3A_5 step %scan3A_6 iter_args(%scan3A_260 = %scan3A) -> (i32)  : i32 {
      %iota3A = tpu.iota {dimensions = array<i32: 0>} : vector<16xi32>
      %mul3A_261 = arith.constant 16 : i32
      %mul3A_262 = arith.muli %scan3A_259, %mul3A_261 : i32
      %add3A_263 = vector.broadcast %mul3A_262 : i32 to vector<16xi32>
      %add3A_264 = arith.addi %add3A_263, %iota3A : vector<16xi32>
      %mul3A_265 = arith.constant 16 : i32
      %mul3A_266 = arith.muli %scan3A_259, %mul3A_265 : i32
      %swap3A = arith.index_cast %mul3A_266 : i32 to index
      %swap3A_267 = tpu.vector_load %arg10[%swap3A] {strides = array<i32>} : memref<64xi32, #tpu.memory_space<vmem>>, vector<16xi32>,
      tpu.vector_store %arg10[%swap3A], %add3A_264 {strides = array<i32>} : memref<64xi32, #tpu.memory_space<vmem>>, vector<16xi32>,
      %scan3A_268 = arith.constant 0 : i32
      scf.yield %scan3A_268 : i32
    }
    %scan3A_8 = arith.constant 4 : i32
    %add3A_9 = arith.constant 0 : i32
    %add3A_10 = arith.addi %mul3A_2, %add3A_9 : i32
    %run_scoped3A = arith.constant 0 : i32
    "tpu.region"() ({
      %run_scoped3A_259 = tpu.sem_alloc : memref<!tpu.dma_semaphore, #tpu.memory_space<semaphore_mem>>
      %dma_start3A_260 = arith.constant 0 : i32
      %dma_start3A_261 = tpu.memref_slice %arg6[%run_scoped3A, %dma_start3A_260] : memref<2x64xi32, #tpu.memory_space<vmem>> -> memref<1x64xi32, #tpu.memory_space<vmem>>
      %dma_start3A_262 = tpu.memref_squeeze %dma_start3A_261 : memref<1x64xi32, #tpu.memory_space<vmem>> -> memref<64xi32, #tpu.memory_space<vmem>>
      %dma_start3A_263 = tpu.memref_slice %arg2[%add3A_10] : memref<204800xi32, #tpu.memory_space<hbm>> -> memref<64xi32, #tpu.memory_space<hbm>>
      %dma_start3A_264 = arith.constant 0 : i32
      %dma_start3A_265 = tpu.memref_slice %arg6[%run_scoped3A, %dma_start3A_264] : memref<2x64xi32, #tpu.memory_space<vmem>> -> memref<1x64xi32, #tpu.memory_space<vmem>>
      %dma_start3A_266 = tpu.memref_squeeze %dma_start3A_265 : memref<1x64xi32, #tpu.memory_space<vmem>> -> memref<64xi32, #tpu.memory_space<vmem>>
      %dma_start3A_267 = tpu.memref_slice %arg2[%add3A_10] : memref<204800xi32, #tpu.memory_space<hbm>> -> memref<64xi32, #tpu.memory_space<hbm>>
      tpu.enqueue_dma source(%dma_start3A_267 : memref<64xi32, #tpu.memory_space<hbm>>) target(%dma_start3A_266 : memref<64xi32, #tpu.memory_space<vmem>>) target_semaphore(%run_scoped3A_259 : memref<!tpu.dma_semaphore, #tpu.memory_space<semaphore_mem>>)
      %dma_wait3A_268 = arith.constant 0 : i32
      %dma_wait3A_269 = tpu.memref_slice %arg6[%run_scoped3A, %dma_wait3A_268] : memref<2x64xi32, #tpu.memory_space<vmem>> -> memref<1x64xi32, #tpu.memory_space<vmem>>
      %dma_wait3A_270 = tpu.memref_squeeze %dma_wait3A_269 : memref<1x64xi32, #tpu.memory_space<vmem>> -> memref<64xi32, #tpu.memory_space<vmem>>
      %dma_wait3A_271 = tpu.memref_slice %arg2[%add3A_10] : memref<204800xi32, #tpu.memory_space<hbm>> -> memref<64xi32, #tpu.memory_space<hbm>>
      %dma_wait3A_272 = arith.constant 0 : i32
      %dma_wait3A_273 = tpu.memref_slice %arg6[%run_scoped3A, %dma_wait3A_272] : memref<2x64xi32, #tpu.memory_space<vmem>> -> memref<1x64xi32, #tpu.memory_space<vmem>>
      %dma_wait3A_274 = tpu.memref_squeeze %dma_wait3A_273 : memref<1x64xi32, #tpu.memory_space<vmem>> -> memref<64xi32, #tpu.memory_space<vmem>>
      %dma_wait3A_275 = tpu.memref_slice %arg2[%add3A_10] : memref<204800xi32, #tpu.memory_space<hbm>> -> memref<64xi32, #tpu.memory_space<hbm>>
      tpu.wait_dma2 semaphore(%run_scoped3A_259 : memref<!tpu.dma_semaphore, #tpu.memory_space<semaphore_mem>>) src(%dma_wait3A_275 : memref<64xi32, #tpu.memory_space<hbm>>) dst(%dma_wait3A_274 : memref<64xi32, #tpu.memory_space<vmem>>)
      tpu.yield
    }) : () -> ()
    %dma_start3A = arith.constant 0 : i32
    %dma_start3A_11 = arith.constant 0 : i32
    %dma_start3A_12 = tpu.memref_slice %arg6[%dma_start3A, %dma_start3A_11] : memref<2x64xi32, #tpu.memory_space<vmem>> -> memref<1x64xi32, #tpu.memory_space<vmem>>
    %dma_start3A_13 = tpu.memref_squeeze %dma_start3A_12 : memref<1x64xi32, #tpu.memory_space<vmem>> -> memref<64xi32, #tpu.memory_space<vmem>>
    %dma_start3A_14 = arith.constant 0 : i32
    %dma_start3A_15 = arith.constant 0 : i32
    %dma_start3A_16 = tpu.memref_slice %arg3[%dma_start3A_14, %dma_start3A_15] : memref<1000000x8xi32, #tpu.memory_space<hbm>> -> memref<1000000x8xi32, #tpu.memory_space<hbm>>
    tpu.enqueue_indirect_dma source(%dma_start3A_16 : memref<1000000x8xi32, #tpu.memory_space<hbm>>) target(%arg7 : memref<64x8xi32, #tpu.memory_space<vmem>>) offsets(%dma_start3A_13 : memref<64xi32, #tpu.memory_space<vmem>>) semaphore(%arg13 : memref<!tpu.dma_semaphore, #tpu.memory_space<semaphore_mem>>)
    %dma_wait3A = arith.constant 0 : i32
    %dma_wait3A_17 = arith.constant 0 : i32
    %dma_wait3A_18 = tpu.memref_slice %arg6[%dma_wait3A, %dma_wait3A_17] : memref<2x64xi32, #tpu.memory_space<vmem>> -> memref<1x64xi32, #tpu.memory_space<vmem>>
    %dma_wait3A_19 = tpu.memref_squeeze %dma_wait3A_18 : memref<1x64xi32, #tpu.memory_space<vmem>> -> memref<64xi32, #tpu.memory_space<vmem>>
    %dma_wait3A_20 = arith.constant 0 : i32
    %dma_wait3A_21 = arith.constant 0 : i32
    %dma_wait3A_22 = tpu.memref_slice %arg3[%dma_wait3A_20, %dma_wait3A_21] : memref<1000000x8xi32, #tpu.memory_space<hbm>> -> memref<1000000x8xi32, #tpu.memory_space<hbm>>
    tpu.wait_indirect_dma semaphore(%arg13 : memref<!tpu.dma_semaphore, #tpu.memory_space<semaphore_mem>>) src(%dma_wait3A_22 : memref<1000000x8xi32, #tpu.memory_space<hbm>>) dst(%arg7 : memref<64x8xi32, #tpu.memory_space<vmem>>)
    %scan3A_23 = arith.constant 0 : i32
    %scan3A_24 = arith.constant 0 : i32
    %scan3A_25 = arith.constant 32 : i32
    %scan3A_26 = arith.addi %scan3A_24, %scan3A_25 : i32
    %scan3A_27 = arith.constant 1 : i32
    %scan3A_28 = scf.for %scan3A_259 = %scan3A_24 to %scan3A_26 step %scan3A_27 iter_args(%scan3A_260 = %scan3A_23) -> (i32)  : i32 {
      %iota3A = tpu.iota {dimensions = array<i32: 0>} : vector<16xi32>
      %jit3A = arith.constant 4 : i32
      %div3A = arith.divsi %scan3A_259, %jit3A : i32
      %sign3A = arith.constant 0 : i32
      %sign3A_261 = arith.cmpi sgt, %scan3A_259, %sign3A : i32
      %sign3A_262 = arith.extui %sign3A_261 : i1 to i32
      %sign3A_263 = arith.constant 0 : i32
      %sign3A_264 = arith.cmpi slt, %scan3A_259, %sign3A_263 : i32
      %sign3A_265 = arith.extui %sign3A_264 : i1 to i32
      %sign3A_266 = arith.subi %sign3A_262, %sign3A_265 : i32
      %sign3A_267 = arith.constant 0 : i32
      %sign3A_268 = arith.cmpi sgt, %jit3A, %sign3A_267 : i32
      %sign3A_269 = arith.extui %sign3A_268 : i1 to i32
      %sign3A_270 = arith.constant 0 : i32
      %sign3A_271 = arith.cmpi slt, %jit3A, %sign3A_270 : i32
      %sign3A_272 = arith.extui %sign3A_271 : i1 to i32
      %sign3A_273 = arith.subi %sign3A_269, %sign3A_272 : i32
      %ne3A = arith.cmpi ne, %sign3A_266, %sign3A_273 : i32
      %rem3A = arith.remsi %scan3A_259, %jit3A : i32
      %ne3A_274 = arith.constant 0 : i32
      %ne3A_275 = arith.cmpi ne, %rem3A, %ne3A_274 : i32
      %and3A = arith.andi %ne3A, %ne3A_275 : i1
      %sub3A = arith.constant 1 : i32
      %sub3A_276 = arith.subi %div3A, %sub3A : i32
      %select_n3A = arith.select %and3A, %sub3A_276, %div3A : i32
      %jit3A_277 = arith.constant 4 : i32
      %eq3A = arith.constant 0 : i32
      %eq3A_278 = arith.cmpi eq, %jit3A_277, %eq3A : i32
      %jit3A_279 = arith.constant 1 : i32
      %select_n3A_280 = arith.select %eq3A_278, %jit3A_279, %jit3A_277 : i32
      %rem3A_281 = arith.remsi %scan3A_259, %select_n3A_280 : i32
      %ne3A_282 = arith.constant 0 : i32
      %ne3A_283 = arith.cmpi ne, %rem3A_281, %ne3A_282 : i32
      %lt3A = arith.constant 0 : i32
      %lt3A_284 = arith.cmpi slt, %rem3A_281, %lt3A : i32
      %lt3A_285 = arith.constant 0 : i32
      %lt3A_286 = arith.cmpi slt, %select_n3A_280, %lt3A_285 : i32
      %ne3A_287 = arith.xori %lt3A_284, %lt3A_286 : i1
      %and3A_288 = arith.andi %ne3A_287, %ne3A_283 : i1
      %add3A_289 = arith.addi %rem3A_281, %select_n3A_280 : i32
      %select_n3A_290 = arith.select %and3A_288, %add3A_289, %rem3A_281 : i32
      %mul3A_291 = arith.constant 16 : i32
      %mul3A_292 = arith.muli %select_n3A_290, %mul3A_291 : i32
      %add3A_293 = vector.broadcast %mul3A_292 : i32 to vector<16xi32>
      %add3A_294 = arith.addi %add3A_293, %iota3A : vector<16xi32>
      %broadcast_in_dim3A = arith.constant 0 : i32
      %broadcast_in_dim3A_295 = vector.broadcast %broadcast_in_dim3A : i32 to vector<16xi32>
      %add3A_296 = vector.broadcast %select_n3A : i32 to vector<16xi32>
      %add3A_297 = arith.addi %broadcast_in_dim3A_295, %add3A_296 : vector<16xi32>
      %gather3A = tpu.vector_load_idx %arg7[%add3A_294, %add3A_297] : memref<64x8xi32, #tpu.memory_space<vmem>>[vector<16xi32>, vector<16xi32>], vector<16xi32>,
      %jit3A_298 = arith.constant 4 : i32
      %eq3A_299 = arith.constant 0 : i32
      %eq3A_300 = arith.cmpi eq, %jit3A_298, %eq3A_299 : i32
      %jit3A_301 = arith.constant 1 : i32
      %select_n3A_302 = arith.select %eq3A_300, %jit3A_301, %jit3A_298 : i32
      %rem3A_303 = arith.remsi %scan3A_259, %select_n3A_302 : i32
      %ne3A_304 = arith.constant 0 : i32
      %ne3A_305 = arith.cmpi ne, %rem3A_303, %ne3A_304 : i32
      %lt3A_306 = arith.constant 0 : i32
      %lt3A_307 = arith.cmpi slt, %rem3A_303, %lt3A_306 : i32
      %lt3A_308 = arith.constant 0 : i32
      %lt3A_309 = arith.cmpi slt, %select_n3A_302, %lt3A_308 : i32
      %ne3A_310 = arith.xori %lt3A_307, %lt3A_309 : i1
      %and3A_311 = arith.andi %ne3A_310, %ne3A_305 : i1
      %add3A_312 = arith.addi %rem3A_303, %select_n3A_302 : i32
      %select_n3A_313 = arith.select %and3A_311, %add3A_312, %rem3A_303 : i32
      %mul3A_314 = arith.constant 16 : i32
      %mul3A_315 = arith.muli %select_n3A_313, %mul3A_314 : i32
      %swap3A = arith.constant 0 : i32
      %swap3A_316 = arith.index_cast %swap3A : i32 to index
      %swap3A_317 = arith.index_cast %select_n3A : i32 to index
      %swap3A_318 = arith.index_cast %mul3A_315 : i32 to index
      %swap3A_319 = tpu.vector_load %arg9[%swap3A_316, %swap3A_317, %swap3A_318] {strides = array<i32>} : memref<2x8x64xi32, #tpu.memory_space<vmem>>, vector<16xi32>,
      tpu.vector_store %arg9[%swap3A_316, %swap3A_317, %swap3A_318], %gather3A {strides = array<i32>} : memref<2x8x64xi32, #tpu.memory_space<vmem>>, vector<16xi32>,
      %scan3A_320 = arith.constant 0 : i32
      scf.yield %scan3A_320 : i32
    }
    %scan3A_29 = arith.constant 32 : i32
    %dma_start3A_30 = arith.constant 0 : i32
    %dma_start3A_31 = arith.constant 0 : i32
    %dma_start3A_32 = arith.constant 0 : i32
    %dma_start3A_33 = arith.constant 0 : i32
    %dma_start3A_34 = arith.constant 0 : i32
    %dma_start3A_35 = arith.constant 0 : i32
    %dma_start3A_36 = arith.constant 0 : i32
    %dma_start3A_37 = tpu.memref_slice %arg11[%dma_start3A_32, %dma_start3A_34, %dma_start3A_35, %dma_start3A_36] : memref<2x8x64x64xf32, #tpu.memory_space<vmem>> -> memref<1x8x64x64xf32, #tpu.memory_space<vmem>>
    %dma_start3A_38 = tpu.memref_squeeze %dma_start3A_37 : memref<1x8x64x64xf32, #tpu.memory_space<vmem>> -> memref<8x64x64xf32, #tpu.memory_space<vmem>>
    %dma_start3A_39 = arith.constant 0 : i32
    %dma_start3A_40 = arith.constant 0 : i32
    %dma_start3A_41 = tpu.memref_slice %dma_start3A_38[%dma_start3A_33, %dma_start3A_39, %dma_start3A_40] : memref<8x64x64xf32, #tpu.memory_space<vmem>> -> memref<1x64x64xf32, #tpu.memory_space<vmem>>
    %dma_start3A_42 = tpu.memref_squeeze %dma_start3A_41 : memref<1x64x64xf32, #tpu.memory_space<vmem>> -> memref<64x64xf32, #tpu.memory_space<vmem>>
    %dma_start3A_43 = arith.constant 0 : i32
    %dma_start3A_44 = arith.constant 0 : i32
    %dma_start3A_45 = tpu.memref_slice %arg9[%dma_start3A_30, %dma_start3A_43, %dma_start3A_44] : memref<2x8x64xi32, #tpu.memory_space<vmem>> -> memref<1x8x64xi32, #tpu.memory_space<vmem>>
    %dma_start3A_46 = tpu.memref_squeeze %dma_start3A_45 : memref<1x8x64xi32, #tpu.memory_space<vmem>> -> memref<8x64xi32, #tpu.memory_space<vmem>>
    %dma_start3A_47 = arith.constant 0 : i32
    %dma_start3A_48 = tpu.memref_slice %dma_start3A_46[%dma_start3A_31, %dma_start3A_47] : memref<8x64xi32, #tpu.memory_space<vmem>> -> memref<1x64xi32, #tpu.memory_space<vmem>>
    %dma_start3A_49 = tpu.memref_squeeze %dma_start3A_48 : memref<1x64xi32, #tpu.memory_space<vmem>> -> memref<64xi32, #tpu.memory_space<vmem>>
    %dma_start3A_50 = arith.constant 0 : i32
    %dma_start3A_51 = arith.constant 0 : i32
    %dma_start3A_52 = tpu.memref_slice %arg4[%dma_start3A_50, %dma_start3A_51] : memref<32768x64xf32, #tpu.memory_space<hbm>> -> memref<32768x64xf32, #tpu.memory_space<hbm>>
    tpu.enqueue_indirect_dma source(%dma_start3A_52 : memref<32768x64xf32, #tpu.memory_space<hbm>>) target(%dma_start3A_42 : memref<64x64xf32, #tpu.memory_space<vmem>>) offsets(%dma_start3A_49 : memref<64xi32, #tpu.memory_space<vmem>>) semaphore(%arg14 : memref<!tpu.dma_semaphore, #tpu.memory_space<semaphore_mem>>)
    %dma_start3A_53 = arith.constant 0 : i32
    %dma_start3A_54 = arith.constant 1 : i32
    %dma_start3A_55 = arith.constant 0 : i32
    %dma_start3A_56 = arith.constant 1 : i32
    %dma_start3A_57 = arith.constant 0 : i32
    %dma_start3A_58 = arith.constant 0 : i32
    %dma_start3A_59 = arith.constant 0 : i32
    %dma_start3A_60 = tpu.memref_slice %arg11[%dma_start3A_55, %dma_start3A_57, %dma_start3A_58, %dma_start3A_59] : memref<2x8x64x64xf32, #tpu.memory_space<vmem>> -> memref<1x8x64x64xf32, #tpu.memory_space<vmem>>
    %dma_start3A_61 = tpu.memref_squeeze %dma_start3A_60 : memref<1x8x64x64xf32, #tpu.memory_space<vmem>> -> memref<8x64x64xf32, #tpu.memory_space<vmem>>
    %dma_start3A_62 = arith.constant 0 : i32
    %dma_start3A_63 = arith.constant 0 : i32
    %dma_start3A_64 = tpu.memref_slice %dma_start3A_61[%dma_start3A_56, %dma_start3A_62, %dma_start3A_63] : memref<8x64x64xf32, #tpu.memory_space<vmem>> -> memref<1x64x64xf32, #tpu.memory_space<vmem>>
    %dma_start3A_65 = tpu.memref_squeeze %dma_start3A_64 : memref<1x64x64xf32, #tpu.memory_space<vmem>> -> memref<64x64xf32, #tpu.memory_space<vmem>>
    %dma_start3A_66 = arith.constant 0 : i32
    %dma_start3A_67 = arith.constant 0 : i32
    %dma_start3A_68 = tpu.memref_slice %arg9[%dma_start3A_53, %dma_start3A_66, %dma_start3A_67] : memref<2x8x64xi32, #tpu.memory_space<vmem>> -> memref<1x8x64xi32, #tpu.memory_space<vmem>>
    %dma_start3A_69 = tpu.memref_squeeze %dma_start3A_68 : memref<1x8x64xi32, #tpu.memory_space<vmem>> -> memref<8x64xi32, #tpu.memory_space<vmem>>
    %dma_start3A_70 = arith.constant 0 : i32
    %dma_start3A_71 = tpu.memref_slice %dma_start3A_69[%dma_start3A_54, %dma_start3A_70] : memref<8x64xi32, #tpu.memory_space<vmem>> -> memref<1x64xi32, #tpu.memory_space<vmem>>
    %dma_start3A_72 = tpu.memref_squeeze %dma_start3A_71 : memref<1x64xi32, #tpu.memory_space<vmem>> -> memref<64xi32, #tpu.memory_space<vmem>>
    %dma_start3A_73 = arith.constant 0 : i32
    %dma_start3A_74 = arith.constant 0 : i32
    %dma_start3A_75 = tpu.memref_slice %arg4[%dma_start3A_73, %dma_start3A_74] : memref<32768x64xf32, #tpu.memory_space<hbm>> -> memref<32768x64xf32, #tpu.memory_space<hbm>>
    tpu.enqueue_indirect_dma source(%dma_start3A_75 : memref<32768x64xf32, #tpu.memory_space<hbm>>) target(%dma_start3A_65 : memref<64x64xf32, #tpu.memory_space<vmem>>) offsets(%dma_start3A_72 : memref<64xi32, #tpu.memory_space<vmem>>) semaphore(%arg14 : memref<!tpu.dma_semaphore, #tpu.memory_space<semaphore_mem>>)
    %dma_start3A_76 = arith.constant 0 : i32
    %dma_start3A_77 = arith.constant 2 : i32
    %dma_start3A_78 = arith.constant 0 : i32
    %dma_start3A_79 = arith.constant 2 : i32
    %dma_start3A_80 = arith.constant 0 : i32
    %dma_start3A_81 = arith.constant 0 : i32
    %dma_start3A_82 = arith.constant 0 : i32
    %dma_start3A_83 = tpu.memref_slice %arg11[%dma_start3A_78, %dma_start3A_80, %dma_start3A_81, %dma_start3A_82] : memref<2x8x64x64xf32, #tpu.memory_space<vmem>> -> memref<1x8x64x64xf32, #tpu.memory_space<vmem>>
    %dma_start3A_84 = tpu.memref_squeeze %dma_start3A_83 : memref<1x8x64x64xf32, #tpu.memory_space<vmem>> -> memref<8x64x64xf32, #tpu.memory_space<vmem>>
    %dma_start3A_85 = arith.constant 0 : i32
    %dma_start3A_86 = arith.constant 0 : i32
    %dma_start3A_87 = tpu.memref_slice %dma_start3A_84[%dma_start3A_79, %dma_start3A_85, %dma_start3A_86] : memref<8x64x64xf32, #tpu.memory_space<vmem>> -> memref<1x64x64xf32, #tpu.memory_space<vmem>>
    %dma_start3A_88 = tpu.memref_squeeze %dma_start3A_87 : memref<1x64x64xf32, #tpu.memory_space<vmem>> -> memref<64x64xf32, #tpu.memory_space<vmem>>
    %dma_start3A_89 = arith.constant 0 : i32
    %dma_start3A_90 = arith.constant 0 : i32
    %dma_start3A_91 = tpu.memref_slice %arg9[%dma_start3A_76, %dma_start3A_89, %dma_start3A_90] : memref<2x8x64xi32, #tpu.memory_space<vmem>> -> memref<1x8x64xi32, #tpu.memory_space<vmem>>
    %dma_start3A_92 = tpu.memref_squeeze %dma_start3A_91 : memref<1x8x64xi32, #tpu.memory_space<vmem>> -> memref<8x64xi32, #tpu.memory_space<vmem>>
    %dma_start3A_93 = arith.constant 0 : i32
    %dma_start3A_94 = tpu.memref_slice %dma_start3A_92[%dma_start3A_77, %dma_start3A_93] : memref<8x64xi32, #tpu.memory_space<vmem>> -> memref<1x64xi32, #tpu.memory_space<vmem>>
    %dma_start3A_95 = tpu.memref_squeeze %dma_start3A_94 : memref<1x64xi32, #tpu.memory_space<vmem>> -> memref<64xi32, #tpu.memory_space<vmem>>
    %dma_start3A_96 = arith.constant 0 : i32
    %dma_start3A_97 = arith.constant 0 : i32
    %dma_start3A_98 = tpu.memref_slice %arg4[%dma_start3A_96, %dma_start3A_97] : memref<32768x64xf32, #tpu.memory_space<hbm>> -> memref<32768x64xf32, #tpu.memory_space<hbm>>
    tpu.enqueue_indirect_dma source(%dma_start3A_98 : memref<32768x64xf32, #tpu.memory_space<hbm>>) target(%dma_start3A_88 : memref<64x64xf32, #tpu.memory_space<vmem>>) offsets(%dma_start3A_95 : memref<64xi32, #tpu.memory_space<vmem>>) semaphore(%arg14 : memref<!tpu.dma_semaphore, #tpu.memory_space<semaphore_mem>>)
    %dma_start3A_99 = arith.constant 0 : i32
    %dma_start3A_100 = arith.constant 3 : i32
    %dma_start3A_101 = arith.constant 0 : i32
    %dma_start3A_102 = arith.constant 3 : i32
    %dma_start3A_103 = arith.constant 0 : i32
    %dma_start3A_104 = arith.constant 0 : i32
    %dma_start3A_105 = arith.constant 0 : i32
    %dma_start3A_106 = tpu.memref_slice %arg11[%dma_start3A_101, %dma_start3A_103, %dma_start3A_104, %dma_start3A_105] : memref<2x8x64x64xf32, #tpu.memory_space<vmem>> -> memref<1x8x64x64xf32, #tpu.memory_space<vmem>>
    %dma_start3A_107 = tpu.memref_squeeze %dma_start3A_106 : memref<1x8x64x64xf32, #tpu.memory_space<vmem>> -> memref<8x64x64xf32, #tpu.memory_space<vmem>>
    %dma_start3A_108 = arith.constant 0 : i32
    %dma_start3A_109 = arith.constant 0 : i32
    %dma_start3A_110 = tpu.memref_slice %dma_start3A_107[%dma_start3A_102, %dma_start3A_108, %dma_start3A_109] : memref<8x64x64xf32, #tpu.memory_space<vmem>> -> memref<1x64x64xf32, #tpu.memory_space<vmem>>
    %dma_start3A_111 = tpu.memref_squeeze %dma_start3A_110 : memref<1x64x64xf32, #tpu.memory_space<vmem>> -> memref<64x64xf32, #tpu.memory_space<vmem>>
    %dma_start3A_112 = arith.constant 0 : i32
    %dma_start3A_113 = arith.constant 0 : i32
    %dma_start3A_114 = tpu.memref_slice %arg9[%dma_start3A_99, %dma_start3A_112, %dma_start3A_113] : memref<2x8x64xi32, #tpu.memory_space<vmem>> -> memref<1x8x64xi32, #tpu.memory_space<vmem>>
    %dma_start3A_115 = tpu.memref_squeeze %dma_start3A_114 : memref<1x8x64xi32, #tpu.memory_space<vmem>> -> memref<8x64xi32, #tpu.memory_space<vmem>>
    %dma_start3A_116 = arith.constant 0 : i32
    %dma_start3A_117 = tpu.memref_slice %dma_start3A_115[%dma_start3A_100, %dma_start3A_116] : memref<8x64xi32, #tpu.memory_space<vmem>> -> memref<1x64xi32, #tpu.memory_space<vmem>>
    %dma_start3A_118 = tpu.memref_squeeze %dma_start3A_117 : memref<1x64xi32, #tpu.memory_space<vmem>> -> memref<64xi32, #tpu.memory_space<vmem>>
    %dma_start3A_119 = arith.constant 0 : i32
    %dma_start3A_120 = arith.constant 0 : i32
    %dma_start3A_121 = tpu.memref_slice %arg4[%dma_start3A_119, %dma_start3A_120] : memref<32768x64xf32, #tpu.memory_space<hbm>> -> memref<32768x64xf32, #tpu.memory_space<hbm>>
    tpu.enqueue_indirect_dma source(%dma_start3A_121 : memref<32768x64xf32, #tpu.memory_space<hbm>>) target(%dma_start3A_111 : memref<64x64xf32, #tpu.memory_space<vmem>>) offsets(%dma_start3A_118 : memref<64xi32, #tpu.memory_space<vmem>>) semaphore(%arg14 : memref<!tpu.dma_semaphore, #tpu.memory_space<semaphore_mem>>)
    %dma_start3A_122 = arith.constant 0 : i32
    %dma_start3A_123 = arith.constant 4 : i32
    %dma_start3A_124 = arith.constant 0 : i32
    %dma_start3A_125 = arith.constant 4 : i32
    %dma_start3A_126 = arith.constant 0 : i32
    %dma_start3A_127 = arith.constant 0 : i32
    %dma_start3A_128 = arith.constant 0 : i32
    %dma_start3A_129 = tpu.memref_slice %arg11[%dma_start3A_124, %dma_start3A_126, %dma_start3A_127, %dma_start3A_128] : memref<2x8x64x64xf32, #tpu.memory_space<vmem>> -> memref<1x8x64x64xf32, #tpu.memory_space<vmem>>
    %dma_start3A_130 = tpu.memref_squeeze %dma_start3A_129 : memref<1x8x64x64xf32, #tpu.memory_space<vmem>> -> memref<8x64x64xf32, #tpu.memory_space<vmem>>
    %dma_start3A_131 = arith.constant 0 : i32
    %dma_start3A_132 = arith.constant 0 : i32
    %dma_start3A_133 = tpu.memref_slice %dma_start3A_130[%dma_start3A_125, %dma_start3A_131, %dma_start3A_132] : memref<8x64x64xf32, #tpu.memory_space<vmem>> -> memref<1x64x64xf32, #tpu.memory_space<vmem>>
    %dma_start3A_134 = tpu.memref_squeeze %dma_start3A_133 : memref<1x64x64xf32, #tpu.memory_space<vmem>> -> memref<64x64xf32, #tpu.memory_space<vmem>>
    %dma_start3A_135 = arith.constant 0 : i32
    %dma_start3A_136 = arith.constant 0 : i32
    %dma_start3A_137 = tpu.memref_slice %arg9[%dma_start3A_122, %dma_start3A_135, %dma_start3A_136] : memref<2x8x64xi32, #tpu.memory_space<vmem>> -> memref<1x8x64xi32, #tpu.memory_space<vmem>>
    %dma_start3A_138 = tpu.memref_squeeze %dma_start3A_137 : memref<1x8x64xi32, #tpu.memory_space<vmem>> -> memref<8x64xi32, #tpu.memory_space<vmem>>
    %dma_start3A_139 = arith.constant 0 : i32
    %dma_start3A_140 = tpu.memref_slice %dma_start3A_138[%dma_start3A_123, %dma_start3A_139] : memref<8x64xi32, #tpu.memory_space<vmem>> -> memref<1x64xi32, #tpu.memory_space<vmem>>
    %dma_start3A_141 = tpu.memref_squeeze %dma_start3A_140 : memref<1x64xi32, #tpu.memory_space<vmem>> -> memref<64xi32, #tpu.memory_space<vmem>>
    %dma_start3A_142 = arith.constant 0 : i32
    %dma_start3A_143 = arith.constant 0 : i32
    %dma_start3A_144 = tpu.memref_slice %arg4[%dma_start3A_142, %dma_start3A_143] : memref<32768x64xf32, #tpu.memory_space<hbm>> -> memref<32768x64xf32, #tpu.memory_space<hbm>>
    tpu.enqueue_indirect_dma source(%dma_start3A_144 : memref<32768x64xf32, #tpu.memory_space<hbm>>) target(%dma_start3A_134 : memref<64x64xf32, #tpu.memory_space<vmem>>) offsets(%dma_start3A_141 : memref<64xi32, #tpu.memory_space<vmem>>) semaphore(%arg14 : memref<!tpu.dma_semaphore, #tpu.memory_space<semaphore_mem>>)
    %dma_start3A_145 = arith.constant 0 : i32
    %dma_start3A_146 = arith.constant 5 : i32
    %dma_start3A_147 = arith.constant 0 : i32
    %dma_start3A_148 = arith.constant 5 : i32
    %dma_start3A_149 = arith.constant 0 : i32
    %dma_start3A_150 = arith.constant 0 : i32
    %dma_start3A_151 = arith.constant 0 : i32
    %dma_start3A_152 = tpu.memref_slice %arg11[%dma_start3A_147, %dma_start3A_149, %dma_start3A_150, %dma_start3A_151] : memref<2x8x64x64xf32, #tpu.memory_space<vmem>> -> memref<1x8x64x64xf32, #tpu.memory_space<vmem>>
    %dma_start3A_153 = tpu.memref_squeeze %dma_start3A_152 : memref<1x8x64x64xf32, #tpu.memory_space<vmem>> -> memref<8x64x64xf32, #tpu.memory_space<vmem>>
    %dma_start3A_154 = arith.constant 0 : i32
    %dma_start3A_155 = arith.constant 0 : i32
    %dma_start3A_156 = tpu.memref_slice %dma_start3A_153[%dma_start3A_148, %dma_start3A_154, %dma_start3A_155] : memref<8x64x64xf32, #tpu.memory_space<vmem>> -> memref<1x64x64xf32, #tpu.memory_space<vmem>>
    %dma_start3A_157 = tpu.memref_squeeze %dma_start3A_156 : memref<1x64x64xf32, #tpu.memory_space<vmem>> -> memref<64x64xf32, #tpu.memory_space<vmem>>
    %dma_start3A_158 = arith.constant 0 : i32
    %dma_start3A_159 = arith.constant 0 : i32
    %dma_start3A_160 = tpu.memref_slice %arg9[%dma_start3A_145, %dma_start3A_158, %dma_start3A_159] : memref<2x8x64xi32, #tpu.memory_space<vmem>> -> memref<1x8x64xi32, #tpu.memory_space<vmem>>
    %dma_start3A_161 = tpu.memref_squeeze %dma_start3A_160 : memref<1x8x64xi32, #tpu.memory_space<vmem>> -> memref<8x64xi32, #tpu.memory_space<vmem>>
    %dma_start3A_162 = arith.constant 0 : i32
    %dma_start3A_163 = tpu.memref_slice %dma_start3A_161[%dma_start3A_146, %dma_start3A_162] : memref<8x64xi32, #tpu.memory_space<vmem>> -> memref<1x64xi32, #tpu.memory_space<vmem>>
    %dma_start3A_164 = tpu.memref_squeeze %dma_start3A_163 : memref<1x64xi32, #tpu.memory_space<vmem>> -> memref<64xi32, #tpu.memory_space<vmem>>
    %dma_start3A_165 = arith.constant 0 : i32
    %dma_start3A_166 = arith.constant 0 : i32
    %dma_start3A_167 = tpu.memref_slice %arg4[%dma_start3A_165, %dma_start3A_166] : memref<32768x64xf32, #tpu.memory_space<hbm>> -> memref<32768x64xf32, #tpu.memory_space<hbm>>
    tpu.enqueue_indirect_dma source(%dma_start3A_167 : memref<32768x64xf32, #tpu.memory_space<hbm>>) target(%dma_start3A_157 : memref<64x64xf32, #tpu.memory_space<vmem>>) offsets(%dma_start3A_164 : memref<64xi32, #tpu.memory_space<vmem>>) semaphore(%arg14 : memref<!tpu.dma_semaphore, #tpu.memory_space<semaphore_mem>>)
    %dma_start3A_168 = arith.constant 0 : i32
    %dma_start3A_169 = arith.constant 6 : i32
    %dma_start3A_170 = arith.constant 0 : i32
    %dma_start3A_171 = arith.constant 6 : i32
    %dma_start3A_172 = arith.constant 0 : i32
    %dma_start3A_173 = arith.constant 0 : i32
    %dma_start3A_174 = arith.constant 0 : i32
    %dma_start3A_175 = tpu.memref_slice %arg11[%dma_start3A_170, %dma_start3A_172, %dma_start3A_173, %dma_start3A_174] : memref<2x8x64x64xf32, #tpu.memory_space<vmem>> -> memref<1x8x64x64xf32, #tpu.memory_space<vmem>>
    %dma_start3A_176 = tpu.memref_squeeze %dma_start3A_175 : memref<1x8x64x64xf32, #tpu.memory_space<vmem>> -> memref<8x64x64xf32, #tpu.memory_space<vmem>>
    %dma_start3A_177 = arith.constant 0 : i32
    %dma_start3A_178 = arith.constant 0 : i32
    %dma_start3A_179 = tpu.memref_slice %dma_start3A_176[%dma_start3A_171, %dma_start3A_177, %dma_start3A_178] : memref<8x64x64xf32, #tpu.memory_space<vmem>> -> memref<1x64x64xf32, #tpu.memory_space<vmem>>
    %dma_start3A_180 = tpu.memref_squeeze %dma_start3A_179 : memref<1x64x64xf32, #tpu.memory_space<vmem>> -> memref<64x64xf32, #tpu.memory_space<vmem>>
    %dma_start3A_181 = arith.constant 0 : i32
    %dma_start3A_182 = arith.constant 0 : i32
    %dma_start3A_183 = tpu.memref_slice %arg9[%dma_start3A_168, %dma_start3A_181, %dma_start3A_182] : memref<2x8x64xi32, #tpu.memory_space<vmem>> -> memref<1x8x64xi32, #tpu.memory_space<vmem>>
    %dma_start3A_184 = tpu.memref_squeeze %dma_start3A_183 : memref<1x8x64xi32, #tpu.memory_space<vmem>> -> memref<8x64xi32, #tpu.memory_space<vmem>>
    %dma_start3A_185 = arith.constant 0 : i32
    %dma_start3A_186 = tpu.memref_slice %dma_start3A_184[%dma_start3A_169, %dma_start3A_185] : memref<8x64xi32, #tpu.memory_space<vmem>> -> memref<1x64xi32, #tpu.memory_space<vmem>>
    %dma_start3A_187 = tpu.memref_squeeze %dma_start3A_186 : memref<1x64xi32, #tpu.memory_space<vmem>> -> memref<64xi32, #tpu.memory_space<vmem>>
    %dma_start3A_188 = arith.constant 0 : i32
    %dma_start3A_189 = arith.constant 0 : i32
    %dma_start3A_190 = tpu.memref_slice %arg4[%dma_start3A_188, %dma_start3A_189] : memref<32768x64xf32, #tpu.memory_space<hbm>> -> memref<32768x64xf32, #tpu.memory_space<hbm>>
    tpu.enqueue_indirect_dma source(%dma_start3A_190 : memref<32768x64xf32, #tpu.memory_space<hbm>>) target(%dma_start3A_180 : memref<64x64xf32, #tpu.memory_space<vmem>>) offsets(%dma_start3A_187 : memref<64xi32, #tpu.memory_space<vmem>>) semaphore(%arg14 : memref<!tpu.dma_semaphore, #tpu.memory_space<semaphore_mem>>)
    %dma_start3A_191 = arith.constant 0 : i32
    %dma_start3A_192 = arith.constant 7 : i32
    %dma_start3A_193 = arith.constant 0 : i32
    %dma_start3A_194 = arith.constant 7 : i32
    %dma_start3A_195 = arith.constant 0 : i32
    %dma_start3A_196 = arith.constant 0 : i32
    %dma_start3A_197 = arith.constant 0 : i32
    %dma_start3A_198 = tpu.memref_slice %arg11[%dma_start3A_193, %dma_start3A_195, %dma_start3A_196, %dma_start3A_197] : memref<2x8x64x64xf32, #tpu.memory_space<vmem>> -> memref<1x8x64x64xf32, #tpu.memory_space<vmem>>
    %dma_start3A_199 = tpu.memref_squeeze %dma_start3A_198 : memref<1x8x64x64xf32, #tpu.memory_space<vmem>> -> memref<8x64x64xf32, #tpu.memory_space<vmem>>
    %dma_start3A_200 = arith.constant 0 : i32
    %dma_start3A_201 = arith.constant 0 : i32
    %dma_start3A_202 = tpu.memref_slice %dma_start3A_199[%dma_start3A_194, %dma_start3A_200, %dma_start3A_201] : memref<8x64x64xf32, #tpu.memory_space<vmem>> -> memref<1x64x64xf32, #tpu.memory_space<vmem>>
    %dma_start3A_203 = tpu.memref_squeeze %dma_start3A_202 : memref<1x64x64xf32, #tpu.memory_space<vmem>> -> memref<64x64xf32, #tpu.memory_space<vmem>>
    %dma_start3A_204 = arith.constant 0 : i32
    %dma_start3A_205 = arith.constant 0 : i32
    %dma_start3A_206 = tpu.memref_slice %arg9[%dma_start3A_191, %dma_start3A_204, %dma_start3A_205] : memref<2x8x64xi32, #tpu.memory_space<vmem>> -> memref<1x8x64xi32, #tpu.memory_space<vmem>>
    %dma_start3A_207 = tpu.memref_squeeze %dma_start3A_206 : memref<1x8x64xi32, #tpu.memory_space<vmem>> -> memref<8x64xi32, #tpu.memory_space<vmem>>
    %dma_start3A_208 = arith.constant 0 : i32
    %dma_start3A_209 = tpu.memref_slice %dma_start3A_207[%dma_start3A_192, %dma_start3A_208] : memref<8x64xi32, #tpu.memory_space<vmem>> -> memref<1x64xi32, #tpu.memory_space<vmem>>
    %dma_start3A_210 = tpu.memref_squeeze %dma_start3A_209 : memref<1x64xi32, #tpu.memory_space<vmem>> -> memref<64xi32, #tpu.memory_space<vmem>>
    %dma_start3A_211 = arith.constant 0 : i32
    %dma_start3A_212 = arith.constant 0 : i32
    %dma_start3A_213 = tpu.memref_slice %arg4[%dma_start3A_211, %dma_start3A_212] : memref<32768x64xf32, #tpu.memory_space<hbm>> -> memref<32768x64xf32, #tpu.memory_space<hbm>>
    tpu.enqueue_indirect_dma source(%dma_start3A_213 : memref<32768x64xf32, #tpu.memory_space<hbm>>) target(%dma_start3A_203 : memref<64x64xf32, #tpu.memory_space<vmem>>) offsets(%dma_start3A_210 : memref<64xi32, #tpu.memory_space<vmem>>) semaphore(%arg14 : memref<!tpu.dma_semaphore, #tpu.memory_space<semaphore_mem>>)
    %add3A_214 = arith.constant 64 : i32
    %add3A_215 = arith.addi %mul3A_2, %add3A_214 : i32
    %run_scoped3A_216 = arith.constant 1 : i32
    "tpu.region"() ({
      %run_scoped3A_259 = tpu.sem_alloc : memref<!tpu.dma_semaphore, #tpu.memory_space<semaphore_mem>>
      %dma_start3A_260 = arith.constant 0 : i32
      %dma_start3A_261 = tpu.memref_slice %arg6[%run_scoped3A_216, %dma_start3A_260] : memref<2x64xi32, #tpu.memory_space<vmem>> -> memref<1x64xi32, #tpu.memory_space<vmem>>
      %dma_start3A_262 = tpu.memref_squeeze %dma_start3A_261 : memref<1x64xi32, #tpu.memory_space<vmem>> -> memref<64xi32, #tpu.memory_space<vmem>>
      %dma_start3A_263 = tpu.memref_slice %arg2[%add3A_215] : memref<204800xi32, #tpu.memory_space<hbm>> -> memref<64xi32, #tpu.memory_space<hbm>>
      %dma_start3A_264 = arith.constant 0 : i32
      %dma_start3A_265 = tpu.memref_slice %arg6[%run_scoped3A_216, %dma_start3A_264] : memref<2x64xi32, #tpu.memory_space<vmem>> -> memref<1x64xi32, #tpu.memory_space<vmem>>
      %dma_start3A_266 = tpu.memref_squeeze %dma_start3A_265 : memref<1x64xi32, #tpu.memory_space<vmem>> -> memref<64xi32, #tpu.memory_space<vmem>>
      %dma_start3A_267 = tpu.memref_slice %arg2[%add3A_215] : memref<204800xi32, #tpu.memory_space<hbm>> -> memref<64xi32, #tpu.memory_space<hbm>>
      tpu.enqueue_dma source(%dma_start3A_267 : memref<64xi32, #tpu.memory_space<hbm>>) target(%dma_start3A_266 : memref<64xi32, #tpu.memory_space<vmem>>) target_semaphore(%run_scoped3A_259 : memref<!tpu.dma_semaphore, #tpu.memory_space<semaphore_mem>>)
      %dma_wait3A_268 = arith.constant 0 : i32
      %dma_wait3A_269 = tpu.memref_slice %arg6[%run_scoped3A_216, %dma_wait3A_268] : memref<2x64xi32, #tpu.memory_space<vmem>> -> memref<1x64xi32, #tpu.memory_space<vmem>>
      %dma_wait3A_270 = tpu.memref_squeeze %dma_wait3A_269 : memref<1x64xi32, #tpu.memory_space<vmem>> -> memref<64xi32, #tpu.memory_space<vmem>>
      %dma_wait3A_271 = tpu.memref_slice %arg2[%add3A_215] : memref<204800xi32, #tpu.memory_space<hbm>> -> memref<64xi32, #tpu.memory_space<hbm>>
      %dma_wait3A_272 = arith.constant 0 : i32
      %dma_wait3A_273 = tpu.memref_slice %arg6[%run_scoped3A_216, %dma_wait3A_272] : memref<2x64xi32, #tpu.memory_space<vmem>> -> memref<1x64xi32, #tpu.memory_space<vmem>>
      %dma_wait3A_274 = tpu.memref_squeeze %dma_wait3A_273 : memref<1x64xi32, #tpu.memory_space<vmem>> -> memref<64xi32, #tpu.memory_space<vmem>>
      %dma_wait3A_275 = tpu.memref_slice %arg2[%add3A_215] : memref<204800xi32, #tpu.memory_space<hbm>> -> memref<64xi32, #tpu.memory_space<hbm>>
      tpu.wait_dma2 semaphore(%run_scoped3A_259 : memref<!tpu.dma_semaphore, #tpu.memory_space<semaphore_mem>>) src(%dma_wait3A_275 : memref<64xi32, #tpu.memory_space<hbm>>) dst(%dma_wait3A_274 : memref<64xi32, #tpu.memory_space<vmem>>)
      tpu.yield
    }) : () -> ()
    %dma_start3A_217 = arith.constant 1 : i32
    %dma_start3A_218 = arith.constant 0 : i32
    %dma_start3A_219 = tpu.memref_slice %arg6[%dma_start3A_217, %dma_start3A_218] : memref<2x64xi32, #tpu.memory_space<vmem>> -> memref<1x64xi32, #tpu.memory_space<vmem>>
    %dma_start3A_220 = tpu.memref_squeeze %dma_start3A_219 : memref<1x64xi32, #tpu.memory_space<vmem>> -> memref<64xi32, #tpu.memory_space<vmem>>
    %dma_start3A_221 = arith.constant 0 : i32
    %dma_start3A_222 = arith.constant 0 : i32
    %dma_start3A_223 = tpu.memref_slice %arg3[%dma_start3A_221, %dma_start3A_222] : memref<1000000x8xi32, #tpu.memory_space<hbm>> -> memref<1000000x8xi32, #tpu.memory_space<hbm>>
    tpu.enqueue_indirect_dma source(%dma_start3A_223 : memref<1000000x8xi32, #tpu.memory_space<hbm>>) target(%arg8 : memref<64x8xi32, #tpu.memory_space<vmem>>) offsets(%dma_start3A_220 : memref<64xi32, #tpu.memory_space<vmem>>) semaphore(%arg13 : memref<!tpu.dma_semaphore, #tpu.memory_space<semaphore_mem>>)
    %scan3A_224 = arith.constant 0 : i32
    %scan3A_225 = arith.constant 0 : i32
    %scan3A_226 = arith.constant 50 : i32
    %scan3A_227 = arith.addi %scan3A_225, %scan3A_226 : i32
    %scan3A_228 = arith.constant 1 : i32
    %scan3A_229 = scf.for %scan3A_259 = %scan3A_225 to %scan3A_227 step %scan3A_228 iter_args(%scan3A_260 = %scan3A_224) -> (i32)  : i32 {
      %mul3A_261 = arith.constant 2 : i32
      %mul3A_262 = arith.muli %mul3A_261, %scan3A_259 : i32
      %add3A_263 = arith.constant 0 : i32
      %add3A_264 = arith.addi %mul3A_262, %add3A_263 : i32
      %add3A_265 = arith.constant 1 : i32
      %add3A_266 = arith.addi %add3A_264, %add3A_265 : i32
      %lt3A = arith.constant 100 : i32
      %lt3A_267 = arith.cmpi slt, %add3A_266, %lt3A : i32
      %convert_element_type3A = arith.extui %lt3A_267 : i1 to i32
      %cond3A = arith.constant 0 : i32
      %cond3A_268 = arith.cmpi ne, %convert_element_type3A, %cond3A : i32
      scf.if %cond3A_268 {
        %dma_wait3A_750 = arith.constant 1 : i32
        %dma_wait3A_751 = arith.constant 0 : i32
        %dma_wait3A_752 = tpu.memref_slice %arg6[%dma_wait3A_750, %dma_wait3A_751] : memref<2x64xi32, #tpu.memory_space<vmem>> -> memref<1x64xi32, #tpu.memory_space<vmem>>
        %dma_wait3A_753 = tpu.memref_squeeze %dma_wait3A_752 : memref<1x64xi32, #tpu.memory_space<vmem>> -> memref<64xi32, #tpu.memory_space<vmem>>
        %dma_wait3A_754 = arith.constant 0 : i32
        %dma_wait3A_755 = arith.constant 0 : i32
        %dma_wait3A_756 = tpu.memref_slice %arg3[%dma_wait3A_754, %dma_wait3A_755] : memref<1000000x8xi32, #tpu.memory_space<hbm>> -> memref<1000000x8xi32, #tpu.memory_space<hbm>>
        tpu.wait_indirect_dma semaphore(%arg13 : memref<!tpu.dma_semaphore, #tpu.memory_space<semaphore_mem>>) src(%dma_wait3A_756 : memref<1000000x8xi32, #tpu.memory_space<hbm>>) dst(%arg8 : memref<64x8xi32, #tpu.memory_space<vmem>>)
        %scan3A_757 = arith.constant 0 : i32
        %scan3A_758 = arith.constant 0 : i32
        %scan3A_759 = arith.constant 32 : i32
        %scan3A_760 = arith.addi %scan3A_758, %scan3A_759 : i32
        %scan3A_761 = arith.constant 1 : i32
        %scan3A_762 = scf.for %scan3A_948 = %scan3A_758 to %scan3A_760 step %scan3A_761 iter_args(%scan3A_949 = %scan3A_757) -> (i32)  : i32 {
          %iota3A = tpu.iota {dimensions = array<i32: 0>} : vector<16xi32>
          %jit3A = arith.constant 4 : i32
          %div3A = arith.divsi %scan3A_948, %jit3A : i32
          %sign3A = arith.constant 0 : i32
          %sign3A_950 = arith.cmpi sgt, %scan3A_948, %sign3A : i32
          %sign3A_951 = arith.extui %sign3A_950 : i1 to i32
          %sign3A_952 = arith.constant 0 : i32
          %sign3A_953 = arith.cmpi slt, %scan3A_948, %sign3A_952 : i32
          %sign3A_954 = arith.extui %sign3A_953 : i1 to i32
          %sign3A_955 = arith.subi %sign3A_951, %sign3A_954 : i32
          %sign3A_956 = arith.constant 0 : i32
          %sign3A_957 = arith.cmpi sgt, %jit3A, %sign3A_956 : i32
          %sign3A_958 = arith.extui %sign3A_957 : i1 to i32
          %sign3A_959 = arith.constant 0 : i32
          %sign3A_960 = arith.cmpi slt, %jit3A, %sign3A_959 : i32
          %sign3A_961 = arith.extui %sign3A_960 : i1 to i32
          %sign3A_962 = arith.subi %sign3A_958, %sign3A_961 : i32
          %ne3A = arith.cmpi ne, %sign3A_955, %sign3A_962 : i32
          %rem3A = arith.remsi %scan3A_948, %jit3A : i32
          %ne3A_963 = arith.constant 0 : i32
          %ne3A_964 = arith.cmpi ne, %rem3A, %ne3A_963 : i32
          %and3A = arith.andi %ne3A, %ne3A_964 : i1
          %sub3A = arith.constant 1 : i32
          %sub3A_965 = arith.subi %div3A, %sub3A : i32
          %select_n3A = arith.select %and3A, %sub3A_965, %div3A : i32
          %jit3A_966 = arith.constant 4 : i32
          %eq3A = arith.constant 0 : i32
          %eq3A_967 = arith.cmpi eq, %jit3A_966, %eq3A : i32
          %jit3A_968 = arith.constant 1 : i32
          %select_n3A_969 = arith.select %eq3A_967, %jit3A_968, %jit3A_966 : i32
          %rem3A_970 = arith.remsi %scan3A_948, %select_n3A_969 : i32
          %ne3A_971 = arith.constant 0 : i32
          %ne3A_972 = arith.cmpi ne, %rem3A_970, %ne3A_971 : i32
          %lt3A_973 = arith.constant 0 : i32
          %lt3A_974 = arith.cmpi slt, %rem3A_970, %lt3A_973 : i32
          %lt3A_975 = arith.constant 0 : i32
          %lt3A_976 = arith.cmpi slt, %select_n3A_969, %lt3A_975 : i32
          %ne3A_977 = arith.xori %lt3A_974, %lt3A_976 : i1
          %and3A_978 = arith.andi %ne3A_977, %ne3A_972 : i1
          %add3A_979 = arith.addi %rem3A_970, %select_n3A_969 : i32
          %select_n3A_980 = arith.select %and3A_978, %add3A_979, %rem3A_970 : i32
          %mul3A_981 = arith.constant 16 : i32
          %mul3A_982 = arith.muli %select_n3A_980, %mul3A_981 : i32
          %add3A_983 = vector.broadcast %mul3A_982 : i32 to vector<16xi32>
          %add3A_984 = arith.addi %add3A_983, %iota3A : vector<16xi32>
          %broadcast_in_dim3A = arith.constant 0 : i32
          %broadcast_in_dim3A_985 = vector.broadcast %broadcast_in_dim3A : i32 to vector<16xi32>
          %add3A_986 = vector.broadcast %select_n3A : i32 to vector<16xi32>
          %add3A_987 = arith.addi %broadcast_in_dim3A_985, %add3A_986 : vector<16xi32>
          %gather3A = tpu.vector_load_idx %arg8[%add3A_984, %add3A_987] : memref<64x8xi32, #tpu.memory_space<vmem>>[vector<16xi32>, vector<16xi32>], vector<16xi32>,
          %jit3A_988 = arith.constant 4 : i32
          %eq3A_989 = arith.constant 0 : i32
          %eq3A_990 = arith.cmpi eq, %jit3A_988, %eq3A_989 : i32
          %jit3A_991 = arith.constant 1 : i32
          %select_n3A_992 = arith.select %eq3A_990, %jit3A_991, %jit3A_988 : i32
          %rem3A_993 = arith.remsi %scan3A_948, %select_n3A_992 : i32
          %ne3A_994 = arith.constant 0 : i32
          %ne3A_995 = arith.cmpi ne, %rem3A_993, %ne3A_994 : i32
          %lt3A_996 = arith.constant 0 : i32
          %lt3A_997 = arith.cmpi slt, %rem3A_993, %lt3A_996 : i32
          %lt3A_998 = arith.constant 0 : i32
          %lt3A_999 = arith.cmpi slt, %select_n3A_992, %lt3A_998 : i32
          %ne3A_1000 = arith.xori %lt3A_997, %lt3A_999 : i1
          %and3A_1001 = arith.andi %ne3A_1000, %ne3A_995 : i1
          %add3A_1002 = arith.addi %rem3A_993, %select_n3A_992 : i32
          %select_n3A_1003 = arith.select %and3A_1001, %add3A_1002, %rem3A_993 : i32
          %mul3A_1004 = arith.constant 16 : i32
          %mul3A_1005 = arith.muli %select_n3A_1003, %mul3A_1004 : i32
          %swap3A = arith.constant 1 : i32
          %swap3A_1006 = arith.index_cast %swap3A : i32 to index
          %swap3A_1007 = arith.index_cast %select_n3A : i32 to index
          %swap3A_1008 = arith.index_cast %mul3A_1005 : i32 to index
          %swap3A_1009 = tpu.vector_load %arg9[%swap3A_1006, %swap3A_1007, %swap3A_1008] {strides = array<i32>} : memref<2x8x64xi32, #tpu.memory_space<vmem>>, vector<16xi32>,
          tpu.vector_store %arg9[%swap3A_1006, %swap3A_1007, %swap3A_1008], %gather3A {strides = array<i32>} : memref<2x8x64xi32, #tpu.memory_space<vmem>>, vector<16xi32>,
          %scan3A_1010 = arith.constant 0 : i32
          scf.yield %scan3A_1010 : i32
        }
        %scan3A_763 = arith.constant 32 : i32
        %dma_start3A_764 = arith.constant 1 : i32
        %dma_start3A_765 = arith.constant 0 : i32
        %dma_start3A_766 = arith.constant 1 : i32
        %dma_start3A_767 = arith.constant 0 : i32
        %dma_start3A_768 = arith.constant 0 : i32
        %dma_start3A_769 = arith.constant 0 : i32
        %dma_start3A_770 = arith.constant 0 : i32
        %dma_start3A_771 = tpu.memref_slice %arg11[%dma_start3A_766, %dma_start3A_768, %dma_start3A_769, %dma_start3A_770] : memref<2x8x64x64xf32, #tpu.memory_space<vmem>> -> memref<1x8x64x64xf32, #tpu.memory_space<vmem>>
        %dma_start3A_772 = tpu.memref_squeeze %dma_start3A_771 : memref<1x8x64x64xf32, #tpu.memory_space<vmem>> -> memref<8x64x64xf32, #tpu.memory_space<vmem>>
        %dma_start3A_773 = arith.constant 0 : i32
        %dma_start3A_774 = arith.constant 0 : i32
        %dma_start3A_775 = tpu.memref_slice %dma_start3A_772[%dma_start3A_767, %dma_start3A_773, %dma_start3A_774] : memref<8x64x64xf32, #tpu.memory_space<vmem>> -> memref<1x64x64xf32, #tpu.memory_space<vmem>>
        %dma_start3A_776 = tpu.memref_squeeze %dma_start3A_775 : memref<1x64x64xf32, #tpu.memory_space<vmem>> -> memref<64x64xf32, #tpu.memory_space<vmem>>
        %dma_start3A_777 = arith.constant 0 : i32
        %dma_start3A_778 = arith.constant 0 : i32
        %dma_start3A_779 = tpu.memref_slice %arg9[%dma_start3A_764, %dma_start3A_777, %dma_start3A_778] : memref<2x8x64xi32, #tpu.memory_space<vmem>> -> memref<1x8x64xi32, #tpu.memory_space<vmem>>
        %dma_start3A_780 = tpu.memref_squeeze %dma_start3A_779 : memref<1x8x64xi32, #tpu.memory_space<vmem>> -> memref<8x64xi32, #tpu.memory_space<vmem>>
        %dma_start3A_781 = arith.constant 0 : i32
        %dma_start3A_782 = tpu.memref_slice %dma_start3A_780[%dma_start3A_765, %dma_start3A_781] : memref<8x64xi32, #tpu.memory_space<vmem>> -> memref<1x64xi32, #tpu.memory_space<vmem>>
        %dma_start3A_783 = tpu.memref_squeeze %dma_start3A_782 : memref<1x64xi32, #tpu.memory_space<vmem>> -> memref<64xi32, #tpu.memory_space<vmem>>
        %dma_start3A_784 = arith.constant 0 : i32
        %dma_start3A_785 = arith.constant 0 : i32
        %dma_start3A_786 = tpu.memref_slice %arg4[%dma_start3A_784, %dma_start3A_785] : memref<32768x64xf32, #tpu.memory_space<hbm>> -> memref<32768x64xf32, #tpu.memory_space<hbm>>
        tpu.enqueue_indirect_dma source(%dma_start3A_786 : memref<32768x64xf32, #tpu.memory_space<hbm>>) target(%dma_start3A_776 : memref<64x64xf32, #tpu.memory_space<vmem>>) offsets(%dma_start3A_783 : memref<64xi32, #tpu.memory_space<vmem>>) semaphore(%arg15 : memref<!tpu.dma_semaphore, #tpu.memory_space<semaphore_mem>>)
        %dma_start3A_787 = arith.constant 1 : i32
        %dma_start3A_788 = arith.constant 1 : i32
        %dma_start3A_789 = arith.constant 1 : i32
        %dma_start3A_790 = arith.constant 1 : i32
        %dma_start3A_791 = arith.constant 0 : i32
        %dma_start3A_792 = arith.constant 0 : i32
        %dma_start3A_793 = arith.constant 0 : i32
        %dma_start3A_794 = tpu.memref_slice %arg11[%dma_start3A_789, %dma_start3A_791, %dma_start3A_792, %dma_start3A_793] : memref<2x8x64x64xf32, #tpu.memory_space<vmem>> -> memref<1x8x64x64xf32, #tpu.memory_space<vmem>>
        %dma_start3A_795 = tpu.memref_squeeze %dma_start3A_794 : memref<1x8x64x64xf32, #tpu.memory_space<vmem>> -> memref<8x64x64xf32, #tpu.memory_space<vmem>>
        %dma_start3A_796 = arith.constant 0 : i32
        %dma_start3A_797 = arith.constant 0 : i32
        %dma_start3A_798 = tpu.memref_slice %dma_start3A_795[%dma_start3A_790, %dma_start3A_796, %dma_start3A_797] : memref<8x64x64xf32, #tpu.memory_space<vmem>> -> memref<1x64x64xf32, #tpu.memory_space<vmem>>
        %dma_start3A_799 = tpu.memref_squeeze %dma_start3A_798 : memref<1x64x64xf32, #tpu.memory_space<vmem>> -> memref<64x64xf32, #tpu.memory_space<vmem>>
        %dma_start3A_800 = arith.constant 0 : i32
        %dma_start3A_801 = arith.constant 0 : i32
        %dma_start3A_802 = tpu.memref_slice %arg9[%dma_start3A_787, %dma_start3A_800, %dma_start3A_801] : memref<2x8x64xi32, #tpu.memory_space<vmem>> -> memref<1x8x64xi32, #tpu.memory_space<vmem>>
        %dma_start3A_803 = tpu.memref_squeeze %dma_start3A_802 : memref<1x8x64xi32, #tpu.memory_space<vmem>> -> memref<8x64xi32, #tpu.memory_space<vmem>>
        %dma_start3A_804 = arith.constant 0 : i32
        %dma_start3A_805 = tpu.memref_slice %dma_start3A_803[%dma_start3A_788, %dma_start3A_804] : memref<8x64xi32, #tpu.memory_space<vmem>> -> memref<1x64xi32, #tpu.memory_space<vmem>>
        %dma_start3A_806 = tpu.memref_squeeze %dma_start3A_805 : memref<1x64xi32, #tpu.memory_space<vmem>> -> memref<64xi32, #tpu.memory_space<vmem>>
        %dma_start3A_807 = arith.constant 0 : i32
        %dma_start3A_808 = arith.constant 0 : i32
        %dma_start3A_809 = tpu.memref_slice %arg4[%dma_start3A_807, %dma_start3A_808] : memref<32768x64xf32, #tpu.memory_space<hbm>> -> memref<32768x64xf32, #tpu.memory_space<hbm>>
        tpu.enqueue_indirect_dma source(%dma_start3A_809 : memref<32768x64xf32, #tpu.memory_space<hbm>>) target(%dma_start3A_799 : memref<64x64xf32, #tpu.memory_space<vmem>>) offsets(%dma_start3A_806 : memref<64xi32, #tpu.memory_space<vmem>>) semaphore(%arg15 : memref<!tpu.dma_semaphore, #tpu.memory_space<semaphore_mem>>)
        %dma_start3A_810 = arith.constant 1 : i32
        %dma_start3A_811 = arith.constant 2 : i32
        %dma_start3A_812 = arith.constant 1 : i32
        %dma_start3A_813 = arith.constant 2 : i32
        %dma_start3A_814 = arith.constant 0 : i32
        %dma_start3A_815 = arith.constant 0 : i32
        %dma_start3A_816 = arith.constant 0 : i32
        %dma_start3A_817 = tpu.memref_slice %arg11[%dma_start3A_812, %dma_start3A_814, %dma_start3A_815, %dma_start3A_816] : memref<2x8x64x64xf32, #tpu.memory_space<vmem>> -> memref<1x8x64x64xf32, #tpu.memory_space<vmem>>
        %dma_start3A_818 = tpu.memref_squeeze %dma_start3A_817 : memref<1x8x64x64xf32, #tpu.memory_space<vmem>> -> memref<8x64x64xf32, #tpu.memory_space<vmem>>
        %dma_start3A_819 = arith.constant 0 : i32
        %dma_start3A_820 = arith.constant 0 : i32
        %dma_start3A_821 = tpu.memref_slice %dma_start3A_818[%dma_start3A_813, %dma_start3A_819, %dma_start3A_820] : memref<8x64x64xf32, #tpu.memory_space<vmem>> -> memref<1x64x64xf32, #tpu.memory_space<vmem>>
        %dma_start3A_822 = tpu.memref_squeeze %dma_start3A_821 : memref<1x64x64xf32, #tpu.memory_space<vmem>> -> memref<64x64xf32, #tpu.memory_space<vmem>>
        %dma_start3A_823 = arith.constant 0 : i32
        %dma_start3A_824 = arith.constant 0 : i32
        %dma_start3A_825 = tpu.memref_slice %arg9[%dma_start3A_810, %dma_start3A_823, %dma_start3A_824] : memref<2x8x64xi32, #tpu.memory_space<vmem>> -> memref<1x8x64xi32, #tpu.memory_space<vmem>>
        %dma_start3A_826 = tpu.memref_squeeze %dma_start3A_825 : memref<1x8x64xi32, #tpu.memory_space<vmem>> -> memref<8x64xi32, #tpu.memory_space<vmem>>
        %dma_start3A_827 = arith.constant 0 : i32
        %dma_start3A_828 = tpu.memref_slice %dma_start3A_826[%dma_start3A_811, %dma_start3A_827] : memref<8x64xi32, #tpu.memory_space<vmem>> -> memref<1x64xi32, #tpu.memory_space<vmem>>
        %dma_start3A_829 = tpu.memref_squeeze %dma_start3A_828 : memref<1x64xi32, #tpu.memory_space<vmem>> -> memref<64xi32, #tpu.memory_space<vmem>>
        %dma_start3A_830 = arith.constant 0 : i32
        %dma_start3A_831 = arith.constant 0 : i32
        %dma_start3A_832 = tpu.memref_slice %arg4[%dma_start3A_830, %dma_start3A_831] : memref<32768x64xf32, #tpu.memory_space<hbm>> -> memref<32768x64xf32, #tpu.memory_space<hbm>>
        tpu.enqueue_indirect_dma source(%dma_start3A_832 : memref<32768x64xf32, #tpu.memory_space<hbm>>) target(%dma_start3A_822 : memref<64x64xf32, #tpu.memory_space<vmem>>) offsets(%dma_start3A_829 : memref<64xi32, #tpu.memory_space<vmem>>) semaphore(%arg15 : memref<!tpu.dma_semaphore, #tpu.memory_space<semaphore_mem>>)
        %dma_start3A_833 = arith.constant 1 : i32
        %dma_start3A_834 = arith.constant 3 : i32
        %dma_start3A_835 = arith.constant 1 : i32
        %dma_start3A_836 = arith.constant 3 : i32
        %dma_start3A_837 = arith.constant 0 : i32
        %dma_start3A_838 = arith.constant 0 : i32
        %dma_start3A_839 = arith.constant 0 : i32
        %dma_start3A_840 = tpu.memref_slice %arg11[%dma_start3A_835, %dma_start3A_837, %dma_start3A_838, %dma_start3A_839] : memref<2x8x64x64xf32, #tpu.memory_space<vmem>> -> memref<1x8x64x64xf32, #tpu.memory_space<vmem>>
        %dma_start3A_841 = tpu.memref_squeeze %dma_start3A_840 : memref<1x8x64x64xf32, #tpu.memory_space<vmem>> -> memref<8x64x64xf32, #tpu.memory_space<vmem>>
        %dma_start3A_842 = arith.constant 0 : i32
        %dma_start3A_843 = arith.constant 0 : i32
        %dma_start3A_844 = tpu.memref_slice %dma_start3A_841[%dma_start3A_836, %dma_start3A_842, %dma_start3A_843] : memref<8x64x64xf32, #tpu.memory_space<vmem>> -> memref<1x64x64xf32, #tpu.memory_space<vmem>>
        %dma_start3A_845 = tpu.memref_squeeze %dma_start3A_844 : memref<1x64x64xf32, #tpu.memory_space<vmem>> -> memref<64x64xf32, #tpu.memory_space<vmem>>
        %dma_start3A_846 = arith.constant 0 : i32
        %dma_start3A_847 = arith.constant 0 : i32
        %dma_start3A_848 = tpu.memref_slice %arg9[%dma_start3A_833, %dma_start3A_846, %dma_start3A_847] : memref<2x8x64xi32, #tpu.memory_space<vmem>> -> memref<1x8x64xi32, #tpu.memory_space<vmem>>
        %dma_start3A_849 = tpu.memref_squeeze %dma_start3A_848 : memref<1x8x64xi32, #tpu.memory_space<vmem>> -> memref<8x64xi32, #tpu.memory_space<vmem>>
        %dma_start3A_850 = arith.constant 0 : i32
        %dma_start3A_851 = tpu.memref_slice %dma_start3A_849[%dma_start3A_834, %dma_start3A_850] : memref<8x64xi32, #tpu.memory_space<vmem>> -> memref<1x64xi32, #tpu.memory_space<vmem>>
        %dma_start3A_852 = tpu.memref_squeeze %dma_start3A_851 : memref<1x64xi32, #tpu.memory_space<vmem>> -> memref<64xi32, #tpu.memory_space<vmem>>
        %dma_start3A_853 = arith.constant 0 : i32
        %dma_start3A_854 = arith.constant 0 : i32
        %dma_start3A_855 = tpu.memref_slice %arg4[%dma_start3A_853, %dma_start3A_854] : memref<32768x64xf32, #tpu.memory_space<hbm>> -> memref<32768x64xf32, #tpu.memory_space<hbm>>
        tpu.enqueue_indirect_dma source(%dma_start3A_855 : memref<32768x64xf32, #tpu.memory_space<hbm>>) target(%dma_start3A_845 : memref<64x64xf32, #tpu.memory_space<vmem>>) offsets(%dma_start3A_852 : memref<64xi32, #tpu.memory_space<vmem>>) semaphore(%arg15 : memref<!tpu.dma_semaphore, #tpu.memory_space<semaphore_mem>>)
        %dma_start3A_856 = arith.constant 1 : i32
        %dma_start3A_857 = arith.constant 4 : i32
        %dma_start3A_858 = arith.constant 1 : i32
        %dma_start3A_859 = arith.constant 4 : i32
        %dma_start3A_860 = arith.constant 0 : i32
        %dma_start3A_861 = arith.constant 0 : i32
        %dma_start3A_862 = arith.constant 0 : i32
        %dma_start3A_863 = tpu.memref_slice %arg11[%dma_start3A_858, %dma_start3A_860, %dma_start3A_861, %dma_start3A_862] : memref<2x8x64x64xf32, #tpu.memory_space<vmem>> -> memref<1x8x64x64xf32, #tpu.memory_space<vmem>>
        %dma_start3A_864 = tpu.memref_squeeze %dma_start3A_863 : memref<1x8x64x64xf32, #tpu.memory_space<vmem>> -> memref<8x64x64xf32, #tpu.memory_space<vmem>>
        %dma_start3A_865 = arith.constant 0 : i32
        %dma_start3A_866 = arith.constant 0 : i32
        %dma_start3A_867 = tpu.memref_slice %dma_start3A_864[%dma_start3A_859, %dma_start3A_865, %dma_start3A_866] : memref<8x64x64xf32, #tpu.memory_space<vmem>> -> memref<1x64x64xf32, #tpu.memory_space<vmem>>
        %dma_start3A_868 = tpu.memref_squeeze %dma_start3A_867 : memref<1x64x64xf32, #tpu.memory_space<vmem>> -> memref<64x64xf32, #tpu.memory_space<vmem>>
        %dma_start3A_869 = arith.constant 0 : i32
        %dma_start3A_870 = arith.constant 0 : i32
        %dma_start3A_871 = tpu.memref_slice %arg9[%dma_start3A_856, %dma_start3A_869, %dma_start3A_870] : memref<2x8x64xi32, #tpu.memory_space<vmem>> -> memref<1x8x64xi32, #tpu.memory_space<vmem>>
        %dma_start3A_872 = tpu.memref_squeeze %dma_start3A_871 : memref<1x8x64xi32, #tpu.memory_space<vmem>> -> memref<8x64xi32, #tpu.memory_space<vmem>>
        %dma_start3A_873 = arith.constant 0 : i32
        %dma_start3A_874 = tpu.memref_slice %dma_start3A_872[%dma_start3A_857, %dma_start3A_873] : memref<8x64xi32, #tpu.memory_space<vmem>> -> memref<1x64xi32, #tpu.memory_space<vmem>>
        %dma_start3A_875 = tpu.memref_squeeze %dma_start3A_874 : memref<1x64xi32, #tpu.memory_space<vmem>> -> memref<64xi32, #tpu.memory_space<vmem>>
        %dma_start3A_876 = arith.constant 0 : i32
        %dma_start3A_877 = arith.constant 0 : i32
        %dma_start3A_878 = tpu.memref_slice %arg4[%dma_start3A_876, %dma_start3A_877] : memref<32768x64xf32, #tpu.memory_space<hbm>> -> memref<32768x64xf32, #tpu.memory_space<hbm>>
        tpu.enqueue_indirect_dma source(%dma_start3A_878 : memref<32768x64xf32, #tpu.memory_space<hbm>>) target(%dma_start3A_868 : memref<64x64xf32, #tpu.memory_space<vmem>>) offsets(%dma_start3A_875 : memref<64xi32, #tpu.memory_space<vmem>>) semaphore(%arg15 : memref<!tpu.dma_semaphore, #tpu.memory_space<semaphore_mem>>)
        %dma_start3A_879 = arith.constant 1 : i32
        %dma_start3A_880 = arith.constant 5 : i32
        %dma_start3A_881 = arith.constant 1 : i32
        %dma_start3A_882 = arith.constant 5 : i32
        %dma_start3A_883 = arith.constant 0 : i32
        %dma_start3A_884 = arith.constant 0 : i32
        %dma_start3A_885 = arith.constant 0 : i32
        %dma_start3A_886 = tpu.memref_slice %arg11[%dma_start3A_881, %dma_start3A_883, %dma_start3A_884, %dma_start3A_885] : memref<2x8x64x64xf32, #tpu.memory_space<vmem>> -> memref<1x8x64x64xf32, #tpu.memory_space<vmem>>
        %dma_start3A_887 = tpu.memref_squeeze %dma_start3A_886 : memref<1x8x64x64xf32, #tpu.memory_space<vmem>> -> memref<8x64x64xf32, #tpu.memory_space<vmem>>
        %dma_start3A_888 = arith.constant 0 : i32
        %dma_start3A_889 = arith.constant 0 : i32
        %dma_start3A_890 = tpu.memref_slice %dma_start3A_887[%dma_start3A_882, %dma_start3A_888, %dma_start3A_889] : memref<8x64x64xf32, #tpu.memory_space<vmem>> -> memref<1x64x64xf32, #tpu.memory_space<vmem>>
        %dma_start3A_891 = tpu.memref_squeeze %dma_start3A_890 : memref<1x64x64xf32, #tpu.memory_space<vmem>> -> memref<64x64xf32, #tpu.memory_space<vmem>>
        %dma_start3A_892 = arith.constant 0 : i32
        %dma_start3A_893 = arith.constant 0 : i32
        %dma_start3A_894 = tpu.memref_slice %arg9[%dma_start3A_879, %dma_start3A_892, %dma_start3A_893] : memref<2x8x64xi32, #tpu.memory_space<vmem>> -> memref<1x8x64xi32, #tpu.memory_space<vmem>>
        %dma_start3A_895 = tpu.memref_squeeze %dma_start3A_894 : memref<1x8x64xi32, #tpu.memory_space<vmem>> -> memref<8x64xi32, #tpu.memory_space<vmem>>
        %dma_start3A_896 = arith.constant 0 : i32
        %dma_start3A_897 = tpu.memref_slice %dma_start3A_895[%dma_start3A_880, %dma_start3A_896] : memref<8x64xi32, #tpu.memory_space<vmem>> -> memref<1x64xi32, #tpu.memory_space<vmem>>
        %dma_start3A_898 = tpu.memref_squeeze %dma_start3A_897 : memref<1x64xi32, #tpu.memory_space<vmem>> -> memref<64xi32, #tpu.memory_space<vmem>>
        %dma_start3A_899 = arith.constant 0 : i32
        %dma_start3A_900 = arith.constant 0 : i32
        %dma_start3A_901 = tpu.memref_slice %arg4[%dma_start3A_899, %dma_start3A_900] : memref<32768x64xf32, #tpu.memory_space<hbm>> -> memref<32768x64xf32, #tpu.memory_space<hbm>>
        tpu.enqueue_indirect_dma source(%dma_start3A_901 : memref<32768x64xf32, #tpu.memory_space<hbm>>) target(%dma_start3A_891 : memref<64x64xf32, #tpu.memory_space<vmem>>) offsets(%dma_start3A_898 : memref<64xi32, #tpu.memory_space<vmem>>) semaphore(%arg15 : memref<!tpu.dma_semaphore, #tpu.memory_space<semaphore_mem>>)
        %dma_start3A_902 = arith.constant 1 : i32
        %dma_start3A_903 = arith.constant 6 : i32
        %dma_start3A_904 = arith.constant 1 : i32
        %dma_start3A_905 = arith.constant 6 : i32
        %dma_start3A_906 = arith.constant 0 : i32
        %dma_start3A_907 = arith.constant 0 : i32
        %dma_start3A_908 = arith.constant 0 : i32
        %dma_start3A_909 = tpu.memref_slice %arg11[%dma_start3A_904, %dma_start3A_906, %dma_start3A_907, %dma_start3A_908] : memref<2x8x64x64xf32, #tpu.memory_space<vmem>> -> memref<1x8x64x64xf32, #tpu.memory_space<vmem>>
        %dma_start3A_910 = tpu.memref_squeeze %dma_start3A_909 : memref<1x8x64x64xf32, #tpu.memory_space<vmem>> -> memref<8x64x64xf32, #tpu.memory_space<vmem>>
        %dma_start3A_911 = arith.constant 0 : i32
        %dma_start3A_912 = arith.constant 0 : i32
        %dma_start3A_913 = tpu.memref_slice %dma_start3A_910[%dma_start3A_905, %dma_start3A_911, %dma_start3A_912] : memref<8x64x64xf32, #tpu.memory_space<vmem>> -> memref<1x64x64xf32, #tpu.memory_space<vmem>>
        %dma_start3A_914 = tpu.memref_squeeze %dma_start3A_913 : memref<1x64x64xf32, #tpu.memory_space<vmem>> -> memref<64x64xf32, #tpu.memory_space<vmem>>
        %dma_start3A_915 = arith.constant 0 : i32
        %dma_start3A_916 = arith.constant 0 : i32
        %dma_start3A_917 = tpu.memref_slice %arg9[%dma_start3A_902, %dma_start3A_915, %dma_start3A_916] : memref<2x8x64xi32, #tpu.memory_space<vmem>> -> memref<1x8x64xi32, #tpu.memory_space<vmem>>
        %dma_start3A_918 = tpu.memref_squeeze %dma_start3A_917 : memref<1x8x64xi32, #tpu.memory_space<vmem>> -> memref<8x64xi32, #tpu.memory_space<vmem>>
        %dma_start3A_919 = arith.constant 0 : i32
        %dma_start3A_920 = tpu.memref_slice %dma_start3A_918[%dma_start3A_903, %dma_start3A_919] : memref<8x64xi32, #tpu.memory_space<vmem>> -> memref<1x64xi32, #tpu.memory_space<vmem>>
        %dma_start3A_921 = tpu.memref_squeeze %dma_start3A_920 : memref<1x64xi32, #tpu.memory_space<vmem>> -> memref<64xi32, #tpu.memory_space<vmem>>
        %dma_start3A_922 = arith.constant 0 : i32
        %dma_start3A_923 = arith.constant 0 : i32
        %dma_start3A_924 = tpu.memref_slice %arg4[%dma_start3A_922, %dma_start3A_923] : memref<32768x64xf32, #tpu.memory_space<hbm>> -> memref<32768x64xf32, #tpu.memory_space<hbm>>
        tpu.enqueue_indirect_dma source(%dma_start3A_924 : memref<32768x64xf32, #tpu.memory_space<hbm>>) target(%dma_start3A_914 : memref<64x64xf32, #tpu.memory_space<vmem>>) offsets(%dma_start3A_921 : memref<64xi32, #tpu.memory_space<vmem>>) semaphore(%arg15 : memref<!tpu.dma_semaphore, #tpu.memory_space<semaphore_mem>>)
        %dma_start3A_925 = arith.constant 1 : i32
        %dma_start3A_926 = arith.constant 7 : i32
        %dma_start3A_927 = arith.constant 1 : i32
        %dma_start3A_928 = arith.constant 7 : i32
        %dma_start3A_929 = arith.constant 0 : i32
        %dma_start3A_930 = arith.constant 0 : i32
        %dma_start3A_931 = arith.constant 0 : i32
        %dma_start3A_932 = tpu.memref_slice %arg11[%dma_start3A_927, %dma_start3A_929, %dma_start3A_930, %dma_start3A_931] : memref<2x8x64x64xf32, #tpu.memory_space<vmem>> -> memref<1x8x64x64xf32, #tpu.memory_space<vmem>>
        %dma_start3A_933 = tpu.memref_squeeze %dma_start3A_932 : memref<1x8x64x64xf32, #tpu.memory_space<vmem>> -> memref<8x64x64xf32, #tpu.memory_space<vmem>>
        %dma_start3A_934 = arith.constant 0 : i32
        %dma_start3A_935 = arith.constant 0 : i32
        %dma_start3A_936 = tpu.memref_slice %dma_start3A_933[%dma_start3A_928, %dma_start3A_934, %dma_start3A_935] : memref<8x64x64xf32, #tpu.memory_space<vmem>> -> memref<1x64x64xf32, #tpu.memory_space<vmem>>
        %dma_start3A_937 = tpu.memref_squeeze %dma_start3A_936 : memref<1x64x64xf32, #tpu.memory_space<vmem>> -> memref<64x64xf32, #tpu.memory_space<vmem>>
        %dma_start3A_938 = arith.constant 0 : i32
        %dma_start3A_939 = arith.constant 0 : i32
        %dma_start3A_940 = tpu.memref_slice %arg9[%dma_start3A_925, %dma_start3A_938, %dma_start3A_939] : memref<2x8x64xi32, #tpu.memory_space<vmem>> -> memref<1x8x64xi32, #tpu.memory_space<vmem>>
        %dma_start3A_941 = tpu.memref_squeeze %dma_start3A_940 : memref<1x8x64xi32, #tpu.memory_space<vmem>> -> memref<8x64xi32, #tpu.memory_space<vmem>>
        %dma_start3A_942 = arith.constant 0 : i32
        %dma_start3A_943 = tpu.memref_slice %dma_start3A_941[%dma_start3A_926, %dma_start3A_942] : memref<8x64xi32, #tpu.memory_space<vmem>> -> memref<1x64xi32, #tpu.memory_space<vmem>>
        %dma_start3A_944 = tpu.memref_squeeze %dma_start3A_943 : memref<1x64xi32, #tpu.memory_space<vmem>> -> memref<64xi32, #tpu.memory_space<vmem>>
        %dma_start3A_945 = arith.constant 0 : i32
        %dma_start3A_946 = arith.constant 0 : i32
        %dma_start3A_947 = tpu.memref_slice %arg4[%dma_start3A_945, %dma_start3A_946] : memref<32768x64xf32, #tpu.memory_space<hbm>> -> memref<32768x64xf32, #tpu.memory_space<hbm>>
        tpu.enqueue_indirect_dma source(%dma_start3A_947 : memref<32768x64xf32, #tpu.memory_space<hbm>>) target(%dma_start3A_937 : memref<64x64xf32, #tpu.memory_space<vmem>>) offsets(%dma_start3A_944 : memref<64xi32, #tpu.memory_space<vmem>>) semaphore(%arg15 : memref<!tpu.dma_semaphore, #tpu.memory_space<semaphore_mem>>)
      } else {
      }
      %add3A_269 = arith.constant 2 : i32
      %add3A_270 = arith.addi %add3A_264, %add3A_269 : i32
      %lt3A_271 = arith.constant 100 : i32
      %lt3A_272 = arith.cmpi slt, %add3A_270, %lt3A_271 : i32
      %convert_element_type3A_273 = arith.extui %lt3A_272 : i1 to i32
      %cond3A_274 = arith.constant 0 : i32
      %cond3A_275 = arith.cmpi ne, %convert_element_type3A_273, %cond3A_274 : i32
      scf.if %cond3A_275 {
        %add3A_750 = arith.constant 2 : i32
        %add3A_751 = arith.addi %add3A_264, %add3A_750 : i32
        %mul3A_752 = arith.constant 64 : i32
        %mul3A_753 = arith.muli %add3A_751, %mul3A_752 : i32
        %add3A_754 = arith.addi %mul3A_2, %mul3A_753 : i32
        %run_scoped3A_755 = arith.constant 0 : i32
        "tpu.region"() ({
          %run_scoped3A_763 = tpu.sem_alloc : memref<!tpu.dma_semaphore, #tpu.memory_space<semaphore_mem>>
          %dma_start3A_764 = arith.constant 0 : i32
          %dma_start3A_765 = tpu.memref_slice %arg6[%run_scoped3A_755, %dma_start3A_764] : memref<2x64xi32, #tpu.memory_space<vmem>> -> memref<1x64xi32, #tpu.memory_space<vmem>>
          %dma_start3A_766 = tpu.memref_squeeze %dma_start3A_765 : memref<1x64xi32, #tpu.memory_space<vmem>> -> memref<64xi32, #tpu.memory_space<vmem>>
          %dma_start3A_767 = tpu.memref_slice %arg2[%add3A_754] : memref<204800xi32, #tpu.memory_space<hbm>> -> memref<64xi32, #tpu.memory_space<hbm>>
          %dma_start3A_768 = arith.constant 0 : i32
          %dma_start3A_769 = tpu.memref_slice %arg6[%run_scoped3A_755, %dma_start3A_768] : memref<2x64xi32, #tpu.memory_space<vmem>> -> memref<1x64xi32, #tpu.memory_space<vmem>>
          %dma_start3A_770 = tpu.memref_squeeze %dma_start3A_769 : memref<1x64xi32, #tpu.memory_space<vmem>> -> memref<64xi32, #tpu.memory_space<vmem>>
          %dma_start3A_771 = tpu.memref_slice %arg2[%add3A_754] : memref<204800xi32, #tpu.memory_space<hbm>> -> memref<64xi32, #tpu.memory_space<hbm>>
          tpu.enqueue_dma source(%dma_start3A_771 : memref<64xi32, #tpu.memory_space<hbm>>) target(%dma_start3A_770 : memref<64xi32, #tpu.memory_space<vmem>>) target_semaphore(%run_scoped3A_763 : memref<!tpu.dma_semaphore, #tpu.memory_space<semaphore_mem>>)
          %dma_wait3A_772 = arith.constant 0 : i32
          %dma_wait3A_773 = tpu.memref_slice %arg6[%run_scoped3A_755, %dma_wait3A_772] : memref<2x64xi32, #tpu.memory_space<vmem>> -> memref<1x64xi32, #tpu.memory_space<vmem>>
          %dma_wait3A_774 = tpu.memref_squeeze %dma_wait3A_773 : memref<1x64xi32, #tpu.memory_space<vmem>> -> memref<64xi32, #tpu.memory_space<vmem>>
          %dma_wait3A_775 = tpu.memref_slice %arg2[%add3A_754] : memref<204800xi32, #tpu.memory_space<hbm>> -> memref<64xi32, #tpu.memory_space<hbm>>
          %dma_wait3A_776 = arith.constant 0 : i32
          %dma_wait3A_777 = tpu.memref_slice %arg6[%run_scoped3A_755, %dma_wait3A_776] : memref<2x64xi32, #tpu.memory_space<vmem>> -> memref<1x64xi32, #tpu.memory_space<vmem>>
          %dma_wait3A_778 = tpu.memref_squeeze %dma_wait3A_777 : memref<1x64xi32, #tpu.memory_space<vmem>> -> memref<64xi32, #tpu.memory_space<vmem>>
          %dma_wait3A_779 = tpu.memref_slice %arg2[%add3A_754] : memref<204800xi32, #tpu.memory_space<hbm>> -> memref<64xi32, #tpu.memory_space<hbm>>
          tpu.wait_dma2 semaphore(%run_scoped3A_763 : memref<!tpu.dma_semaphore, #tpu.memory_space<semaphore_mem>>) src(%dma_wait3A_779 : memref<64xi32, #tpu.memory_space<hbm>>) dst(%dma_wait3A_778 : memref<64xi32, #tpu.memory_space<vmem>>)
          tpu.yield
        }) : () -> ()
        %dma_start3A_756 = arith.constant 0 : i32
        %dma_start3A_757 = arith.constant 0 : i32
        %dma_start3A_758 = tpu.memref_slice %arg6[%dma_start3A_756, %dma_start3A_757] : memref<2x64xi32, #tpu.memory_space<vmem>> -> memref<1x64xi32, #tpu.memory_space<vmem>>
        %dma_start3A_759 = tpu.memref_squeeze %dma_start3A_758 : memref<1x64xi32, #tpu.memory_space<vmem>> -> memref<64xi32, #tpu.memory_space<vmem>>
        %dma_start3A_760 = arith.constant 0 : i32
        %dma_start3A_761 = arith.constant 0 : i32
        %dma_start3A_762 = tpu.memref_slice %arg3[%dma_start3A_760, %dma_start3A_761] : memref<1000000x8xi32, #tpu.memory_space<hbm>> -> memref<1000000x8xi32, #tpu.memory_space<hbm>>
        tpu.enqueue_indirect_dma source(%dma_start3A_762 : memref<1000000x8xi32, #tpu.memory_space<hbm>>) target(%arg7 : memref<64x8xi32, #tpu.memory_space<vmem>>) offsets(%dma_start3A_759 : memref<64xi32, #tpu.memory_space<vmem>>) semaphore(%arg13 : memref<!tpu.dma_semaphore, #tpu.memory_space<semaphore_mem>>)
      } else {
      }
      %ge3A = arith.constant 2 : i32
      %ge3A_276 = arith.cmpi sge, %add3A_264, %ge3A : i32
      %convert_element_type3A_277 = arith.extui %ge3A_276 : i1 to i32
      %cond3A_278 = arith.constant 0 : i32
      %cond3A_279 = arith.cmpi ne, %convert_element_type3A_277, %cond3A_278 : i32
      scf.if %cond3A_279 {
        %add3A_750 = arith.constant 0 : i32
        %add3A_751 = arith.addi %mul3A_2, %add3A_750 : i32
        %dma_wait3A_752 = arith.constant 0 : i32
        %dma_wait3A_753 = arith.constant 0 : i32
        %dma_wait3A_754 = tpu.memref_slice %arg5[%add3A_751, %dma_wait3A_753] : memref<204800x64xf32, #tpu.memory_space<hbm>> -> memref<64x64xf32, #tpu.memory_space<hbm>>
        %dma_wait3A_755 = arith.constant 0 : i32
        %dma_wait3A_756 = arith.constant 0 : i32
        %dma_wait3A_757 = arith.constant 0 : i32
        %dma_wait3A_758 = tpu.memref_slice %arg12[%arg1, %dma_wait3A_755, %dma_wait3A_756, %dma_wait3A_757] : memref<16x2x64x64xf32, #tpu.memory_space<vmem_shared>> -> memref<1x2x64x64xf32, #tpu.memory_space<vmem_shared>>
        %dma_wait3A_759 = tpu.memref_squeeze %dma_wait3A_758 : memref<1x2x64x64xf32, #tpu.memory_space<vmem_shared>> -> memref<2x64x64xf32, #tpu.memory_space<vmem_shared>>
        %dma_wait3A_760 = arith.constant 0 : i32
        %dma_wait3A_761 = arith.constant 0 : i32
        %dma_wait3A_762 = tpu.memref_slice %dma_wait3A_759[%dma_wait3A_752, %dma_wait3A_760, %dma_wait3A_761] : memref<2x64x64xf32, #tpu.memory_space<vmem_shared>> -> memref<1x64x64xf32, #tpu.memory_space<vmem_shared>>
        %dma_wait3A_763 = tpu.memref_squeeze %dma_wait3A_762 : memref<1x64x64xf32, #tpu.memory_space<vmem_shared>> -> memref<64x64xf32, #tpu.memory_space<vmem_shared>>
        tpu.wait_dma2 semaphore(%arg16 : memref<!tpu.dma_semaphore, #tpu.memory_space<semaphore_mem>>) src(%dma_wait3A_763 : memref<64x64xf32, #tpu.memory_space<vmem_shared>>) dst(%dma_wait3A_754 : memref<64x64xf32, #tpu.memory_space<hbm>>)
      } else {
      }
      %dma_wait3A_280 = arith.constant 0 : i32
      %dma_wait3A_281 = arith.constant 0 : i32
      %dma_wait3A_282 = arith.constant 0 : i32
      %dma_wait3A_283 = arith.constant 0 : i32
      %dma_wait3A_284 = arith.constant 0 : i32
      %dma_wait3A_285 = arith.constant 0 : i32
      %dma_wait3A_286 = arith.constant 0 : i32
      %dma_wait3A_287 = tpu.memref_slice %arg11[%dma_wait3A_282, %dma_wait3A_284, %dma_wait3A_285, %dma_wait3A_286] : memref<2x8x64x64xf32, #tpu.memory_space<vmem>> -> memref<1x8x64x64xf32, #tpu.memory_space<vmem>>
      %dma_wait3A_288 = tpu.memref_squeeze %dma_wait3A_287 : memref<1x8x64x64xf32, #tpu.memory_space<vmem>> -> memref<8x64x64xf32, #tpu.memory_space<vmem>>
      %dma_wait3A_289 = arith.constant 0 : i32
      %dma_wait3A_290 = arith.constant 0 : i32
      %dma_wait3A_291 = tpu.memref_slice %dma_wait3A_288[%dma_wait3A_283, %dma_wait3A_289, %dma_wait3A_290] : memref<8x64x64xf32, #tpu.memory_space<vmem>> -> memref<1x64x64xf32, #tpu.memory_space<vmem>>
      %dma_wait3A_292 = tpu.memref_squeeze %dma_wait3A_291 : memref<1x64x64xf32, #tpu.memory_space<vmem>> -> memref<64x64xf32, #tpu.memory_space<vmem>>
      %dma_wait3A_293 = arith.constant 0 : i32
      %dma_wait3A_294 = arith.constant 0 : i32
      %dma_wait3A_295 = tpu.memref_slice %arg9[%dma_wait3A_280, %dma_wait3A_293, %dma_wait3A_294] : memref<2x8x64xi32, #tpu.memory_space<vmem>> -> memref<1x8x64xi32, #tpu.memory_space<vmem>>
      %dma_wait3A_296 = tpu.memref_squeeze %dma_wait3A_295 : memref<1x8x64xi32, #tpu.memory_space<vmem>> -> memref<8x64xi32, #tpu.memory_space<vmem>>
      %dma_wait3A_297 = arith.constant 0 : i32
      %dma_wait3A_298 = tpu.memref_slice %dma_wait3A_296[%dma_wait3A_281, %dma_wait3A_297] : memref<8x64xi32, #tpu.memory_space<vmem>> -> memref<1x64xi32, #tpu.memory_space<vmem>>
      %dma_wait3A_299 = tpu.memref_squeeze %dma_wait3A_298 : memref<1x64xi32, #tpu.memory_space<vmem>> -> memref<64xi32, #tpu.memory_space<vmem>>
      %dma_wait3A_300 = arith.constant 0 : i32
      %dma_wait3A_301 = arith.constant 0 : i32
      %dma_wait3A_302 = tpu.memref_slice %arg4[%dma_wait3A_300, %dma_wait3A_301] : memref<32768x64xf32, #tpu.memory_space<hbm>> -> memref<32768x64xf32, #tpu.memory_space<hbm>>
      tpu.wait_indirect_dma semaphore(%arg14 : memref<!tpu.dma_semaphore, #tpu.memory_space<semaphore_mem>>) src(%dma_wait3A_302 : memref<32768x64xf32, #tpu.memory_space<hbm>>) dst(%dma_wait3A_292 : memref<64x64xf32, #tpu.memory_space<vmem>>)
      %dma_wait3A_303 = arith.constant 0 : i32
      %dma_wait3A_304 = arith.constant 1 : i32
      %dma_wait3A_305 = arith.constant 0 : i32
      %dma_wait3A_306 = arith.constant 1 : i32
      %dma_wait3A_307 = arith.constant 0 : i32
      %dma_wait3A_308 = arith.constant 0 : i32
      %dma_wait3A_309 = arith.constant 0 : i32
      %dma_wait3A_310 = tpu.memref_slice %arg11[%dma_wait3A_305, %dma_wait3A_307, %dma_wait3A_308, %dma_wait3A_309] : memref<2x8x64x64xf32, #tpu.memory_space<vmem>> -> memref<1x8x64x64xf32, #tpu.memory_space<vmem>>
      %dma_wait3A_311 = tpu.memref_squeeze %dma_wait3A_310 : memref<1x8x64x64xf32, #tpu.memory_space<vmem>> -> memref<8x64x64xf32, #tpu.memory_space<vmem>>
      %dma_wait3A_312 = arith.constant 0 : i32
      %dma_wait3A_313 = arith.constant 0 : i32
      %dma_wait3A_314 = tpu.memref_slice %dma_wait3A_311[%dma_wait3A_306, %dma_wait3A_312, %dma_wait3A_313] : memref<8x64x64xf32, #tpu.memory_space<vmem>> -> memref<1x64x64xf32, #tpu.memory_space<vmem>>
      %dma_wait3A_315 = tpu.memref_squeeze %dma_wait3A_314 : memref<1x64x64xf32, #tpu.memory_space<vmem>> -> memref<64x64xf32, #tpu.memory_space<vmem>>
      %dma_wait3A_316 = arith.constant 0 : i32
      %dma_wait3A_317 = arith.constant 0 : i32
      %dma_wait3A_318 = tpu.memref_slice %arg9[%dma_wait3A_303, %dma_wait3A_316, %dma_wait3A_317] : memref<2x8x64xi32, #tpu.memory_space<vmem>> -> memref<1x8x64xi32, #tpu.memory_space<vmem>>
      %dma_wait3A_319 = tpu.memref_squeeze %dma_wait3A_318 : memref<1x8x64xi32, #tpu.memory_space<vmem>> -> memref<8x64xi32, #tpu.memory_space<vmem>>
      %dma_wait3A_320 = arith.constant 0 : i32
      %dma_wait3A_321 = tpu.memref_slice %dma_wait3A_319[%dma_wait3A_304, %dma_wait3A_320] : memref<8x64xi32, #tpu.memory_space<vmem>> -> memref<1x64xi32, #tpu.memory_space<vmem>>
      %dma_wait3A_322 = tpu.memref_squeeze %dma_wait3A_321 : memref<1x64xi32, #tpu.memory_space<vmem>> -> memref<64xi32, #tpu.memory_space<vmem>>
      %dma_wait3A_323 = arith.constant 0 : i32
      %dma_wait3A_324 = arith.constant 0 : i32
      %dma_wait3A_325 = tpu.memref_slice %arg4[%dma_wait3A_323, %dma_wait3A_324] : memref<32768x64xf32, #tpu.memory_space<hbm>> -> memref<32768x64xf32, #tpu.memory_space<hbm>>
      tpu.wait_indirect_dma semaphore(%arg14 : memref<!tpu.dma_semaphore, #tpu.memory_space<semaphore_mem>>) src(%dma_wait3A_325 : memref<32768x64xf32, #tpu.memory_space<hbm>>) dst(%dma_wait3A_315 : memref<64x64xf32, #tpu.memory_space<vmem>>)
      %dma_wait3A_326 = arith.constant 0 : i32
      %dma_wait3A_327 = arith.constant 2 : i32
      %dma_wait3A_328 = arith.constant 0 : i32
      %dma_wait3A_329 = arith.constant 2 : i32
      %dma_wait3A_330 = arith.constant 0 : i32
      %dma_wait3A_331 = arith.constant 0 : i32
      %dma_wait3A_332 = arith.constant 0 : i32
      %dma_wait3A_333 = tpu.memref_slice %arg11[%dma_wait3A_328, %dma_wait3A_330, %dma_wait3A_331, %dma_wait3A_332] : memref<2x8x64x64xf32, #tpu.memory_space<vmem>> -> memref<1x8x64x64xf32, #tpu.memory_space<vmem>>
      %dma_wait3A_334 = tpu.memref_squeeze %dma_wait3A_333 : memref<1x8x64x64xf32, #tpu.memory_space<vmem>> -> memref<8x64x64xf32, #tpu.memory_space<vmem>>
      %dma_wait3A_335 = arith.constant 0 : i32
      %dma_wait3A_336 = arith.constant 0 : i32
      %dma_wait3A_337 = tpu.memref_slice %dma_wait3A_334[%dma_wait3A_329, %dma_wait3A_335, %dma_wait3A_336] : memref<8x64x64xf32, #tpu.memory_space<vmem>> -> memref<1x64x64xf32, #tpu.memory_space<vmem>>
      %dma_wait3A_338 = tpu.memref_squeeze %dma_wait3A_337 : memref<1x64x64xf32, #tpu.memory_space<vmem>> -> memref<64x64xf32, #tpu.memory_space<vmem>>
      %dma_wait3A_339 = arith.constant 0 : i32
      %dma_wait3A_340 = arith.constant 0 : i32
      %dma_wait3A_341 = tpu.memref_slice %arg9[%dma_wait3A_326, %dma_wait3A_339, %dma_wait3A_340] : memref<2x8x64xi32, #tpu.memory_space<vmem>> -> memref<1x8x64xi32, #tpu.memory_space<vmem>>
      %dma_wait3A_342 = tpu.memref_squeeze %dma_wait3A_341 : memref<1x8x64xi32, #tpu.memory_space<vmem>> -> memref<8x64xi32, #tpu.memory_space<vmem>>
      %dma_wait3A_343 = arith.constant 0 : i32
      %dma_wait3A_344 = tpu.memref_slice %dma_wait3A_342[%dma_wait3A_327, %dma_wait3A_343] : memref<8x64xi32, #tpu.memory_space<vmem>> -> memref<1x64xi32, #tpu.memory_space<vmem>>
      %dma_wait3A_345 = tpu.memref_squeeze %dma_wait3A_344 : memref<1x64xi32, #tpu.memory_space<vmem>> -> memref<64xi32, #tpu.memory_space<vmem>>
      %dma_wait3A_346 = arith.constant 0 : i32
      %dma_wait3A_347 = arith.constant 0 : i32
      %dma_wait3A_348 = tpu.memref_slice %arg4[%dma_wait3A_346, %dma_wait3A_347] : memref<32768x64xf32, #tpu.memory_space<hbm>> -> memref<32768x64xf32, #tpu.memory_space<hbm>>
      tpu.wait_indirect_dma semaphore(%arg14 : memref<!tpu.dma_semaphore, #tpu.memory_space<semaphore_mem>>) src(%dma_wait3A_348 : memref<32768x64xf32, #tpu.memory_space<hbm>>) dst(%dma_wait3A_338 : memref<64x64xf32, #tpu.memory_space<vmem>>)
      %dma_wait3A_349 = arith.constant 0 : i32
      %dma_wait3A_350 = arith.constant 3 : i32
      %dma_wait3A_351 = arith.constant 0 : i32
      %dma_wait3A_352 = arith.constant 3 : i32
      %dma_wait3A_353 = arith.constant 0 : i32
      %dma_wait3A_354 = arith.constant 0 : i32
      %dma_wait3A_355 = arith.constant 0 : i32
      %dma_wait3A_356 = tpu.memref_slice %arg11[%dma_wait3A_351, %dma_wait3A_353, %dma_wait3A_354, %dma_wait3A_355] : memref<2x8x64x64xf32, #tpu.memory_space<vmem>> -> memref<1x8x64x64xf32, #tpu.memory_space<vmem>>
      %dma_wait3A_357 = tpu.memref_squeeze %dma_wait3A_356 : memref<1x8x64x64xf32, #tpu.memory_space<vmem>> -> memref<8x64x64xf32, #tpu.memory_space<vmem>>
      %dma_wait3A_358 = arith.constant 0 : i32
      %dma_wait3A_359 = arith.constant 0 : i32
      %dma_wait3A_360 = tpu.memref_slice %dma_wait3A_357[%dma_wait3A_352, %dma_wait3A_358, %dma_wait3A_359] : memref<8x64x64xf32, #tpu.memory_space<vmem>> -> memref<1x64x64xf32, #tpu.memory_space<vmem>>
      %dma_wait3A_361 = tpu.memref_squeeze %dma_wait3A_360 : memref<1x64x64xf32, #tpu.memory_space<vmem>> -> memref<64x64xf32, #tpu.memory_space<vmem>>
      %dma_wait3A_362 = arith.constant 0 : i32
      %dma_wait3A_363 = arith.constant 0 : i32
      %dma_wait3A_364 = tpu.memref_slice %arg9[%dma_wait3A_349, %dma_wait3A_362, %dma_wait3A_363] : memref<2x8x64xi32, #tpu.memory_space<vmem>> -> memref<1x8x64xi32, #tpu.memory_space<vmem>>
      %dma_wait3A_365 = tpu.memref_squeeze %dma_wait3A_364 : memref<1x8x64xi32, #tpu.memory_space<vmem>> -> memref<8x64xi32, #tpu.memory_space<vmem>>
      %dma_wait3A_366 = arith.constant 0 : i32
      %dma_wait3A_367 = tpu.memref_slice %dma_wait3A_365[%dma_wait3A_350, %dma_wait3A_366] : memref<8x64xi32, #tpu.memory_space<vmem>> -> memref<1x64xi32, #tpu.memory_space<vmem>>
      %dma_wait3A_368 = tpu.memref_squeeze %dma_wait3A_367 : memref<1x64xi32, #tpu.memory_space<vmem>> -> memref<64xi32, #tpu.memory_space<vmem>>
      %dma_wait3A_369 = arith.constant 0 : i32
      %dma_wait3A_370 = arith.constant 0 : i32
      %dma_wait3A_371 = tpu.memref_slice %arg4[%dma_wait3A_369, %dma_wait3A_370] : memref<32768x64xf32, #tpu.memory_space<hbm>> -> memref<32768x64xf32, #tpu.memory_space<hbm>>
      tpu.wait_indirect_dma semaphore(%arg14 : memref<!tpu.dma_semaphore, #tpu.memory_space<semaphore_mem>>) src(%dma_wait3A_371 : memref<32768x64xf32, #tpu.memory_space<hbm>>) dst(%dma_wait3A_361 : memref<64x64xf32, #tpu.memory_space<vmem>>)
      %dma_wait3A_372 = arith.constant 0 : i32
      %dma_wait3A_373 = arith.constant 4 : i32
      %dma_wait3A_374 = arith.constant 0 : i32
      %dma_wait3A_375 = arith.constant 4 : i32
      %dma_wait3A_376 = arith.constant 0 : i32
      %dma_wait3A_377 = arith.constant 0 : i32
      %dma_wait3A_378 = arith.constant 0 : i32
      %dma_wait3A_379 = tpu.memref_slice %arg11[%dma_wait3A_374, %dma_wait3A_376, %dma_wait3A_377, %dma_wait3A_378] : memref<2x8x64x64xf32, #tpu.memory_space<vmem>> -> memref<1x8x64x64xf32, #tpu.memory_space<vmem>>
      %dma_wait3A_380 = tpu.memref_squeeze %dma_wait3A_379 : memref<1x8x64x64xf32, #tpu.memory_space<vmem>> -> memref<8x64x64xf32, #tpu.memory_space<vmem>>
      %dma_wait3A_381 = arith.constant 0 : i32
      %dma_wait3A_382 = arith.constant 0 : i32
      %dma_wait3A_383 = tpu.memref_slice %dma_wait3A_380[%dma_wait3A_375, %dma_wait3A_381, %dma_wait3A_382] : memref<8x64x64xf32, #tpu.memory_space<vmem>> -> memref<1x64x64xf32, #tpu.memory_space<vmem>>
      %dma_wait3A_384 = tpu.memref_squeeze %dma_wait3A_383 : memref<1x64x64xf32, #tpu.memory_space<vmem>> -> memref<64x64xf32, #tpu.memory_space<vmem>>
      %dma_wait3A_385 = arith.constant 0 : i32
      %dma_wait3A_386 = arith.constant 0 : i32
      %dma_wait3A_387 = tpu.memref_slice %arg9[%dma_wait3A_372, %dma_wait3A_385, %dma_wait3A_386] : memref<2x8x64xi32, #tpu.memory_space<vmem>> -> memref<1x8x64xi32, #tpu.memory_space<vmem>>
      %dma_wait3A_388 = tpu.memref_squeeze %dma_wait3A_387 : memref<1x8x64xi32, #tpu.memory_space<vmem>> -> memref<8x64xi32, #tpu.memory_space<vmem>>
      %dma_wait3A_389 = arith.constant 0 : i32
      %dma_wait3A_390 = tpu.memref_slice %dma_wait3A_388[%dma_wait3A_373, %dma_wait3A_389] : memref<8x64xi32, #tpu.memory_space<vmem>> -> memref<1x64xi32, #tpu.memory_space<vmem>>
      %dma_wait3A_391 = tpu.memref_squeeze %dma_wait3A_390 : memref<1x64xi32, #tpu.memory_space<vmem>> -> memref<64xi32, #tpu.memory_space<vmem>>
      %dma_wait3A_392 = arith.constant 0 : i32
      %dma_wait3A_393 = arith.constant 0 : i32
      %dma_wait3A_394 = tpu.memref_slice %arg4[%dma_wait3A_392, %dma_wait3A_393] : memref<32768x64xf32, #tpu.memory_space<hbm>> -> memref<32768x64xf32, #tpu.memory_space<hbm>>
      tpu.wait_indirect_dma semaphore(%arg14 : memref<!tpu.dma_semaphore, #tpu.memory_space<semaphore_mem>>) src(%dma_wait3A_394 : memref<32768x64xf32, #tpu.memory_space<hbm>>) dst(%dma_wait3A_384 : memref<64x64xf32, #tpu.memory_space<vmem>>)
      %dma_wait3A_395 = arith.constant 0 : i32
      %dma_wait3A_396 = arith.constant 5 : i32
      %dma_wait3A_397 = arith.constant 0 : i32
      %dma_wait3A_398 = arith.constant 5 : i32
      %dma_wait3A_399 = arith.constant 0 : i32
      %dma_wait3A_400 = arith.constant 0 : i32
      %dma_wait3A_401 = arith.constant 0 : i32
      %dma_wait3A_402 = tpu.memref_slice %arg11[%dma_wait3A_397, %dma_wait3A_399, %dma_wait3A_400, %dma_wait3A_401] : memref<2x8x64x64xf32, #tpu.memory_space<vmem>> -> memref<1x8x64x64xf32, #tpu.memory_space<vmem>>
      %dma_wait3A_403 = tpu.memref_squeeze %dma_wait3A_402 : memref<1x8x64x64xf32, #tpu.memory_space<vmem>> -> memref<8x64x64xf32, #tpu.memory_space<vmem>>
      %dma_wait3A_404 = arith.constant 0 : i32
      %dma_wait3A_405 = arith.constant 0 : i32
      %dma_wait3A_406 = tpu.memref_slice %dma_wait3A_403[%dma_wait3A_398, %dma_wait3A_404, %dma_wait3A_405] : memref<8x64x64xf32, #tpu.memory_space<vmem>> -> memref<1x64x64xf32, #tpu.memory_space<vmem>>
      %dma_wait3A_407 = tpu.memref_squeeze %dma_wait3A_406 : memref<1x64x64xf32, #tpu.memory_space<vmem>> -> memref<64x64xf32, #tpu.memory_space<vmem>>
      %dma_wait3A_408 = arith.constant 0 : i32
      %dma_wait3A_409 = arith.constant 0 : i32
      %dma_wait3A_410 = tpu.memref_slice %arg9[%dma_wait3A_395, %dma_wait3A_408, %dma_wait3A_409] : memref<2x8x64xi32, #tpu.memory_space<vmem>> -> memref<1x8x64xi32, #tpu.memory_space<vmem>>
      %dma_wait3A_411 = tpu.memref_squeeze %dma_wait3A_410 : memref<1x8x64xi32, #tpu.memory_space<vmem>> -> memref<8x64xi32, #tpu.memory_space<vmem>>
      %dma_wait3A_412 = arith.constant 0 : i32
      %dma_wait3A_413 = tpu.memref_slice %dma_wait3A_411[%dma_wait3A_396, %dma_wait3A_412] : memref<8x64xi32, #tpu.memory_space<vmem>> -> memref<1x64xi32, #tpu.memory_space<vmem>>
      %dma_wait3A_414 = tpu.memref_squeeze %dma_wait3A_413 : memref<1x64xi32, #tpu.memory_space<vmem>> -> memref<64xi32, #tpu.memory_space<vmem>>
      %dma_wait3A_415 = arith.constant 0 : i32
      %dma_wait3A_416 = arith.constant 0 : i32
      %dma_wait3A_417 = tpu.memref_slice %arg4[%dma_wait3A_415, %dma_wait3A_416] : memref<32768x64xf32, #tpu.memory_space<hbm>> -> memref<32768x64xf32, #tpu.memory_space<hbm>>
      tpu.wait_indirect_dma semaphore(%arg14 : memref<!tpu.dma_semaphore, #tpu.memory_space<semaphore_mem>>) src(%dma_wait3A_417 : memref<32768x64xf32, #tpu.memory_space<hbm>>) dst(%dma_wait3A_407 : memref<64x64xf32, #tpu.memory_space<vmem>>)
      %dma_wait3A_418 = arith.constant 0 : i32
      %dma_wait3A_419 = arith.constant 6 : i32
      %dma_wait3A_420 = arith.constant 0 : i32
      %dma_wait3A_421 = arith.constant 6 : i32
      %dma_wait3A_422 = arith.constant 0 : i32
      %dma_wait3A_423 = arith.constant 0 : i32
      %dma_wait3A_424 = arith.constant 0 : i32
      %dma_wait3A_425 = tpu.memref_slice %arg11[%dma_wait3A_420, %dma_wait3A_422, %dma_wait3A_423, %dma_wait3A_424] : memref<2x8x64x64xf32, #tpu.memory_space<vmem>> -> memref<1x8x64x64xf32, #tpu.memory_space<vmem>>
      %dma_wait3A_426 = tpu.memref_squeeze %dma_wait3A_425 : memref<1x8x64x64xf32, #tpu.memory_space<vmem>> -> memref<8x64x64xf32, #tpu.memory_space<vmem>>
      %dma_wait3A_427 = arith.constant 0 : i32
      %dma_wait3A_428 = arith.constant 0 : i32
      %dma_wait3A_429 = tpu.memref_slice %dma_wait3A_426[%dma_wait3A_421, %dma_wait3A_427, %dma_wait3A_428] : memref<8x64x64xf32, #tpu.memory_space<vmem>> -> memref<1x64x64xf32, #tpu.memory_space<vmem>>
      %dma_wait3A_430 = tpu.memref_squeeze %dma_wait3A_429 : memref<1x64x64xf32, #tpu.memory_space<vmem>> -> memref<64x64xf32, #tpu.memory_space<vmem>>
      %dma_wait3A_431 = arith.constant 0 : i32
      %dma_wait3A_432 = arith.constant 0 : i32
      %dma_wait3A_433 = tpu.memref_slice %arg9[%dma_wait3A_418, %dma_wait3A_431, %dma_wait3A_432] : memref<2x8x64xi32, #tpu.memory_space<vmem>> -> memref<1x8x64xi32, #tpu.memory_space<vmem>>
      %dma_wait3A_434 = tpu.memref_squeeze %dma_wait3A_433 : memref<1x8x64xi32, #tpu.memory_space<vmem>> -> memref<8x64xi32, #tpu.memory_space<vmem>>
      %dma_wait3A_435 = arith.constant 0 : i32
      %dma_wait3A_436 = tpu.memref_slice %dma_wait3A_434[%dma_wait3A_419, %dma_wait3A_435] : memref<8x64xi32, #tpu.memory_space<vmem>> -> memref<1x64xi32, #tpu.memory_space<vmem>>
      %dma_wait3A_437 = tpu.memref_squeeze %dma_wait3A_436 : memref<1x64xi32, #tpu.memory_space<vmem>> -> memref<64xi32, #tpu.memory_space<vmem>>
      %dma_wait3A_438 = arith.constant 0 : i32
      %dma_wait3A_439 = arith.constant 0 : i32
      %dma_wait3A_440 = tpu.memref_slice %arg4[%dma_wait3A_438, %dma_wait3A_439] : memref<32768x64xf32, #tpu.memory_space<hbm>> -> memref<32768x64xf32, #tpu.memory_space<hbm>>
      tpu.wait_indirect_dma semaphore(%arg14 : memref<!tpu.dma_semaphore, #tpu.memory_space<semaphore_mem>>) src(%dma_wait3A_440 : memref<32768x64xf32, #tpu.memory_space<hbm>>) dst(%dma_wait3A_430 : memref<64x64xf32, #tpu.memory_space<vmem>>)
      %dma_wait3A_441 = arith.constant 0 : i32
      %dma_wait3A_442 = arith.constant 7 : i32
      %dma_wait3A_443 = arith.constant 0 : i32
      %dma_wait3A_444 = arith.constant 7 : i32
      %dma_wait3A_445 = arith.constant 0 : i32
      %dma_wait3A_446 = arith.constant 0 : i32
      %dma_wait3A_447 = arith.constant 0 : i32
      %dma_wait3A_448 = tpu.memref_slice %arg11[%dma_wait3A_443, %dma_wait3A_445, %dma_wait3A_446, %dma_wait3A_447] : memref<2x8x64x64xf32, #tpu.memory_space<vmem>> -> memref<1x8x64x64xf32, #tpu.memory_space<vmem>>
      %dma_wait3A_449 = tpu.memref_squeeze %dma_wait3A_448 : memref<1x8x64x64xf32, #tpu.memory_space<vmem>> -> memref<8x64x64xf32, #tpu.memory_space<vmem>>
      %dma_wait3A_450 = arith.constant 0 : i32
      %dma_wait3A_451 = arith.constant 0 : i32
      %dma_wait3A_452 = tpu.memref_slice %dma_wait3A_449[%dma_wait3A_444, %dma_wait3A_450, %dma_wait3A_451] : memref<8x64x64xf32, #tpu.memory_space<vmem>> -> memref<1x64x64xf32, #tpu.memory_space<vmem>>
      %dma_wait3A_453 = tpu.memref_squeeze %dma_wait3A_452 : memref<1x64x64xf32, #tpu.memory_space<vmem>> -> memref<64x64xf32, #tpu.memory_space<vmem>>
      %dma_wait3A_454 = arith.constant 0 : i32
      %dma_wait3A_455 = arith.constant 0 : i32
      %dma_wait3A_456 = tpu.memref_slice %arg9[%dma_wait3A_441, %dma_wait3A_454, %dma_wait3A_455] : memref<2x8x64xi32, #tpu.memory_space<vmem>> -> memref<1x8x64xi32, #tpu.memory_space<vmem>>
      %dma_wait3A_457 = tpu.memref_squeeze %dma_wait3A_456 : memref<1x8x64xi32, #tpu.memory_space<vmem>> -> memref<8x64xi32, #tpu.memory_space<vmem>>
      %dma_wait3A_458 = arith.constant 0 : i32
      %dma_wait3A_459 = tpu.memref_slice %dma_wait3A_457[%dma_wait3A_442, %dma_wait3A_458] : memref<8x64xi32, #tpu.memory_space<vmem>> -> memref<1x64xi32, #tpu.memory_space<vmem>>
      %dma_wait3A_460 = tpu.memref_squeeze %dma_wait3A_459 : memref<1x64xi32, #tpu.memory_space<vmem>> -> memref<64xi32, #tpu.memory_space<vmem>>
      %dma_wait3A_461 = arith.constant 0 : i32
      %dma_wait3A_462 = arith.constant 0 : i32
      %dma_wait3A_463 = tpu.memref_slice %arg4[%dma_wait3A_461, %dma_wait3A_462] : memref<32768x64xf32, #tpu.memory_space<hbm>> -> memref<32768x64xf32, #tpu.memory_space<hbm>>
      tpu.wait_indirect_dma semaphore(%arg14 : memref<!tpu.dma_semaphore, #tpu.memory_space<semaphore_mem>>) src(%dma_wait3A_463 : memref<32768x64xf32, #tpu.memory_space<hbm>>) dst(%dma_wait3A_453 : memref<64x64xf32, #tpu.memory_space<vmem>>)
      %run_scoped3A_464 = arith.constant 0 : i32
      %run_scoped3A_465 = arith.constant 0 : i32
      %run_scoped3A_466 = arith.constant 0 : i32
      "tpu.region"() ({
        %run_scoped3A_750 = tpu.sem_alloc : memref<!tpu.dma_semaphore, #tpu.memory_space<semaphore_mem>>
        %dma_start3A_751 = arith.constant 0 : i32
        %dma_start3A_752 = arith.constant 0 : i32
        %dma_start3A_753 = arith.constant 0 : i32
        %dma_start3A_754 = tpu.memref_slice %arg11[%run_scoped3A_464, %dma_start3A_751, %dma_start3A_752, %dma_start3A_753] : memref<2x8x64x64xf32, #tpu.memory_space<vmem>> -> memref<1x8x64x64xf32, #tpu.memory_space<vmem>>
        %dma_start3A_755 = tpu.memref_squeeze %dma_start3A_754 : memref<1x8x64x64xf32, #tpu.memory_space<vmem>> -> memref<8x64x64xf32, #tpu.memory_space<vmem>>
        %dma_start3A_756 = arith.constant 0 : i32
        %dma_start3A_757 = arith.constant 0 : i32
        %dma_start3A_758 = tpu.memref_slice %dma_start3A_755[%run_scoped3A_465, %dma_start3A_756, %dma_start3A_757] : memref<8x64x64xf32, #tpu.memory_space<vmem>> -> memref<1x64x64xf32, #tpu.memory_space<vmem>>
        %dma_start3A_759 = tpu.memref_squeeze %dma_start3A_758 : memref<1x64x64xf32, #tpu.memory_space<vmem>> -> memref<64x64xf32, #tpu.memory_space<vmem>>
        %dma_start3A_760 = arith.constant 0 : i32
        %dma_start3A_761 = arith.constant 0 : i32
        %dma_start3A_762 = arith.constant 0 : i32
        %dma_start3A_763 = tpu.memref_slice %arg12[%arg1, %dma_start3A_760, %dma_start3A_761, %dma_start3A_762] : memref<16x2x64x64xf32, #tpu.memory_space<vmem_shared>> -> memref<1x2x64x64xf32, #tpu.memory_space<vmem_shared>>
        %dma_start3A_764 = tpu.memref_squeeze %dma_start3A_763 : memref<1x2x64x64xf32, #tpu.memory_space<vmem_shared>> -> memref<2x64x64xf32, #tpu.memory_space<vmem_shared>>
        %dma_start3A_765 = arith.constant 0 : i32
        %dma_start3A_766 = arith.constant 0 : i32
        %dma_start3A_767 = tpu.memref_slice %dma_start3A_764[%run_scoped3A_466, %dma_start3A_765, %dma_start3A_766] : memref<2x64x64xf32, #tpu.memory_space<vmem_shared>> -> memref<1x64x64xf32, #tpu.memory_space<vmem_shared>>
        %dma_start3A_768 = tpu.memref_squeeze %dma_start3A_767 : memref<1x64x64xf32, #tpu.memory_space<vmem_shared>> -> memref<64x64xf32, #tpu.memory_space<vmem_shared>>
        %dma_start3A_769 = arith.constant 0 : i32
        %dma_start3A_770 = arith.constant 0 : i32
        %dma_start3A_771 = tpu.memref_slice %dma_start3A_768[%dma_start3A_769, %dma_start3A_770] : memref<64x64xf32, #tpu.memory_space<vmem_shared>> -> memref<64x64xf32, #tpu.memory_space<vmem_shared>>
        tpu.enqueue_indirect_dma source(%dma_start3A_759 : memref<64x64xf32, #tpu.memory_space<vmem>>) target(%dma_start3A_771 : memref<64x64xf32, #tpu.memory_space<vmem_shared>>) offsets(%arg10 : memref<64xi32, #tpu.memory_space<vmem>>) semaphore(%run_scoped3A_750 : memref<!tpu.dma_semaphore, #tpu.memory_space<semaphore_mem>>)
        %dma_wait3A_772 = arith.constant 0 : i32
        %dma_wait3A_773 = arith.constant 0 : i32
        %dma_wait3A_774 = arith.constant 0 : i32
        %dma_wait3A_775 = tpu.memref_slice %arg11[%run_scoped3A_464, %dma_wait3A_772, %dma_wait3A_773, %dma_wait3A_774] : memref<2x8x64x64xf32, #tpu.memory_space<vmem>> -> memref<1x8x64x64xf32, #tpu.memory_space<vmem>>
        %dma_wait3A_776 = tpu.memref_squeeze %dma_wait3A_775 : memref<1x8x64x64xf32, #tpu.memory_space<vmem>> -> memref<8x64x64xf32, #tpu.memory_space<vmem>>
        %dma_wait3A_777 = arith.constant 0 : i32
        %dma_wait3A_778 = arith.constant 0 : i32
        %dma_wait3A_779 = tpu.memref_slice %dma_wait3A_776[%run_scoped3A_465, %dma_wait3A_777, %dma_wait3A_778] : memref<8x64x64xf32, #tpu.memory_space<vmem>> -> memref<1x64x64xf32, #tpu.memory_space<vmem>>
        %dma_wait3A_780 = tpu.memref_squeeze %dma_wait3A_779 : memref<1x64x64xf32, #tpu.memory_space<vmem>> -> memref<64x64xf32, #tpu.memory_space<vmem>>
        %dma_wait3A_781 = arith.constant 0 : i32
        %dma_wait3A_782 = arith.constant 0 : i32
        %dma_wait3A_783 = arith.constant 0 : i32
        %dma_wait3A_784 = tpu.memref_slice %arg12[%arg1, %dma_wait3A_781, %dma_wait3A_782, %dma_wait3A_783] : memref<16x2x64x64xf32, #tpu.memory_space<vmem_shared>> -> memref<1x2x64x64xf32, #tpu.memory_space<vmem_shared>>
        %dma_wait3A_785 = tpu.memref_squeeze %dma_wait3A_784 : memref<1x2x64x64xf32, #tpu.memory_space<vmem_shared>> -> memref<2x64x64xf32, #tpu.memory_space<vmem_shared>>
        %dma_wait3A_786 = arith.constant 0 : i32
        %dma_wait3A_787 = arith.constant 0 : i32
        %dma_wait3A_788 = tpu.memref_slice %dma_wait3A_785[%run_scoped3A_466, %dma_wait3A_786, %dma_wait3A_787] : memref<2x64x64xf32, #tpu.memory_space<vmem_shared>> -> memref<1x64x64xf32, #tpu.memory_space<vmem_shared>>
        %dma_wait3A_789 = tpu.memref_squeeze %dma_wait3A_788 : memref<1x64x64xf32, #tpu.memory_space<vmem_shared>> -> memref<64x64xf32, #tpu.memory_space<vmem_shared>>
        %dma_wait3A_790 = arith.constant 0 : i32
        %dma_wait3A_791 = arith.constant 0 : i32
        %dma_wait3A_792 = tpu.memref_slice %dma_wait3A_789[%dma_wait3A_790, %dma_wait3A_791] : memref<64x64xf32, #tpu.memory_space<vmem_shared>> -> memref<64x64xf32, #tpu.memory_space<vmem_shared>>
        tpu.wait_indirect_dma semaphore(%run_scoped3A_750 : memref<!tpu.dma_semaphore, #tpu.memory_space<semaphore_mem>>) src(%dma_wait3A_780 : memref<64x64xf32, #tpu.memory_space<vmem>>) dst(%dma_wait3A_792 : memref<64x64xf32, #tpu.memory_space<vmem_shared>>)
        tpu.yield
      }) : () -> ()
      %run_scoped3A_467 = arith.constant 0 : i32
      %run_scoped3A_468 = arith.constant 1 : i32
      %run_scoped3A_469 = arith.constant 0 : i32
      "tpu.region"() ({
        %run_scoped3A_750 = tpu.sem_alloc : memref<!tpu.dma_semaphore, #tpu.memory_space<semaphore_mem>>
        %dma_start3A_751 = arith.constant 0 : i32
        %dma_start3A_752 = arith.constant 0 : i32
        %dma_start3A_753 = arith.constant 0 : i32
        %dma_start3A_754 = tpu.memref_slice %arg11[%run_scoped3A_467, %dma_start3A_751, %dma_start3A_752, %dma_start3A_753] : memref<2x8x64x64xf32, #tpu.memory_space<vmem>> -> memref<1x8x64x64xf32, #tpu.memory_space<vmem>>
        %dma_start3A_755 = tpu.memref_squeeze %dma_start3A_754 : memref<1x8x64x64xf32, #tpu.memory_space<vmem>> -> memref<8x64x64xf32, #tpu.memory_space<vmem>>
        %dma_start3A_756 = arith.constant 0 : i32
        %dma_start3A_757 = arith.constant 0 : i32
        %dma_start3A_758 = tpu.memref_slice %dma_start3A_755[%run_scoped3A_468, %dma_start3A_756, %dma_start3A_757] : memref<8x64x64xf32, #tpu.memory_space<vmem>> -> memref<1x64x64xf32, #tpu.memory_space<vmem>>
        %dma_start3A_759 = tpu.memref_squeeze %dma_start3A_758 : memref<1x64x64xf32, #tpu.memory_space<vmem>> -> memref<64x64xf32, #tpu.memory_space<vmem>>
        %dma_start3A_760 = arith.constant 0 : i32
        %dma_start3A_761 = arith.constant 0 : i32
        %dma_start3A_762 = arith.constant 0 : i32
        %dma_start3A_763 = tpu.memref_slice %arg12[%arg1, %dma_start3A_760, %dma_start3A_761, %dma_start3A_762] : memref<16x2x64x64xf32, #tpu.memory_space<vmem_shared>> -> memref<1x2x64x64xf32, #tpu.memory_space<vmem_shared>>
        %dma_start3A_764 = tpu.memref_squeeze %dma_start3A_763 : memref<1x2x64x64xf32, #tpu.memory_space<vmem_shared>> -> memref<2x64x64xf32, #tpu.memory_space<vmem_shared>>
        %dma_start3A_765 = arith.constant 0 : i32
        %dma_start3A_766 = arith.constant 0 : i32
        %dma_start3A_767 = tpu.memref_slice %dma_start3A_764[%run_scoped3A_469, %dma_start3A_765, %dma_start3A_766] : memref<2x64x64xf32, #tpu.memory_space<vmem_shared>> -> memref<1x64x64xf32, #tpu.memory_space<vmem_shared>>
        %dma_start3A_768 = tpu.memref_squeeze %dma_start3A_767 : memref<1x64x64xf32, #tpu.memory_space<vmem_shared>> -> memref<64x64xf32, #tpu.memory_space<vmem_shared>>
        %dma_start3A_769 = arith.constant 0 : i32
        %dma_start3A_770 = arith.constant 0 : i32
        %dma_start3A_771 = tpu.memref_slice %dma_start3A_768[%dma_start3A_769, %dma_start3A_770] : memref<64x64xf32, #tpu.memory_space<vmem_shared>> -> memref<64x64xf32, #tpu.memory_space<vmem_shared>>
        tpu.enqueue_indirect_dma source(%dma_start3A_759 : memref<64x64xf32, #tpu.memory_space<vmem>>) target(%dma_start3A_771 : memref<64x64xf32, #tpu.memory_space<vmem_shared>>) offsets(%arg10 : memref<64xi32, #tpu.memory_space<vmem>>) semaphore(%run_scoped3A_750 : memref<!tpu.dma_semaphore, #tpu.memory_space<semaphore_mem>>) {add = true}
        %dma_wait3A_772 = arith.constant 0 : i32
        %dma_wait3A_773 = arith.constant 0 : i32
        %dma_wait3A_774 = arith.constant 0 : i32
        %dma_wait3A_775 = tpu.memref_slice %arg11[%run_scoped3A_467, %dma_wait3A_772, %dma_wait3A_773, %dma_wait3A_774] : memref<2x8x64x64xf32, #tpu.memory_space<vmem>> -> memref<1x8x64x64xf32, #tpu.memory_space<vmem>>
        %dma_wait3A_776 = tpu.memref_squeeze %dma_wait3A_775 : memref<1x8x64x64xf32, #tpu.memory_space<vmem>> -> memref<8x64x64xf32, #tpu.memory_space<vmem>>
        %dma_wait3A_777 = arith.constant 0 : i32
        %dma_wait3A_778 = arith.constant 0 : i32
        %dma_wait3A_779 = tpu.memref_slice %dma_wait3A_776[%run_scoped3A_468, %dma_wait3A_777, %dma_wait3A_778] : memref<8x64x64xf32, #tpu.memory_space<vmem>> -> memref<1x64x64xf32, #tpu.memory_space<vmem>>
        %dma_wait3A_780 = tpu.memref_squeeze %dma_wait3A_779 : memref<1x64x64xf32, #tpu.memory_space<vmem>> -> memref<64x64xf32, #tpu.memory_space<vmem>>
        %dma_wait3A_781 = arith.constant 0 : i32
        %dma_wait3A_782 = arith.constant 0 : i32
        %dma_wait3A_783 = arith.constant 0 : i32
        %dma_wait3A_784 = tpu.memref_slice %arg12[%arg1, %dma_wait3A_781, %dma_wait3A_782, %dma_wait3A_783] : memref<16x2x64x64xf32, #tpu.memory_space<vmem_shared>> -> memref<1x2x64x64xf32, #tpu.memory_space<vmem_shared>>
        %dma_wait3A_785 = tpu.memref_squeeze %dma_wait3A_784 : memref<1x2x64x64xf32, #tpu.memory_space<vmem_shared>> -> memref<2x64x64xf32, #tpu.memory_space<vmem_shared>>
        %dma_wait3A_786 = arith.constant 0 : i32
        %dma_wait3A_787 = arith.constant 0 : i32
        %dma_wait3A_788 = tpu.memref_slice %dma_wait3A_785[%run_scoped3A_469, %dma_wait3A_786, %dma_wait3A_787] : memref<2x64x64xf32, #tpu.memory_space<vmem_shared>> -> memref<1x64x64xf32, #tpu.memory_space<vmem_shared>>
        %dma_wait3A_789 = tpu.memref_squeeze %dma_wait3A_788 : memref<1x64x64xf32, #tpu.memory_space<vmem_shared>> -> memref<64x64xf32, #tpu.memory_space<vmem_shared>>
        %dma_wait3A_790 = arith.constant 0 : i32
        %dma_wait3A_791 = arith.constant 0 : i32
        %dma_wait3A_792 = tpu.memref_slice %dma_wait3A_789[%dma_wait3A_790, %dma_wait3A_791] : memref<64x64xf32, #tpu.memory_space<vmem_shared>> -> memref<64x64xf32, #tpu.memory_space<vmem_shared>>
        tpu.wait_indirect_dma semaphore(%run_scoped3A_750 : memref<!tpu.dma_semaphore, #tpu.memory_space<semaphore_mem>>) src(%dma_wait3A_780 : memref<64x64xf32, #tpu.memory_space<vmem>>) dst(%dma_wait3A_792 : memref<64x64xf32, #tpu.memory_space<vmem_shared>>)
        tpu.yield
      }) : () -> ()
      %run_scoped3A_470 = arith.constant 0 : i32
      %run_scoped3A_471 = arith.constant 2 : i32
      %run_scoped3A_472 = arith.constant 0 : i32
      "tpu.region"() ({
        %run_scoped3A_750 = tpu.sem_alloc : memref<!tpu.dma_semaphore, #tpu.memory_space<semaphore_mem>>
        %dma_start3A_751 = arith.constant 0 : i32
        %dma_start3A_752 = arith.constant 0 : i32
        %dma_start3A_753 = arith.constant 0 : i32
        %dma_start3A_754 = tpu.memref_slice %arg11[%run_scoped3A_470, %dma_start3A_751, %dma_start3A_752, %dma_start3A_753] : memref<2x8x64x64xf32, #tpu.memory_space<vmem>> -> memref<1x8x64x64xf32, #tpu.memory_space<vmem>>
        %dma_start3A_755 = tpu.memref_squeeze %dma_start3A_754 : memref<1x8x64x64xf32, #tpu.memory_space<vmem>> -> memref<8x64x64xf32, #tpu.memory_space<vmem>>
        %dma_start3A_756 = arith.constant 0 : i32
        %dma_start3A_757 = arith.constant 0 : i32
        %dma_start3A_758 = tpu.memref_slice %dma_start3A_755[%run_scoped3A_471, %dma_start3A_756, %dma_start3A_757] : memref<8x64x64xf32, #tpu.memory_space<vmem>> -> memref<1x64x64xf32, #tpu.memory_space<vmem>>
        %dma_start3A_759 = tpu.memref_squeeze %dma_start3A_758 : memref<1x64x64xf32, #tpu.memory_space<vmem>> -> memref<64x64xf32, #tpu.memory_space<vmem>>
        %dma_start3A_760 = arith.constant 0 : i32
        %dma_start3A_761 = arith.constant 0 : i32
        %dma_start3A_762 = arith.constant 0 : i32
        %dma_start3A_763 = tpu.memref_slice %arg12[%arg1, %dma_start3A_760, %dma_start3A_761, %dma_start3A_762] : memref<16x2x64x64xf32, #tpu.memory_space<vmem_shared>> -> memref<1x2x64x64xf32, #tpu.memory_space<vmem_shared>>
        %dma_start3A_764 = tpu.memref_squeeze %dma_start3A_763 : memref<1x2x64x64xf32, #tpu.memory_space<vmem_shared>> -> memref<2x64x64xf32, #tpu.memory_space<vmem_shared>>
        %dma_start3A_765 = arith.constant 0 : i32
        %dma_start3A_766 = arith.constant 0 : i32
        %dma_start3A_767 = tpu.memref_slice %dma_start3A_764[%run_scoped3A_472, %dma_start3A_765, %dma_start3A_766] : memref<2x64x64xf32, #tpu.memory_space<vmem_shared>> -> memref<1x64x64xf32, #tpu.memory_space<vmem_shared>>
        %dma_start3A_768 = tpu.memref_squeeze %dma_start3A_767 : memref<1x64x64xf32, #tpu.memory_space<vmem_shared>> -> memref<64x64xf32, #tpu.memory_space<vmem_shared>>
        %dma_start3A_769 = arith.constant 0 : i32
        %dma_start3A_770 = arith.constant 0 : i32
        %dma_start3A_771 = tpu.memref_slice %dma_start3A_768[%dma_start3A_769, %dma_start3A_770] : memref<64x64xf32, #tpu.memory_space<vmem_shared>> -> memref<64x64xf32, #tpu.memory_space<vmem_shared>>
        tpu.enqueue_indirect_dma source(%dma_start3A_759 : memref<64x64xf32, #tpu.memory_space<vmem>>) target(%dma_start3A_771 : memref<64x64xf32, #tpu.memory_space<vmem_shared>>) offsets(%arg10 : memref<64xi32, #tpu.memory_space<vmem>>) semaphore(%run_scoped3A_750 : memref<!tpu.dma_semaphore, #tpu.memory_space<semaphore_mem>>) {add = true}
        %dma_wait3A_772 = arith.constant 0 : i32
        %dma_wait3A_773 = arith.constant 0 : i32
        %dma_wait3A_774 = arith.constant 0 : i32
        %dma_wait3A_775 = tpu.memref_slice %arg11[%run_scoped3A_470, %dma_wait3A_772, %dma_wait3A_773, %dma_wait3A_774] : memref<2x8x64x64xf32, #tpu.memory_space<vmem>> -> memref<1x8x64x64xf32, #tpu.memory_space<vmem>>
        %dma_wait3A_776 = tpu.memref_squeeze %dma_wait3A_775 : memref<1x8x64x64xf32, #tpu.memory_space<vmem>> -> memref<8x64x64xf32, #tpu.memory_space<vmem>>
        %dma_wait3A_777 = arith.constant 0 : i32
        %dma_wait3A_778 = arith.constant 0 : i32
        %dma_wait3A_779 = tpu.memref_slice %dma_wait3A_776[%run_scoped3A_471, %dma_wait3A_777, %dma_wait3A_778] : memref<8x64x64xf32, #tpu.memory_space<vmem>> -> memref<1x64x64xf32, #tpu.memory_space<vmem>>
        %dma_wait3A_780 = tpu.memref_squeeze %dma_wait3A_779 : memref<1x64x64xf32, #tpu.memory_space<vmem>> -> memref<64x64xf32, #tpu.memory_space<vmem>>
        %dma_wait3A_781 = arith.constant 0 : i32
        %dma_wait3A_782 = arith.constant 0 : i32
        %dma_wait3A_783 = arith.constant 0 : i32
        %dma_wait3A_784 = tpu.memref_slice %arg12[%arg1, %dma_wait3A_781, %dma_wait3A_782, %dma_wait3A_783] : memref<16x2x64x64xf32, #tpu.memory_space<vmem_shared>> -> memref<1x2x64x64xf32, #tpu.memory_space<vmem_shared>>
        %dma_wait3A_785 = tpu.memref_squeeze %dma_wait3A_784 : memref<1x2x64x64xf32, #tpu.memory_space<vmem_shared>> -> memref<2x64x64xf32, #tpu.memory_space<vmem_shared>>
        %dma_wait3A_786 = arith.constant 0 : i32
        %dma_wait3A_787 = arith.constant 0 : i32
        %dma_wait3A_788 = tpu.memref_slice %dma_wait3A_785[%run_scoped3A_472, %dma_wait3A_786, %dma_wait3A_787] : memref<2x64x64xf32, #tpu.memory_space<vmem_shared>> -> memref<1x64x64xf32, #tpu.memory_space<vmem_shared>>
        %dma_wait3A_789 = tpu.memref_squeeze %dma_wait3A_788 : memref<1x64x64xf32, #tpu.memory_space<vmem_shared>> -> memref<64x64xf32, #tpu.memory_space<vmem_shared>>
        %dma_wait3A_790 = arith.constant 0 : i32
        %dma_wait3A_791 = arith.constant 0 : i32
        %dma_wait3A_792 = tpu.memref_slice %dma_wait3A_789[%dma_wait3A_790, %dma_wait3A_791] : memref<64x64xf32, #tpu.memory_space<vmem_shared>> -> memref<64x64xf32, #tpu.memory_space<vmem_shared>>
        tpu.wait_indirect_dma semaphore(%run_scoped3A_750 : memref<!tpu.dma_semaphore, #tpu.memory_space<semaphore_mem>>) src(%dma_wait3A_780 : memref<64x64xf32, #tpu.memory_space<vmem>>) dst(%dma_wait3A_792 : memref<64x64xf32, #tpu.memory_space<vmem_shared>>)
        tpu.yield
      }) : () -> ()
      %run_scoped3A_473 = arith.constant 0 : i32
      %run_scoped3A_474 = arith.constant 3 : i32
      %run_scoped3A_475 = arith.constant 0 : i32
      "tpu.region"() ({
        %run_scoped3A_750 = tpu.sem_alloc : memref<!tpu.dma_semaphore, #tpu.memory_space<semaphore_mem>>
        %dma_start3A_751 = arith.constant 0 : i32
        %dma_start3A_752 = arith.constant 0 : i32
        %dma_start3A_753 = arith.constant 0 : i32
        %dma_start3A_754 = tpu.memref_slice %arg11[%run_scoped3A_473, %dma_start3A_751, %dma_start3A_752, %dma_start3A_753] : memref<2x8x64x64xf32, #tpu.memory_space<vmem>> -> memref<1x8x64x64xf32, #tpu.memory_space<vmem>>
        %dma_start3A_755 = tpu.memref_squeeze %dma_start3A_754 : memref<1x8x64x64xf32, #tpu.memory_space<vmem>> -> memref<8x64x64xf32, #tpu.memory_space<vmem>>
        %dma_start3A_756 = arith.constant 0 : i32
        %dma_start3A_757 = arith.constant 0 : i32
        %dma_start3A_758 = tpu.memref_slice %dma_start3A_755[%run_scoped3A_474, %dma_start3A_756, %dma_start3A_757] : memref<8x64x64xf32, #tpu.memory_space<vmem>> -> memref<1x64x64xf32, #tpu.memory_space<vmem>>
        %dma_start3A_759 = tpu.memref_squeeze %dma_start3A_758 : memref<1x64x64xf32, #tpu.memory_space<vmem>> -> memref<64x64xf32, #tpu.memory_space<vmem>>
        %dma_start3A_760 = arith.constant 0 : i32
        %dma_start3A_761 = arith.constant 0 : i32
        %dma_start3A_762 = arith.constant 0 : i32
        %dma_start3A_763 = tpu.memref_slice %arg12[%arg1, %dma_start3A_760, %dma_start3A_761, %dma_start3A_762] : memref<16x2x64x64xf32, #tpu.memory_space<vmem_shared>> -> memref<1x2x64x64xf32, #tpu.memory_space<vmem_shared>>
        %dma_start3A_764 = tpu.memref_squeeze %dma_start3A_763 : memref<1x2x64x64xf32, #tpu.memory_space<vmem_shared>> -> memref<2x64x64xf32, #tpu.memory_space<vmem_shared>>
        %dma_start3A_765 = arith.constant 0 : i32
        %dma_start3A_766 = arith.constant 0 : i32
        %dma_start3A_767 = tpu.memref_slice %dma_start3A_764[%run_scoped3A_475, %dma_start3A_765, %dma_start3A_766] : memref<2x64x64xf32, #tpu.memory_space<vmem_shared>> -> memref<1x64x64xf32, #tpu.memory_space<vmem_shared>>
        %dma_start3A_768 = tpu.memref_squeeze %dma_start3A_767 : memref<1x64x64xf32, #tpu.memory_space<vmem_shared>> -> memref<64x64xf32, #tpu.memory_space<vmem_shared>>
        %dma_start3A_769 = arith.constant 0 : i32
        %dma_start3A_770 = arith.constant 0 : i32
        %dma_start3A_771 = tpu.memref_slice %dma_start3A_768[%dma_start3A_769, %dma_start3A_770] : memref<64x64xf32, #tpu.memory_space<vmem_shared>> -> memref<64x64xf32, #tpu.memory_space<vmem_shared>>
        tpu.enqueue_indirect_dma source(%dma_start3A_759 : memref<64x64xf32, #tpu.memory_space<vmem>>) target(%dma_start3A_771 : memref<64x64xf32, #tpu.memory_space<vmem_shared>>) offsets(%arg10 : memref<64xi32, #tpu.memory_space<vmem>>) semaphore(%run_scoped3A_750 : memref<!tpu.dma_semaphore, #tpu.memory_space<semaphore_mem>>) {add = true}
        %dma_wait3A_772 = arith.constant 0 : i32
        %dma_wait3A_773 = arith.constant 0 : i32
        %dma_wait3A_774 = arith.constant 0 : i32
        %dma_wait3A_775 = tpu.memref_slice %arg11[%run_scoped3A_473, %dma_wait3A_772, %dma_wait3A_773, %dma_wait3A_774] : memref<2x8x64x64xf32, #tpu.memory_space<vmem>> -> memref<1x8x64x64xf32, #tpu.memory_space<vmem>>
        %dma_wait3A_776 = tpu.memref_squeeze %dma_wait3A_775 : memref<1x8x64x64xf32, #tpu.memory_space<vmem>> -> memref<8x64x64xf32, #tpu.memory_space<vmem>>
        %dma_wait3A_777 = arith.constant 0 : i32
        %dma_wait3A_778 = arith.constant 0 : i32
        %dma_wait3A_779 = tpu.memref_slice %dma_wait3A_776[%run_scoped3A_474, %dma_wait3A_777, %dma_wait3A_778] : memref<8x64x64xf32, #tpu.memory_space<vmem>> -> memref<1x64x64xf32, #tpu.memory_space<vmem>>
        %dma_wait3A_780 = tpu.memref_squeeze %dma_wait3A_779 : memref<1x64x64xf32, #tpu.memory_space<vmem>> -> memref<64x64xf32, #tpu.memory_space<vmem>>
        %dma_wait3A_781 = arith.constant 0 : i32
        %dma_wait3A_782 = arith.constant 0 : i32
        %dma_wait3A_783 = arith.constant 0 : i32
        %dma_wait3A_784 = tpu.memref_slice %arg12[%arg1, %dma_wait3A_781, %dma_wait3A_782, %dma_wait3A_783] : memref<16x2x64x64xf32, #tpu.memory_space<vmem_shared>> -> memref<1x2x64x64xf32, #tpu.memory_space<vmem_shared>>
        %dma_wait3A_785 = tpu.memref_squeeze %dma_wait3A_784 : memref<1x2x64x64xf32, #tpu.memory_space<vmem_shared>> -> memref<2x64x64xf32, #tpu.memory_space<vmem_shared>>
        %dma_wait3A_786 = arith.constant 0 : i32
        %dma_wait3A_787 = arith.constant 0 : i32
        %dma_wait3A_788 = tpu.memref_slice %dma_wait3A_785[%run_scoped3A_475, %dma_wait3A_786, %dma_wait3A_787] : memref<2x64x64xf32, #tpu.memory_space<vmem_shared>> -> memref<1x64x64xf32, #tpu.memory_space<vmem_shared>>
        %dma_wait3A_789 = tpu.memref_squeeze %dma_wait3A_788 : memref<1x64x64xf32, #tpu.memory_space<vmem_shared>> -> memref<64x64xf32, #tpu.memory_space<vmem_shared>>
        %dma_wait3A_790 = arith.constant 0 : i32
        %dma_wait3A_791 = arith.constant 0 : i32
        %dma_wait3A_792 = tpu.memref_slice %dma_wait3A_789[%dma_wait3A_790, %dma_wait3A_791] : memref<64x64xf32, #tpu.memory_space<vmem_shared>> -> memref<64x64xf32, #tpu.memory_space<vmem_shared>>
        tpu.wait_indirect_dma semaphore(%run_scoped3A_750 : memref<!tpu.dma_semaphore, #tpu.memory_space<semaphore_mem>>) src(%dma_wait3A_780 : memref<64x64xf32, #tpu.memory_space<vmem>>) dst(%dma_wait3A_792 : memref<64x64xf32, #tpu.memory_space<vmem_shared>>)
        tpu.yield
      }) : () -> ()
      %run_scoped3A_476 = arith.constant 0 : i32
      %run_scoped3A_477 = arith.constant 4 : i32
      %run_scoped3A_478 = arith.constant 0 : i32
      "tpu.region"() ({
        %run_scoped3A_750 = tpu.sem_alloc : memref<!tpu.dma_semaphore, #tpu.memory_space<semaphore_mem>>
        %dma_start3A_751 = arith.constant 0 : i32
        %dma_start3A_752 = arith.constant 0 : i32
        %dma_start3A_753 = arith.constant 0 : i32
        %dma_start3A_754 = tpu.memref_slice %arg11[%run_scoped3A_476, %dma_start3A_751, %dma_start3A_752, %dma_start3A_753] : memref<2x8x64x64xf32, #tpu.memory_space<vmem>> -> memref<1x8x64x64xf32, #tpu.memory_space<vmem>>
        %dma_start3A_755 = tpu.memref_squeeze %dma_start3A_754 : memref<1x8x64x64xf32, #tpu.memory_space<vmem>> -> memref<8x64x64xf32, #tpu.memory_space<vmem>>
        %dma_start3A_756 = arith.constant 0 : i32
        %dma_start3A_757 = arith.constant 0 : i32
        %dma_start3A_758 = tpu.memref_slice %dma_start3A_755[%run_scoped3A_477, %dma_start3A_756, %dma_start3A_757] : memref<8x64x64xf32, #tpu.memory_space<vmem>> -> memref<1x64x64xf32, #tpu.memory_space<vmem>>
        %dma_start3A_759 = tpu.memref_squeeze %dma_start3A_758 : memref<1x64x64xf32, #tpu.memory_space<vmem>> -> memref<64x64xf32, #tpu.memory_space<vmem>>
        %dma_start3A_760 = arith.constant 0 : i32
        %dma_start3A_761 = arith.constant 0 : i32
        %dma_start3A_762 = arith.constant 0 : i32
        %dma_start3A_763 = tpu.memref_slice %arg12[%arg1, %dma_start3A_760, %dma_start3A_761, %dma_start3A_762] : memref<16x2x64x64xf32, #tpu.memory_space<vmem_shared>> -> memref<1x2x64x64xf32, #tpu.memory_space<vmem_shared>>
        %dma_start3A_764 = tpu.memref_squeeze %dma_start3A_763 : memref<1x2x64x64xf32, #tpu.memory_space<vmem_shared>> -> memref<2x64x64xf32, #tpu.memory_space<vmem_shared>>
        %dma_start3A_765 = arith.constant 0 : i32
        %dma_start3A_766 = arith.constant 0 : i32
        %dma_start3A_767 = tpu.memref_slice %dma_start3A_764[%run_scoped3A_478, %dma_start3A_765, %dma_start3A_766] : memref<2x64x64xf32, #tpu.memory_space<vmem_shared>> -> memref<1x64x64xf32, #tpu.memory_space<vmem_shared>>
        %dma_start3A_768 = tpu.memref_squeeze %dma_start3A_767 : memref<1x64x64xf32, #tpu.memory_space<vmem_shared>> -> memref<64x64xf32, #tpu.memory_space<vmem_shared>>
        %dma_start3A_769 = arith.constant 0 : i32
        %dma_start3A_770 = arith.constant 0 : i32
        %dma_start3A_771 = tpu.memref_slice %dma_start3A_768[%dma_start3A_769, %dma_start3A_770] : memref<64x64xf32, #tpu.memory_space<vmem_shared>> -> memref<64x64xf32, #tpu.memory_space<vmem_shared>>
        tpu.enqueue_indirect_dma source(%dma_start3A_759 : memref<64x64xf32, #tpu.memory_space<vmem>>) target(%dma_start3A_771 : memref<64x64xf32, #tpu.memory_space<vmem_shared>>) offsets(%arg10 : memref<64xi32, #tpu.memory_space<vmem>>) semaphore(%run_scoped3A_750 : memref<!tpu.dma_semaphore, #tpu.memory_space<semaphore_mem>>) {add = true}
        %dma_wait3A_772 = arith.constant 0 : i32
        %dma_wait3A_773 = arith.constant 0 : i32
        %dma_wait3A_774 = arith.constant 0 : i32
        %dma_wait3A_775 = tpu.memref_slice %arg11[%run_scoped3A_476, %dma_wait3A_772, %dma_wait3A_773, %dma_wait3A_774] : memref<2x8x64x64xf32, #tpu.memory_space<vmem>> -> memref<1x8x64x64xf32, #tpu.memory_space<vmem>>
        %dma_wait3A_776 = tpu.memref_squeeze %dma_wait3A_775 : memref<1x8x64x64xf32, #tpu.memory_space<vmem>> -> memref<8x64x64xf32, #tpu.memory_space<vmem>>
        %dma_wait3A_777 = arith.constant 0 : i32
        %dma_wait3A_778 = arith.constant 0 : i32
        %dma_wait3A_779 = tpu.memref_slice %dma_wait3A_776[%run_scoped3A_477, %dma_wait3A_777, %dma_wait3A_778] : memref<8x64x64xf32, #tpu.memory_space<vmem>> -> memref<1x64x64xf32, #tpu.memory_space<vmem>>
        %dma_wait3A_780 = tpu.memref_squeeze %dma_wait3A_779 : memref<1x64x64xf32, #tpu.memory_space<vmem>> -> memref<64x64xf32, #tpu.memory_space<vmem>>
        %dma_wait3A_781 = arith.constant 0 : i32
        %dma_wait3A_782 = arith.constant 0 : i32
        %dma_wait3A_783 = arith.constant 0 : i32
        %dma_wait3A_784 = tpu.memref_slice %arg12[%arg1, %dma_wait3A_781, %dma_wait3A_782, %dma_wait3A_783] : memref<16x2x64x64xf32, #tpu.memory_space<vmem_shared>> -> memref<1x2x64x64xf32, #tpu.memory_space<vmem_shared>>
        %dma_wait3A_785 = tpu.memref_squeeze %dma_wait3A_784 : memref<1x2x64x64xf32, #tpu.memory_space<vmem_shared>> -> memref<2x64x64xf32, #tpu.memory_space<vmem_shared>>
        %dma_wait3A_786 = arith.constant 0 : i32
        %dma_wait3A_787 = arith.constant 0 : i32
        %dma_wait3A_788 = tpu.memref_slice %dma_wait3A_785[%run_scoped3A_478, %dma_wait3A_786, %dma_wait3A_787] : memref<2x64x64xf32, #tpu.memory_space<vmem_shared>> -> memref<1x64x64xf32, #tpu.memory_space<vmem_shared>>
        %dma_wait3A_789 = tpu.memref_squeeze %dma_wait3A_788 : memref<1x64x64xf32, #tpu.memory_space<vmem_shared>> -> memref<64x64xf32, #tpu.memory_space<vmem_shared>>
        %dma_wait3A_790 = arith.constant 0 : i32
        %dma_wait3A_791 = arith.constant 0 : i32
        %dma_wait3A_792 = tpu.memref_slice %dma_wait3A_789[%dma_wait3A_790, %dma_wait3A_791] : memref<64x64xf32, #tpu.memory_space<vmem_shared>> -> memref<64x64xf32, #tpu.memory_space<vmem_shared>>
        tpu.wait_indirect_dma semaphore(%run_scoped3A_750 : memref<!tpu.dma_semaphore, #tpu.memory_space<semaphore_mem>>) src(%dma_wait3A_780 : memref<64x64xf32, #tpu.memory_space<vmem>>) dst(%dma_wait3A_792 : memref<64x64xf32, #tpu.memory_space<vmem_shared>>)
        tpu.yield
      }) : () -> ()
      %run_scoped3A_479 = arith.constant 0 : i32
      %run_scoped3A_480 = arith.constant 5 : i32
      %run_scoped3A_481 = arith.constant 0 : i32
      "tpu.region"() ({
        %run_scoped3A_750 = tpu.sem_alloc : memref<!tpu.dma_semaphore, #tpu.memory_space<semaphore_mem>>
        %dma_start3A_751 = arith.constant 0 : i32
        %dma_start3A_752 = arith.constant 0 : i32
        %dma_start3A_753 = arith.constant 0 : i32
        %dma_start3A_754 = tpu.memref_slice %arg11[%run_scoped3A_479, %dma_start3A_751, %dma_start3A_752, %dma_start3A_753] : memref<2x8x64x64xf32, #tpu.memory_space<vmem>> -> memref<1x8x64x64xf32, #tpu.memory_space<vmem>>
        %dma_start3A_755 = tpu.memref_squeeze %dma_start3A_754 : memref<1x8x64x64xf32, #tpu.memory_space<vmem>> -> memref<8x64x64xf32, #tpu.memory_space<vmem>>
        %dma_start3A_756 = arith.constant 0 : i32
        %dma_start3A_757 = arith.constant 0 : i32
        %dma_start3A_758 = tpu.memref_slice %dma_start3A_755[%run_scoped3A_480, %dma_start3A_756, %dma_start3A_757] : memref<8x64x64xf32, #tpu.memory_space<vmem>> -> memref<1x64x64xf32, #tpu.memory_space<vmem>>
        %dma_start3A_759 = tpu.memref_squeeze %dma_start3A_758 : memref<1x64x64xf32, #tpu.memory_space<vmem>> -> memref<64x64xf32, #tpu.memory_space<vmem>>
        %dma_start3A_760 = arith.constant 0 : i32
        %dma_start3A_761 = arith.constant 0 : i32
        %dma_start3A_762 = arith.constant 0 : i32
        %dma_start3A_763 = tpu.memref_slice %arg12[%arg1, %dma_start3A_760, %dma_start3A_761, %dma_start3A_762] : memref<16x2x64x64xf32, #tpu.memory_space<vmem_shared>> -> memref<1x2x64x64xf32, #tpu.memory_space<vmem_shared>>
        %dma_start3A_764 = tpu.memref_squeeze %dma_start3A_763 : memref<1x2x64x64xf32, #tpu.memory_space<vmem_shared>> -> memref<2x64x64xf32, #tpu.memory_space<vmem_shared>>
        %dma_start3A_765 = arith.constant 0 : i32
        %dma_start3A_766 = arith.constant 0 : i32
        %dma_start3A_767 = tpu.memref_slice %dma_start3A_764[%run_scoped3A_481, %dma_start3A_765, %dma_start3A_766] : memref<2x64x64xf32, #tpu.memory_space<vmem_shared>> -> memref<1x64x64xf32, #tpu.memory_space<vmem_shared>>
        %dma_start3A_768 = tpu.memref_squeeze %dma_start3A_767 : memref<1x64x64xf32, #tpu.memory_space<vmem_shared>> -> memref<64x64xf32, #tpu.memory_space<vmem_shared>>
        %dma_start3A_769 = arith.constant 0 : i32
        %dma_start3A_770 = arith.constant 0 : i32
        %dma_start3A_771 = tpu.memref_slice %dma_start3A_768[%dma_start3A_769, %dma_start3A_770] : memref<64x64xf32, #tpu.memory_space<vmem_shared>> -> memref<64x64xf32, #tpu.memory_space<vmem_shared>>
        tpu.enqueue_indirect_dma source(%dma_start3A_759 : memref<64x64xf32, #tpu.memory_space<vmem>>) target(%dma_start3A_771 : memref<64x64xf32, #tpu.memory_space<vmem_shared>>) offsets(%arg10 : memref<64xi32, #tpu.memory_space<vmem>>) semaphore(%run_scoped3A_750 : memref<!tpu.dma_semaphore, #tpu.memory_space<semaphore_mem>>) {add = true}
        %dma_wait3A_772 = arith.constant 0 : i32
        %dma_wait3A_773 = arith.constant 0 : i32
        %dma_wait3A_774 = arith.constant 0 : i32
        %dma_wait3A_775 = tpu.memref_slice %arg11[%run_scoped3A_479, %dma_wait3A_772, %dma_wait3A_773, %dma_wait3A_774] : memref<2x8x64x64xf32, #tpu.memory_space<vmem>> -> memref<1x8x64x64xf32, #tpu.memory_space<vmem>>
        %dma_wait3A_776 = tpu.memref_squeeze %dma_wait3A_775 : memref<1x8x64x64xf32, #tpu.memory_space<vmem>> -> memref<8x64x64xf32, #tpu.memory_space<vmem>>
        %dma_wait3A_777 = arith.constant 0 : i32
        %dma_wait3A_778 = arith.constant 0 : i32
        %dma_wait3A_779 = tpu.memref_slice %dma_wait3A_776[%run_scoped3A_480, %dma_wait3A_777, %dma_wait3A_778] : memref<8x64x64xf32, #tpu.memory_space<vmem>> -> memref<1x64x64xf32, #tpu.memory_space<vmem>>
        %dma_wait3A_780 = tpu.memref_squeeze %dma_wait3A_779 : memref<1x64x64xf32, #tpu.memory_space<vmem>> -> memref<64x64xf32, #tpu.memory_space<vmem>>
        %dma_wait3A_781 = arith.constant 0 : i32
        %dma_wait3A_782 = arith.constant 0 : i32
        %dma_wait3A_783 = arith.constant 0 : i32
        %dma_wait3A_784 = tpu.memref_slice %arg12[%arg1, %dma_wait3A_781, %dma_wait3A_782, %dma_wait3A_783] : memref<16x2x64x64xf32, #tpu.memory_space<vmem_shared>> -> memref<1x2x64x64xf32, #tpu.memory_space<vmem_shared>>
        %dma_wait3A_785 = tpu.memref_squeeze %dma_wait3A_784 : memref<1x2x64x64xf32, #tpu.memory_space<vmem_shared>> -> memref<2x64x64xf32, #tpu.memory_space<vmem_shared>>
        %dma_wait3A_786 = arith.constant 0 : i32
        %dma_wait3A_787 = arith.constant 0 : i32
        %dma_wait3A_788 = tpu.memref_slice %dma_wait3A_785[%run_scoped3A_481, %dma_wait3A_786, %dma_wait3A_787] : memref<2x64x64xf32, #tpu.memory_space<vmem_shared>> -> memref<1x64x64xf32, #tpu.memory_space<vmem_shared>>
        %dma_wait3A_789 = tpu.memref_squeeze %dma_wait3A_788 : memref<1x64x64xf32, #tpu.memory_space<vmem_shared>> -> memref<64x64xf32, #tpu.memory_space<vmem_shared>>
        %dma_wait3A_790 = arith.constant 0 : i32
        %dma_wait3A_791 = arith.constant 0 : i32
        %dma_wait3A_792 = tpu.memref_slice %dma_wait3A_789[%dma_wait3A_790, %dma_wait3A_791] : memref<64x64xf32, #tpu.memory_space<vmem_shared>> -> memref<64x64xf32, #tpu.memory_space<vmem_shared>>
        tpu.wait_indirect_dma semaphore(%run_scoped3A_750 : memref<!tpu.dma_semaphore, #tpu.memory_space<semaphore_mem>>) src(%dma_wait3A_780 : memref<64x64xf32, #tpu.memory_space<vmem>>) dst(%dma_wait3A_792 : memref<64x64xf32, #tpu.memory_space<vmem_shared>>)
        tpu.yield
      }) : () -> ()
      %run_scoped3A_482 = arith.constant 0 : i32
      %run_scoped3A_483 = arith.constant 6 : i32
      %run_scoped3A_484 = arith.constant 0 : i32
      "tpu.region"() ({
        %run_scoped3A_750 = tpu.sem_alloc : memref<!tpu.dma_semaphore, #tpu.memory_space<semaphore_mem>>
        %dma_start3A_751 = arith.constant 0 : i32
        %dma_start3A_752 = arith.constant 0 : i32
        %dma_start3A_753 = arith.constant 0 : i32
        %dma_start3A_754 = tpu.memref_slice %arg11[%run_scoped3A_482, %dma_start3A_751, %dma_start3A_752, %dma_start3A_753] : memref<2x8x64x64xf32, #tpu.memory_space<vmem>> -> memref<1x8x64x64xf32, #tpu.memory_space<vmem>>
        %dma_start3A_755 = tpu.memref_squeeze %dma_start3A_754 : memref<1x8x64x64xf32, #tpu.memory_space<vmem>> -> memref<8x64x64xf32, #tpu.memory_space<vmem>>
        %dma_start3A_756 = arith.constant 0 : i32
        %dma_start3A_757 = arith.constant 0 : i32
        %dma_start3A_758 = tpu.memref_slice %dma_start3A_755[%run_scoped3A_483, %dma_start3A_756, %dma_start3A_757] : memref<8x64x64xf32, #tpu.memory_space<vmem>> -> memref<1x64x64xf32, #tpu.memory_space<vmem>>
        %dma_start3A_759 = tpu.memref_squeeze %dma_start3A_758 : memref<1x64x64xf32, #tpu.memory_space<vmem>> -> memref<64x64xf32, #tpu.memory_space<vmem>>
        %dma_start3A_760 = arith.constant 0 : i32
        %dma_start3A_761 = arith.constant 0 : i32
        %dma_start3A_762 = arith.constant 0 : i32
        %dma_start3A_763 = tpu.memref_slice %arg12[%arg1, %dma_start3A_760, %dma_start3A_761, %dma_start3A_762] : memref<16x2x64x64xf32, #tpu.memory_space<vmem_shared>> -> memref<1x2x64x64xf32, #tpu.memory_space<vmem_shared>>
        %dma_start3A_764 = tpu.memref_squeeze %dma_start3A_763 : memref<1x2x64x64xf32, #tpu.memory_space<vmem_shared>> -> memref<2x64x64xf32, #tpu.memory_space<vmem_shared>>
        %dma_start3A_765 = arith.constant 0 : i32
        %dma_start3A_766 = arith.constant 0 : i32
        %dma_start3A_767 = tpu.memref_slice %dma_start3A_764[%run_scoped3A_484, %dma_start3A_765, %dma_start3A_766] : memref<2x64x64xf32, #tpu.memory_space<vmem_shared>> -> memref<1x64x64xf32, #tpu.memory_space<vmem_shared>>
        %dma_start3A_768 = tpu.memref_squeeze %dma_start3A_767 : memref<1x64x64xf32, #tpu.memory_space<vmem_shared>> -> memref<64x64xf32, #tpu.memory_space<vmem_shared>>
        %dma_start3A_769 = arith.constant 0 : i32
        %dma_start3A_770 = arith.constant 0 : i32
        %dma_start3A_771 = tpu.memref_slice %dma_start3A_768[%dma_start3A_769, %dma_start3A_770] : memref<64x64xf32, #tpu.memory_space<vmem_shared>> -> memref<64x64xf32, #tpu.memory_space<vmem_shared>>
        tpu.enqueue_indirect_dma source(%dma_start3A_759 : memref<64x64xf32, #tpu.memory_space<vmem>>) target(%dma_start3A_771 : memref<64x64xf32, #tpu.memory_space<vmem_shared>>) offsets(%arg10 : memref<64xi32, #tpu.memory_space<vmem>>) semaphore(%run_scoped3A_750 : memref<!tpu.dma_semaphore, #tpu.memory_space<semaphore_mem>>) {add = true}
        %dma_wait3A_772 = arith.constant 0 : i32
        %dma_wait3A_773 = arith.constant 0 : i32
        %dma_wait3A_774 = arith.constant 0 : i32
        %dma_wait3A_775 = tpu.memref_slice %arg11[%run_scoped3A_482, %dma_wait3A_772, %dma_wait3A_773, %dma_wait3A_774] : memref<2x8x64x64xf32, #tpu.memory_space<vmem>> -> memref<1x8x64x64xf32, #tpu.memory_space<vmem>>
        %dma_wait3A_776 = tpu.memref_squeeze %dma_wait3A_775 : memref<1x8x64x64xf32, #tpu.memory_space<vmem>> -> memref<8x64x64xf32, #tpu.memory_space<vmem>>
        %dma_wait3A_777 = arith.constant 0 : i32
        %dma_wait3A_778 = arith.constant 0 : i32
        %dma_wait3A_779 = tpu.memref_slice %dma_wait3A_776[%run_scoped3A_483, %dma_wait3A_777, %dma_wait3A_778] : memref<8x64x64xf32, #tpu.memory_space<vmem>> -> memref<1x64x64xf32, #tpu.memory_space<vmem>>
        %dma_wait3A_780 = tpu.memref_squeeze %dma_wait3A_779 : memref<1x64x64xf32, #tpu.memory_space<vmem>> -> memref<64x64xf32, #tpu.memory_space<vmem>>
        %dma_wait3A_781 = arith.constant 0 : i32
        %dma_wait3A_782 = arith.constant 0 : i32
        %dma_wait3A_783 = arith.constant 0 : i32
        %dma_wait3A_784 = tpu.memref_slice %arg12[%arg1, %dma_wait3A_781, %dma_wait3A_782, %dma_wait3A_783] : memref<16x2x64x64xf32, #tpu.memory_space<vmem_shared>> -> memref<1x2x64x64xf32, #tpu.memory_space<vmem_shared>>
        %dma_wait3A_785 = tpu.memref_squeeze %dma_wait3A_784 : memref<1x2x64x64xf32, #tpu.memory_space<vmem_shared>> -> memref<2x64x64xf32, #tpu.memory_space<vmem_shared>>
        %dma_wait3A_786 = arith.constant 0 : i32
        %dma_wait3A_787 = arith.constant 0 : i32
        %dma_wait3A_788 = tpu.memref_slice %dma_wait3A_785[%run_scoped3A_484, %dma_wait3A_786, %dma_wait3A_787] : memref<2x64x64xf32, #tpu.memory_space<vmem_shared>> -> memref<1x64x64xf32, #tpu.memory_space<vmem_shared>>
        %dma_wait3A_789 = tpu.memref_squeeze %dma_wait3A_788 : memref<1x64x64xf32, #tpu.memory_space<vmem_shared>> -> memref<64x64xf32, #tpu.memory_space<vmem_shared>>
        %dma_wait3A_790 = arith.constant 0 : i32
        %dma_wait3A_791 = arith.constant 0 : i32
        %dma_wait3A_792 = tpu.memref_slice %dma_wait3A_789[%dma_wait3A_790, %dma_wait3A_791] : memref<64x64xf32, #tpu.memory_space<vmem_shared>> -> memref<64x64xf32, #tpu.memory_space<vmem_shared>>
        tpu.wait_indirect_dma semaphore(%run_scoped3A_750 : memref<!tpu.dma_semaphore, #tpu.memory_space<semaphore_mem>>) src(%dma_wait3A_780 : memref<64x64xf32, #tpu.memory_space<vmem>>) dst(%dma_wait3A_792 : memref<64x64xf32, #tpu.memory_space<vmem_shared>>)
        tpu.yield
      }) : () -> ()
      %run_scoped3A_485 = arith.constant 0 : i32
      %run_scoped3A_486 = arith.constant 7 : i32
      %run_scoped3A_487 = arith.constant 0 : i32
      "tpu.region"() ({
        %run_scoped3A_750 = tpu.sem_alloc : memref<!tpu.dma_semaphore, #tpu.memory_space<semaphore_mem>>
        %dma_start3A_751 = arith.constant 0 : i32
        %dma_start3A_752 = arith.constant 0 : i32
        %dma_start3A_753 = arith.constant 0 : i32
        %dma_start3A_754 = tpu.memref_slice %arg11[%run_scoped3A_485, %dma_start3A_751, %dma_start3A_752, %dma_start3A_753] : memref<2x8x64x64xf32, #tpu.memory_space<vmem>> -> memref<1x8x64x64xf32, #tpu.memory_space<vmem>>
        %dma_start3A_755 = tpu.memref_squeeze %dma_start3A_754 : memref<1x8x64x64xf32, #tpu.memory_space<vmem>> -> memref<8x64x64xf32, #tpu.memory_space<vmem>>
        %dma_start3A_756 = arith.constant 0 : i32
        %dma_start3A_757 = arith.constant 0 : i32
        %dma_start3A_758 = tpu.memref_slice %dma_start3A_755[%run_scoped3A_486, %dma_start3A_756, %dma_start3A_757] : memref<8x64x64xf32, #tpu.memory_space<vmem>> -> memref<1x64x64xf32, #tpu.memory_space<vmem>>
        %dma_start3A_759 = tpu.memref_squeeze %dma_start3A_758 : memref<1x64x64xf32, #tpu.memory_space<vmem>> -> memref<64x64xf32, #tpu.memory_space<vmem>>
        %dma_start3A_760 = arith.constant 0 : i32
        %dma_start3A_761 = arith.constant 0 : i32
        %dma_start3A_762 = arith.constant 0 : i32
        %dma_start3A_763 = tpu.memref_slice %arg12[%arg1, %dma_start3A_760, %dma_start3A_761, %dma_start3A_762] : memref<16x2x64x64xf32, #tpu.memory_space<vmem_shared>> -> memref<1x2x64x64xf32, #tpu.memory_space<vmem_shared>>
        %dma_start3A_764 = tpu.memref_squeeze %dma_start3A_763 : memref<1x2x64x64xf32, #tpu.memory_space<vmem_shared>> -> memref<2x64x64xf32, #tpu.memory_space<vmem_shared>>
        %dma_start3A_765 = arith.constant 0 : i32
        %dma_start3A_766 = arith.constant 0 : i32
        %dma_start3A_767 = tpu.memref_slice %dma_start3A_764[%run_scoped3A_487, %dma_start3A_765, %dma_start3A_766] : memref<2x64x64xf32, #tpu.memory_space<vmem_shared>> -> memref<1x64x64xf32, #tpu.memory_space<vmem_shared>>
        %dma_start3A_768 = tpu.memref_squeeze %dma_start3A_767 : memref<1x64x64xf32, #tpu.memory_space<vmem_shared>> -> memref<64x64xf32, #tpu.memory_space<vmem_shared>>
        %dma_start3A_769 = arith.constant 0 : i32
        %dma_start3A_770 = arith.constant 0 : i32
        %dma_start3A_771 = tpu.memref_slice %dma_start3A_768[%dma_start3A_769, %dma_start3A_770] : memref<64x64xf32, #tpu.memory_space<vmem_shared>> -> memref<64x64xf32, #tpu.memory_space<vmem_shared>>
        tpu.enqueue_indirect_dma source(%dma_start3A_759 : memref<64x64xf32, #tpu.memory_space<vmem>>) target(%dma_start3A_771 : memref<64x64xf32, #tpu.memory_space<vmem_shared>>) offsets(%arg10 : memref<64xi32, #tpu.memory_space<vmem>>) semaphore(%run_scoped3A_750 : memref<!tpu.dma_semaphore, #tpu.memory_space<semaphore_mem>>) {add = true}
        %dma_wait3A_772 = arith.constant 0 : i32
        %dma_wait3A_773 = arith.constant 0 : i32
        %dma_wait3A_774 = arith.constant 0 : i32
        %dma_wait3A_775 = tpu.memref_slice %arg11[%run_scoped3A_485, %dma_wait3A_772, %dma_wait3A_773, %dma_wait3A_774] : memref<2x8x64x64xf32, #tpu.memory_space<vmem>> -> memref<1x8x64x64xf32, #tpu.memory_space<vmem>>
        %dma_wait3A_776 = tpu.memref_squeeze %dma_wait3A_775 : memref<1x8x64x64xf32, #tpu.memory_space<vmem>> -> memref<8x64x64xf32, #tpu.memory_space<vmem>>
        %dma_wait3A_777 = arith.constant 0 : i32
        %dma_wait3A_778 = arith.constant 0 : i32
        %dma_wait3A_779 = tpu.memref_slice %dma_wait3A_776[%run_scoped3A_486, %dma_wait3A_777, %dma_wait3A_778] : memref<8x64x64xf32, #tpu.memory_space<vmem>> -> memref<1x64x64xf32, #tpu.memory_space<vmem>>
        %dma_wait3A_780 = tpu.memref_squeeze %dma_wait3A_779 : memref<1x64x64xf32, #tpu.memory_space<vmem>> -> memref<64x64xf32, #tpu.memory_space<vmem>>
        %dma_wait3A_781 = arith.constant 0 : i32
        %dma_wait3A_782 = arith.constant 0 : i32
        %dma_wait3A_783 = arith.constant 0 : i32
        %dma_wait3A_784 = tpu.memref_slice %arg12[%arg1, %dma_wait3A_781, %dma_wait3A_782, %dma_wait3A_783] : memref<16x2x64x64xf32, #tpu.memory_space<vmem_shared>> -> memref<1x2x64x64xf32, #tpu.memory_space<vmem_shared>>
        %dma_wait3A_785 = tpu.memref_squeeze %dma_wait3A_784 : memref<1x2x64x64xf32, #tpu.memory_space<vmem_shared>> -> memref<2x64x64xf32, #tpu.memory_space<vmem_shared>>
        %dma_wait3A_786 = arith.constant 0 : i32
        %dma_wait3A_787 = arith.constant 0 : i32
        %dma_wait3A_788 = tpu.memref_slice %dma_wait3A_785[%run_scoped3A_487, %dma_wait3A_786, %dma_wait3A_787] : memref<2x64x64xf32, #tpu.memory_space<vmem_shared>> -> memref<1x64x64xf32, #tpu.memory_space<vmem_shared>>
        %dma_wait3A_789 = tpu.memref_squeeze %dma_wait3A_788 : memref<1x64x64xf32, #tpu.memory_space<vmem_shared>> -> memref<64x64xf32, #tpu.memory_space<vmem_shared>>
        %dma_wait3A_790 = arith.constant 0 : i32
        %dma_wait3A_791 = arith.constant 0 : i32
        %dma_wait3A_792 = tpu.memref_slice %dma_wait3A_789[%dma_wait3A_790, %dma_wait3A_791] : memref<64x64xf32, #tpu.memory_space<vmem_shared>> -> memref<64x64xf32, #tpu.memory_space<vmem_shared>>
        tpu.wait_indirect_dma semaphore(%run_scoped3A_750 : memref<!tpu.dma_semaphore, #tpu.memory_space<semaphore_mem>>) src(%dma_wait3A_780 : memref<64x64xf32, #tpu.memory_space<vmem>>) dst(%dma_wait3A_792 : memref<64x64xf32, #tpu.memory_space<vmem_shared>>)
        tpu.yield
      }) : () -> ()
      %mul3A_488 = arith.constant 64 : i32
      %mul3A_489 = arith.muli %add3A_264, %mul3A_488 : i32
      %add3A_490 = arith.addi %mul3A_2, %mul3A_489 : i32
      %dma_start3A_491 = arith.constant 0 : i32
      %dma_start3A_492 = arith.constant 0 : i32
      %dma_start3A_493 = tpu.memref_slice %arg5[%add3A_490, %dma_start3A_492] : memref<204800x64xf32, #tpu.memory_space<hbm>> -> memref<64x64xf32, #tpu.memory_space<hbm>>
      %dma_start3A_494 = arith.constant 0 : i32
      %dma_start3A_495 = arith.constant 0 : i32
      %dma_start3A_496 = arith.constant 0 : i32
      %dma_start3A_497 = tpu.memref_slice %arg12[%arg1, %dma_start3A_494, %dma_start3A_495, %dma_start3A_496] : memref<16x2x64x64xf32, #tpu.memory_space<vmem_shared>> -> memref<1x2x64x64xf32, #tpu.memory_space<vmem_shared>>
      %dma_start3A_498 = tpu.memref_squeeze %dma_start3A_497 : memref<1x2x64x64xf32, #tpu.memory_space<vmem_shared>> -> memref<2x64x64xf32, #tpu.memory_space<vmem_shared>>
      %dma_start3A_499 = arith.constant 0 : i32
      %dma_start3A_500 = arith.constant 0 : i32
      %dma_start3A_501 = tpu.memref_slice %dma_start3A_498[%dma_start3A_491, %dma_start3A_499, %dma_start3A_500] : memref<2x64x64xf32, #tpu.memory_space<vmem_shared>> -> memref<1x64x64xf32, #tpu.memory_space<vmem_shared>>
      %dma_start3A_502 = tpu.memref_squeeze %dma_start3A_501 : memref<1x64x64xf32, #tpu.memory_space<vmem_shared>> -> memref<64x64xf32, #tpu.memory_space<vmem_shared>>
      tpu.enqueue_dma source(%dma_start3A_502 : memref<64x64xf32, #tpu.memory_space<vmem_shared>>) target(%dma_start3A_493 : memref<64x64xf32, #tpu.memory_space<hbm>>) target_semaphore(%arg16 : memref<!tpu.dma_semaphore, #tpu.memory_space<semaphore_mem>>)
      %mul3A_503 = arith.constant 2 : i32
      %mul3A_504 = arith.muli %mul3A_503, %scan3A_259 : i32
      %add3A_505 = arith.constant 1 : i32
      %add3A_506 = arith.addi %mul3A_504, %add3A_505 : i32
      %add3A_507 = arith.constant 1 : i32
      %add3A_508 = arith.addi %add3A_506, %add3A_507 : i32
      %lt3A_509 = arith.constant 100 : i32
      %lt3A_510 = arith.cmpi slt, %add3A_508, %lt3A_509 : i32
      %convert_element_type3A_511 = arith.extui %lt3A_510 : i1 to i32
      %cond3A_512 = arith.constant 0 : i32
      %cond3A_513 = arith.cmpi ne, %convert_element_type3A_511, %cond3A_512 : i32
      scf.if %cond3A_513 {
        %dma_wait3A_750 = arith.constant 0 : i32
        %dma_wait3A_751 = arith.constant 0 : i32
        %dma_wait3A_752 = tpu.memref_slice %arg6[%dma_wait3A_750, %dma_wait3A_751] : memref<2x64xi32, #tpu.memory_space<vmem>> -> memref<1x64xi32, #tpu.memory_space<vmem>>
        %dma_wait3A_753 = tpu.memref_squeeze %dma_wait3A_752 : memref<1x64xi32, #tpu.memory_space<vmem>> -> memref<64xi32, #tpu.memory_space<vmem>>
        %dma_wait3A_754 = arith.constant 0 : i32
        %dma_wait3A_755 = arith.constant 0 : i32
        %dma_wait3A_756 = tpu.memref_slice %arg3[%dma_wait3A_754, %dma_wait3A_755] : memref<1000000x8xi32, #tpu.memory_space<hbm>> -> memref<1000000x8xi32, #tpu.memory_space<hbm>>
        tpu.wait_indirect_dma semaphore(%arg13 : memref<!tpu.dma_semaphore, #tpu.memory_space<semaphore_mem>>) src(%dma_wait3A_756 : memref<1000000x8xi32, #tpu.memory_space<hbm>>) dst(%arg7 : memref<64x8xi32, #tpu.memory_space<vmem>>)
        %scan3A_757 = arith.constant 0 : i32
        %scan3A_758 = arith.constant 0 : i32
        %scan3A_759 = arith.constant 32 : i32
        %scan3A_760 = arith.addi %scan3A_758, %scan3A_759 : i32
        %scan3A_761 = arith.constant 1 : i32
        %scan3A_762 = scf.for %scan3A_948 = %scan3A_758 to %scan3A_760 step %scan3A_761 iter_args(%scan3A_949 = %scan3A_757) -> (i32)  : i32 {
          %iota3A = tpu.iota {dimensions = array<i32: 0>} : vector<16xi32>
          %jit3A = arith.constant 4 : i32
          %div3A = arith.divsi %scan3A_948, %jit3A : i32
          %sign3A = arith.constant 0 : i32
          %sign3A_950 = arith.cmpi sgt, %scan3A_948, %sign3A : i32
          %sign3A_951 = arith.extui %sign3A_950 : i1 to i32
          %sign3A_952 = arith.constant 0 : i32
          %sign3A_953 = arith.cmpi slt, %scan3A_948, %sign3A_952 : i32
          %sign3A_954 = arith.extui %sign3A_953 : i1 to i32
          %sign3A_955 = arith.subi %sign3A_951, %sign3A_954 : i32
          %sign3A_956 = arith.constant 0 : i32
          %sign3A_957 = arith.cmpi sgt, %jit3A, %sign3A_956 : i32
          %sign3A_958 = arith.extui %sign3A_957 : i1 to i32
          %sign3A_959 = arith.constant 0 : i32
          %sign3A_960 = arith.cmpi slt, %jit3A, %sign3A_959 : i32
          %sign3A_961 = arith.extui %sign3A_960 : i1 to i32
          %sign3A_962 = arith.subi %sign3A_958, %sign3A_961 : i32
          %ne3A = arith.cmpi ne, %sign3A_955, %sign3A_962 : i32
          %rem3A = arith.remsi %scan3A_948, %jit3A : i32
          %ne3A_963 = arith.constant 0 : i32
          %ne3A_964 = arith.cmpi ne, %rem3A, %ne3A_963 : i32
          %and3A = arith.andi %ne3A, %ne3A_964 : i1
          %sub3A = arith.constant 1 : i32
          %sub3A_965 = arith.subi %div3A, %sub3A : i32
          %select_n3A = arith.select %and3A, %sub3A_965, %div3A : i32
          %jit3A_966 = arith.constant 4 : i32
          %eq3A = arith.constant 0 : i32
          %eq3A_967 = arith.cmpi eq, %jit3A_966, %eq3A : i32
          %jit3A_968 = arith.constant 1 : i32
          %select_n3A_969 = arith.select %eq3A_967, %jit3A_968, %jit3A_966 : i32
          %rem3A_970 = arith.remsi %scan3A_948, %select_n3A_969 : i32
          %ne3A_971 = arith.constant 0 : i32
          %ne3A_972 = arith.cmpi ne, %rem3A_970, %ne3A_971 : i32
          %lt3A_973 = arith.constant 0 : i32
          %lt3A_974 = arith.cmpi slt, %rem3A_970, %lt3A_973 : i32
          %lt3A_975 = arith.constant 0 : i32
          %lt3A_976 = arith.cmpi slt, %select_n3A_969, %lt3A_975 : i32
          %ne3A_977 = arith.xori %lt3A_974, %lt3A_976 : i1
          %and3A_978 = arith.andi %ne3A_977, %ne3A_972 : i1
          %add3A_979 = arith.addi %rem3A_970, %select_n3A_969 : i32
          %select_n3A_980 = arith.select %and3A_978, %add3A_979, %rem3A_970 : i32
          %mul3A_981 = arith.constant 16 : i32
          %mul3A_982 = arith.muli %select_n3A_980, %mul3A_981 : i32
          %add3A_983 = vector.broadcast %mul3A_982 : i32 to vector<16xi32>
          %add3A_984 = arith.addi %add3A_983, %iota3A : vector<16xi32>
          %broadcast_in_dim3A = arith.constant 0 : i32
          %broadcast_in_dim3A_985 = vector.broadcast %broadcast_in_dim3A : i32 to vector<16xi32>
          %add3A_986 = vector.broadcast %select_n3A : i32 to vector<16xi32>
          %add3A_987 = arith.addi %broadcast_in_dim3A_985, %add3A_986 : vector<16xi32>
          %gather3A = tpu.vector_load_idx %arg7[%add3A_984, %add3A_987] : memref<64x8xi32, #tpu.memory_space<vmem>>[vector<16xi32>, vector<16xi32>], vector<16xi32>,
          %jit3A_988 = arith.constant 4 : i32
          %eq3A_989 = arith.constant 0 : i32
          %eq3A_990 = arith.cmpi eq, %jit3A_988, %eq3A_989 : i32
          %jit3A_991 = arith.constant 1 : i32
          %select_n3A_992 = arith.select %eq3A_990, %jit3A_991, %jit3A_988 : i32
          %rem3A_993 = arith.remsi %scan3A_948, %select_n3A_992 : i32
          %ne3A_994 = arith.constant 0 : i32
          %ne3A_995 = arith.cmpi ne, %rem3A_993, %ne3A_994 : i32
          %lt3A_996 = arith.constant 0 : i32
          %lt3A_997 = arith.cmpi slt, %rem3A_993, %lt3A_996 : i32
          %lt3A_998 = arith.constant 0 : i32
          %lt3A_999 = arith.cmpi slt, %select_n3A_992, %lt3A_998 : i32
          %ne3A_1000 = arith.xori %lt3A_997, %lt3A_999 : i1
          %and3A_1001 = arith.andi %ne3A_1000, %ne3A_995 : i1
          %add3A_1002 = arith.addi %rem3A_993, %select_n3A_992 : i32
          %select_n3A_1003 = arith.select %and3A_1001, %add3A_1002, %rem3A_993 : i32
          %mul3A_1004 = arith.constant 16 : i32
          %mul3A_1005 = arith.muli %select_n3A_1003, %mul3A_1004 : i32
          %swap3A = arith.constant 0 : i32
          %swap3A_1006 = arith.index_cast %swap3A : i32 to index
          %swap3A_1007 = arith.index_cast %select_n3A : i32 to index
          %swap3A_1008 = arith.index_cast %mul3A_1005 : i32 to index
          %swap3A_1009 = tpu.vector_load %arg9[%swap3A_1006, %swap3A_1007, %swap3A_1008] {strides = array<i32>} : memref<2x8x64xi32, #tpu.memory_space<vmem>>, vector<16xi32>,
          tpu.vector_store %arg9[%swap3A_1006, %swap3A_1007, %swap3A_1008], %gather3A {strides = array<i32>} : memref<2x8x64xi32, #tpu.memory_space<vmem>>, vector<16xi32>,
          %scan3A_1010 = arith.constant 0 : i32
          scf.yield %scan3A_1010 : i32
        }
        %scan3A_763 = arith.constant 32 : i32
        %dma_start3A_764 = arith.constant 0 : i32
        %dma_start3A_765 = arith.constant 0 : i32
        %dma_start3A_766 = arith.constant 0 : i32
        %dma_start3A_767 = arith.constant 0 : i32
        %dma_start3A_768 = arith.constant 0 : i32
        %dma_start3A_769 = arith.constant 0 : i32
        %dma_start3A_770 = arith.constant 0 : i32
        %dma_start3A_771 = tpu.memref_slice %arg11[%dma_start3A_766, %dma_start3A_768, %dma_start3A_769, %dma_start3A_770] : memref<2x8x64x64xf32, #tpu.memory_space<vmem>> -> memref<1x8x64x64xf32, #tpu.memory_space<vmem>>
        %dma_start3A_772 = tpu.memref_squeeze %dma_start3A_771 : memref<1x8x64x64xf32, #tpu.memory_space<vmem>> -> memref<8x64x64xf32, #tpu.memory_space<vmem>>
        %dma_start3A_773 = arith.constant 0 : i32
        %dma_start3A_774 = arith.constant 0 : i32
        %dma_start3A_775 = tpu.memref_slice %dma_start3A_772[%dma_start3A_767, %dma_start3A_773, %dma_start3A_774] : memref<8x64x64xf32, #tpu.memory_space<vmem>> -> memref<1x64x64xf32, #tpu.memory_space<vmem>>
        %dma_start3A_776 = tpu.memref_squeeze %dma_start3A_775 : memref<1x64x64xf32, #tpu.memory_space<vmem>> -> memref<64x64xf32, #tpu.memory_space<vmem>>
        %dma_start3A_777 = arith.constant 0 : i32
        %dma_start3A_778 = arith.constant 0 : i32
        %dma_start3A_779 = tpu.memref_slice %arg9[%dma_start3A_764, %dma_start3A_777, %dma_start3A_778] : memref<2x8x64xi32, #tpu.memory_space<vmem>> -> memref<1x8x64xi32, #tpu.memory_space<vmem>>
        %dma_start3A_780 = tpu.memref_squeeze %dma_start3A_779 : memref<1x8x64xi32, #tpu.memory_space<vmem>> -> memref<8x64xi32, #tpu.memory_space<vmem>>
        %dma_start3A_781 = arith.constant 0 : i32
        %dma_start3A_782 = tpu.memref_slice %dma_start3A_780[%dma_start3A_765, %dma_start3A_781] : memref<8x64xi32, #tpu.memory_space<vmem>> -> memref<1x64xi32, #tpu.memory_space<vmem>>
        %dma_start3A_783 = tpu.memref_squeeze %dma_start3A_782 : memref<1x64xi32, #tpu.memory_space<vmem>> -> memref<64xi32, #tpu.memory_space<vmem>>
        %dma_start3A_784 = arith.constant 0 : i32
        %dma_start3A_785 = arith.constant 0 : i32
        %dma_start3A_786 = tpu.memref_slice %arg4[%dma_start3A_784, %dma_start3A_785] : memref<32768x64xf32, #tpu.memory_space<hbm>> -> memref<32768x64xf32, #tpu.memory_space<hbm>>
        tpu.enqueue_indirect_dma source(%dma_start3A_786 : memref<32768x64xf32, #tpu.memory_space<hbm>>) target(%dma_start3A_776 : memref<64x64xf32, #tpu.memory_space<vmem>>) offsets(%dma_start3A_783 : memref<64xi32, #tpu.memory_space<vmem>>) semaphore(%arg14 : memref<!tpu.dma_semaphore, #tpu.memory_space<semaphore_mem>>)
        %dma_start3A_787 = arith.constant 0 : i32
        %dma_start3A_788 = arith.constant 1 : i32
        %dma_start3A_789 = arith.constant 0 : i32
        %dma_start3A_790 = arith.constant 1 : i32
        %dma_start3A_791 = arith.constant 0 : i32
        %dma_start3A_792 = arith.constant 0 : i32
        %dma_start3A_793 = arith.constant 0 : i32
        %dma_start3A_794 = tpu.memref_slice %arg11[%dma_start3A_789, %dma_start3A_791, %dma_start3A_792, %dma_start3A_793] : memref<2x8x64x64xf32, #tpu.memory_space<vmem>> -> memref<1x8x64x64xf32, #tpu.memory_space<vmem>>
        %dma_start3A_795 = tpu.memref_squeeze %dma_start3A_794 : memref<1x8x64x64xf32, #tpu.memory_space<vmem>> -> memref<8x64x64xf32, #tpu.memory_space<vmem>>
        %dma_start3A_796 = arith.constant 0 : i32
        %dma_start3A_797 = arith.constant 0 : i32
        %dma_start3A_798 = tpu.memref_slice %dma_start3A_795[%dma_start3A_790, %dma_start3A_796, %dma_start3A_797] : memref<8x64x64xf32, #tpu.memory_space<vmem>> -> memref<1x64x64xf32, #tpu.memory_space<vmem>>
        %dma_start3A_799 = tpu.memref_squeeze %dma_start3A_798 : memref<1x64x64xf32, #tpu.memory_space<vmem>> -> memref<64x64xf32, #tpu.memory_space<vmem>>
        %dma_start3A_800 = arith.constant 0 : i32
        %dma_start3A_801 = arith.constant 0 : i32
        %dma_start3A_802 = tpu.memref_slice %arg9[%dma_start3A_787, %dma_start3A_800, %dma_start3A_801] : memref<2x8x64xi32, #tpu.memory_space<vmem>> -> memref<1x8x64xi32, #tpu.memory_space<vmem>>
        %dma_start3A_803 = tpu.memref_squeeze %dma_start3A_802 : memref<1x8x64xi32, #tpu.memory_space<vmem>> -> memref<8x64xi32, #tpu.memory_space<vmem>>
        %dma_start3A_804 = arith.constant 0 : i32
        %dma_start3A_805 = tpu.memref_slice %dma_start3A_803[%dma_start3A_788, %dma_start3A_804] : memref<8x64xi32, #tpu.memory_space<vmem>> -> memref<1x64xi32, #tpu.memory_space<vmem>>
        %dma_start3A_806 = tpu.memref_squeeze %dma_start3A_805 : memref<1x64xi32, #tpu.memory_space<vmem>> -> memref<64xi32, #tpu.memory_space<vmem>>
        %dma_start3A_807 = arith.constant 0 : i32
        %dma_start3A_808 = arith.constant 0 : i32
        %dma_start3A_809 = tpu.memref_slice %arg4[%dma_start3A_807, %dma_start3A_808] : memref<32768x64xf32, #tpu.memory_space<hbm>> -> memref<32768x64xf32, #tpu.memory_space<hbm>>
        tpu.enqueue_indirect_dma source(%dma_start3A_809 : memref<32768x64xf32, #tpu.memory_space<hbm>>) target(%dma_start3A_799 : memref<64x64xf32, #tpu.memory_space<vmem>>) offsets(%dma_start3A_806 : memref<64xi32, #tpu.memory_space<vmem>>) semaphore(%arg14 : memref<!tpu.dma_semaphore, #tpu.memory_space<semaphore_mem>>)
        %dma_start3A_810 = arith.constant 0 : i32
        %dma_start3A_811 = arith.constant 2 : i32
        %dma_start3A_812 = arith.constant 0 : i32
        %dma_start3A_813 = arith.constant 2 : i32
        %dma_start3A_814 = arith.constant 0 : i32
        %dma_start3A_815 = arith.constant 0 : i32
        %dma_start3A_816 = arith.constant 0 : i32
        %dma_start3A_817 = tpu.memref_slice %arg11[%dma_start3A_812, %dma_start3A_814, %dma_start3A_815, %dma_start3A_816] : memref<2x8x64x64xf32, #tpu.memory_space<vmem>> -> memref<1x8x64x64xf32, #tpu.memory_space<vmem>>
        %dma_start3A_818 = tpu.memref_squeeze %dma_start3A_817 : memref<1x8x64x64xf32, #tpu.memory_space<vmem>> -> memref<8x64x64xf32, #tpu.memory_space<vmem>>
        %dma_start3A_819 = arith.constant 0 : i32
        %dma_start3A_820 = arith.constant 0 : i32
        %dma_start3A_821 = tpu.memref_slice %dma_start3A_818[%dma_start3A_813, %dma_start3A_819, %dma_start3A_820] : memref<8x64x64xf32, #tpu.memory_space<vmem>> -> memref<1x64x64xf32, #tpu.memory_space<vmem>>
        %dma_start3A_822 = tpu.memref_squeeze %dma_start3A_821 : memref<1x64x64xf32, #tpu.memory_space<vmem>> -> memref<64x64xf32, #tpu.memory_space<vmem>>
        %dma_start3A_823 = arith.constant 0 : i32
        %dma_start3A_824 = arith.constant 0 : i32
        %dma_start3A_825 = tpu.memref_slice %arg9[%dma_start3A_810, %dma_start3A_823, %dma_start3A_824] : memref<2x8x64xi32, #tpu.memory_space<vmem>> -> memref<1x8x64xi32, #tpu.memory_space<vmem>>
        %dma_start3A_826 = tpu.memref_squeeze %dma_start3A_825 : memref<1x8x64xi32, #tpu.memory_space<vmem>> -> memref<8x64xi32, #tpu.memory_space<vmem>>
        %dma_start3A_827 = arith.constant 0 : i32
        %dma_start3A_828 = tpu.memref_slice %dma_start3A_826[%dma_start3A_811, %dma_start3A_827] : memref<8x64xi32, #tpu.memory_space<vmem>> -> memref<1x64xi32, #tpu.memory_space<vmem>>
        %dma_start3A_829 = tpu.memref_squeeze %dma_start3A_828 : memref<1x64xi32, #tpu.memory_space<vmem>> -> memref<64xi32, #tpu.memory_space<vmem>>
        %dma_start3A_830 = arith.constant 0 : i32
        %dma_start3A_831 = arith.constant 0 : i32
        %dma_start3A_832 = tpu.memref_slice %arg4[%dma_start3A_830, %dma_start3A_831] : memref<32768x64xf32, #tpu.memory_space<hbm>> -> memref<32768x64xf32, #tpu.memory_space<hbm>>
        tpu.enqueue_indirect_dma source(%dma_start3A_832 : memref<32768x64xf32, #tpu.memory_space<hbm>>) target(%dma_start3A_822 : memref<64x64xf32, #tpu.memory_space<vmem>>) offsets(%dma_start3A_829 : memref<64xi32, #tpu.memory_space<vmem>>) semaphore(%arg14 : memref<!tpu.dma_semaphore, #tpu.memory_space<semaphore_mem>>)
        %dma_start3A_833 = arith.constant 0 : i32
        %dma_start3A_834 = arith.constant 3 : i32
        %dma_start3A_835 = arith.constant 0 : i32
        %dma_start3A_836 = arith.constant 3 : i32
        %dma_start3A_837 = arith.constant 0 : i32
        %dma_start3A_838 = arith.constant 0 : i32
        %dma_start3A_839 = arith.constant 0 : i32
        %dma_start3A_840 = tpu.memref_slice %arg11[%dma_start3A_835, %dma_start3A_837, %dma_start3A_838, %dma_start3A_839] : memref<2x8x64x64xf32, #tpu.memory_space<vmem>> -> memref<1x8x64x64xf32, #tpu.memory_space<vmem>>
        %dma_start3A_841 = tpu.memref_squeeze %dma_start3A_840 : memref<1x8x64x64xf32, #tpu.memory_space<vmem>> -> memref<8x64x64xf32, #tpu.memory_space<vmem>>
        %dma_start3A_842 = arith.constant 0 : i32
        %dma_start3A_843 = arith.constant 0 : i32
        %dma_start3A_844 = tpu.memref_slice %dma_start3A_841[%dma_start3A_836, %dma_start3A_842, %dma_start3A_843] : memref<8x64x64xf32, #tpu.memory_space<vmem>> -> memref<1x64x64xf32, #tpu.memory_space<vmem>>
        %dma_start3A_845 = tpu.memref_squeeze %dma_start3A_844 : memref<1x64x64xf32, #tpu.memory_space<vmem>> -> memref<64x64xf32, #tpu.memory_space<vmem>>
        %dma_start3A_846 = arith.constant 0 : i32
        %dma_start3A_847 = arith.constant 0 : i32
        %dma_start3A_848 = tpu.memref_slice %arg9[%dma_start3A_833, %dma_start3A_846, %dma_start3A_847] : memref<2x8x64xi32, #tpu.memory_space<vmem>> -> memref<1x8x64xi32, #tpu.memory_space<vmem>>
        %dma_start3A_849 = tpu.memref_squeeze %dma_start3A_848 : memref<1x8x64xi32, #tpu.memory_space<vmem>> -> memref<8x64xi32, #tpu.memory_space<vmem>>
        %dma_start3A_850 = arith.constant 0 : i32
        %dma_start3A_851 = tpu.memref_slice %dma_start3A_849[%dma_start3A_834, %dma_start3A_850] : memref<8x64xi32, #tpu.memory_space<vmem>> -> memref<1x64xi32, #tpu.memory_space<vmem>>
        %dma_start3A_852 = tpu.memref_squeeze %dma_start3A_851 : memref<1x64xi32, #tpu.memory_space<vmem>> -> memref<64xi32, #tpu.memory_space<vmem>>
        %dma_start3A_853 = arith.constant 0 : i32
        %dma_start3A_854 = arith.constant 0 : i32
        %dma_start3A_855 = tpu.memref_slice %arg4[%dma_start3A_853, %dma_start3A_854] : memref<32768x64xf32, #tpu.memory_space<hbm>> -> memref<32768x64xf32, #tpu.memory_space<hbm>>
        tpu.enqueue_indirect_dma source(%dma_start3A_855 : memref<32768x64xf32, #tpu.memory_space<hbm>>) target(%dma_start3A_845 : memref<64x64xf32, #tpu.memory_space<vmem>>) offsets(%dma_start3A_852 : memref<64xi32, #tpu.memory_space<vmem>>) semaphore(%arg14 : memref<!tpu.dma_semaphore, #tpu.memory_space<semaphore_mem>>)
        %dma_start3A_856 = arith.constant 0 : i32
        %dma_start3A_857 = arith.constant 4 : i32
        %dma_start3A_858 = arith.constant 0 : i32
        %dma_start3A_859 = arith.constant 4 : i32
        %dma_start3A_860 = arith.constant 0 : i32
        %dma_start3A_861 = arith.constant 0 : i32
        %dma_start3A_862 = arith.constant 0 : i32
        %dma_start3A_863 = tpu.memref_slice %arg11[%dma_start3A_858, %dma_start3A_860, %dma_start3A_861, %dma_start3A_862] : memref<2x8x64x64xf32, #tpu.memory_space<vmem>> -> memref<1x8x64x64xf32, #tpu.memory_space<vmem>>
        %dma_start3A_864 = tpu.memref_squeeze %dma_start3A_863 : memref<1x8x64x64xf32, #tpu.memory_space<vmem>> -> memref<8x64x64xf32, #tpu.memory_space<vmem>>
        %dma_start3A_865 = arith.constant 0 : i32
        %dma_start3A_866 = arith.constant 0 : i32
        %dma_start3A_867 = tpu.memref_slice %dma_start3A_864[%dma_start3A_859, %dma_start3A_865, %dma_start3A_866] : memref<8x64x64xf32, #tpu.memory_space<vmem>> -> memref<1x64x64xf32, #tpu.memory_space<vmem>>
        %dma_start3A_868 = tpu.memref_squeeze %dma_start3A_867 : memref<1x64x64xf32, #tpu.memory_space<vmem>> -> memref<64x64xf32, #tpu.memory_space<vmem>>
        %dma_start3A_869 = arith.constant 0 : i32
        %dma_start3A_870 = arith.constant 0 : i32
        %dma_start3A_871 = tpu.memref_slice %arg9[%dma_start3A_856, %dma_start3A_869, %dma_start3A_870] : memref<2x8x64xi32, #tpu.memory_space<vmem>> -> memref<1x8x64xi32, #tpu.memory_space<vmem>>
        %dma_start3A_872 = tpu.memref_squeeze %dma_start3A_871 : memref<1x8x64xi32, #tpu.memory_space<vmem>> -> memref<8x64xi32, #tpu.memory_space<vmem>>
        %dma_start3A_873 = arith.constant 0 : i32
        %dma_start3A_874 = tpu.memref_slice %dma_start3A_872[%dma_start3A_857, %dma_start3A_873] : memref<8x64xi32, #tpu.memory_space<vmem>> -> memref<1x64xi32, #tpu.memory_space<vmem>>
        %dma_start3A_875 = tpu.memref_squeeze %dma_start3A_874 : memref<1x64xi32, #tpu.memory_space<vmem>> -> memref<64xi32, #tpu.memory_space<vmem>>
        %dma_start3A_876 = arith.constant 0 : i32
        %dma_start3A_877 = arith.constant 0 : i32
        %dma_start3A_878 = tpu.memref_slice %arg4[%dma_start3A_876, %dma_start3A_877] : memref<32768x64xf32, #tpu.memory_space<hbm>> -> memref<32768x64xf32, #tpu.memory_space<hbm>>
        tpu.enqueue_indirect_dma source(%dma_start3A_878 : memref<32768x64xf32, #tpu.memory_space<hbm>>) target(%dma_start3A_868 : memref<64x64xf32, #tpu.memory_space<vmem>>) offsets(%dma_start3A_875 : memref<64xi32, #tpu.memory_space<vmem>>) semaphore(%arg14 : memref<!tpu.dma_semaphore, #tpu.memory_space<semaphore_mem>>)
        %dma_start3A_879 = arith.constant 0 : i32
        %dma_start3A_880 = arith.constant 5 : i32
        %dma_start3A_881 = arith.constant 0 : i32
        %dma_start3A_882 = arith.constant 5 : i32
        %dma_start3A_883 = arith.constant 0 : i32
        %dma_start3A_884 = arith.constant 0 : i32
        %dma_start3A_885 = arith.constant 0 : i32
        %dma_start3A_886 = tpu.memref_slice %arg11[%dma_start3A_881, %dma_start3A_883, %dma_start3A_884, %dma_start3A_885] : memref<2x8x64x64xf32, #tpu.memory_space<vmem>> -> memref<1x8x64x64xf32, #tpu.memory_space<vmem>>
        %dma_start3A_887 = tpu.memref_squeeze %dma_start3A_886 : memref<1x8x64x64xf32, #tpu.memory_space<vmem>> -> memref<8x64x64xf32, #tpu.memory_space<vmem>>
        %dma_start3A_888 = arith.constant 0 : i32
        %dma_start3A_889 = arith.constant 0 : i32
        %dma_start3A_890 = tpu.memref_slice %dma_start3A_887[%dma_start3A_882, %dma_start3A_888, %dma_start3A_889] : memref<8x64x64xf32, #tpu.memory_space<vmem>> -> memref<1x64x64xf32, #tpu.memory_space<vmem>>
        %dma_start3A_891 = tpu.memref_squeeze %dma_start3A_890 : memref<1x64x64xf32, #tpu.memory_space<vmem>> -> memref<64x64xf32, #tpu.memory_space<vmem>>
        %dma_start3A_892 = arith.constant 0 : i32
        %dma_start3A_893 = arith.constant 0 : i32
        %dma_start3A_894 = tpu.memref_slice %arg9[%dma_start3A_879, %dma_start3A_892, %dma_start3A_893] : memref<2x8x64xi32, #tpu.memory_space<vmem>> -> memref<1x8x64xi32, #tpu.memory_space<vmem>>
        %dma_start3A_895 = tpu.memref_squeeze %dma_start3A_894 : memref<1x8x64xi32, #tpu.memory_space<vmem>> -> memref<8x64xi32, #tpu.memory_space<vmem>>
        %dma_start3A_896 = arith.constant 0 : i32
        %dma_start3A_897 = tpu.memref_slice %dma_start3A_895[%dma_start3A_880, %dma_start3A_896] : memref<8x64xi32, #tpu.memory_space<vmem>> -> memref<1x64xi32, #tpu.memory_space<vmem>>
        %dma_start3A_898 = tpu.memref_squeeze %dma_start3A_897 : memref<1x64xi32, #tpu.memory_space<vmem>> -> memref<64xi32, #tpu.memory_space<vmem>>
        %dma_start3A_899 = arith.constant 0 : i32
        %dma_start3A_900 = arith.constant 0 : i32
        %dma_start3A_901 = tpu.memref_slice %arg4[%dma_start3A_899, %dma_start3A_900] : memref<32768x64xf32, #tpu.memory_space<hbm>> -> memref<32768x64xf32, #tpu.memory_space<hbm>>
        tpu.enqueue_indirect_dma source(%dma_start3A_901 : memref<32768x64xf32, #tpu.memory_space<hbm>>) target(%dma_start3A_891 : memref<64x64xf32, #tpu.memory_space<vmem>>) offsets(%dma_start3A_898 : memref<64xi32, #tpu.memory_space<vmem>>) semaphore(%arg14 : memref<!tpu.dma_semaphore, #tpu.memory_space<semaphore_mem>>)
        %dma_start3A_902 = arith.constant 0 : i32
        %dma_start3A_903 = arith.constant 6 : i32
        %dma_start3A_904 = arith.constant 0 : i32
        %dma_start3A_905 = arith.constant 6 : i32
        %dma_start3A_906 = arith.constant 0 : i32
        %dma_start3A_907 = arith.constant 0 : i32
        %dma_start3A_908 = arith.constant 0 : i32
        %dma_start3A_909 = tpu.memref_slice %arg11[%dma_start3A_904, %dma_start3A_906, %dma_start3A_907, %dma_start3A_908] : memref<2x8x64x64xf32, #tpu.memory_space<vmem>> -> memref<1x8x64x64xf32, #tpu.memory_space<vmem>>
        %dma_start3A_910 = tpu.memref_squeeze %dma_start3A_909 : memref<1x8x64x64xf32, #tpu.memory_space<vmem>> -> memref<8x64x64xf32, #tpu.memory_space<vmem>>
        %dma_start3A_911 = arith.constant 0 : i32
        %dma_start3A_912 = arith.constant 0 : i32
        %dma_start3A_913 = tpu.memref_slice %dma_start3A_910[%dma_start3A_905, %dma_start3A_911, %dma_start3A_912] : memref<8x64x64xf32, #tpu.memory_space<vmem>> -> memref<1x64x64xf32, #tpu.memory_space<vmem>>
        %dma_start3A_914 = tpu.memref_squeeze %dma_start3A_913 : memref<1x64x64xf32, #tpu.memory_space<vmem>> -> memref<64x64xf32, #tpu.memory_space<vmem>>
        %dma_start3A_915 = arith.constant 0 : i32
        %dma_start3A_916 = arith.constant 0 : i32
        %dma_start3A_917 = tpu.memref_slice %arg9[%dma_start3A_902, %dma_start3A_915, %dma_start3A_916] : memref<2x8x64xi32, #tpu.memory_space<vmem>> -> memref<1x8x64xi32, #tpu.memory_space<vmem>>
        %dma_start3A_918 = tpu.memref_squeeze %dma_start3A_917 : memref<1x8x64xi32, #tpu.memory_space<vmem>> -> memref<8x64xi32, #tpu.memory_space<vmem>>
        %dma_start3A_919 = arith.constant 0 : i32
        %dma_start3A_920 = tpu.memref_slice %dma_start3A_918[%dma_start3A_903, %dma_start3A_919] : memref<8x64xi32, #tpu.memory_space<vmem>> -> memref<1x64xi32, #tpu.memory_space<vmem>>
        %dma_start3A_921 = tpu.memref_squeeze %dma_start3A_920 : memref<1x64xi32, #tpu.memory_space<vmem>> -> memref<64xi32, #tpu.memory_space<vmem>>
        %dma_start3A_922 = arith.constant 0 : i32
        %dma_start3A_923 = arith.constant 0 : i32
        %dma_start3A_924 = tpu.memref_slice %arg4[%dma_start3A_922, %dma_start3A_923] : memref<32768x64xf32, #tpu.memory_space<hbm>> -> memref<32768x64xf32, #tpu.memory_space<hbm>>
        tpu.enqueue_indirect_dma source(%dma_start3A_924 : memref<32768x64xf32, #tpu.memory_space<hbm>>) target(%dma_start3A_914 : memref<64x64xf32, #tpu.memory_space<vmem>>) offsets(%dma_start3A_921 : memref<64xi32, #tpu.memory_space<vmem>>) semaphore(%arg14 : memref<!tpu.dma_semaphore, #tpu.memory_space<semaphore_mem>>)
        %dma_start3A_925 = arith.constant 0 : i32
        %dma_start3A_926 = arith.constant 7 : i32
        %dma_start3A_927 = arith.constant 0 : i32
        %dma_start3A_928 = arith.constant 7 : i32
        %dma_start3A_929 = arith.constant 0 : i32
        %dma_start3A_930 = arith.constant 0 : i32
        %dma_start3A_931 = arith.constant 0 : i32
        %dma_start3A_932 = tpu.memref_slice %arg11[%dma_start3A_927, %dma_start3A_929, %dma_start3A_930, %dma_start3A_931] : memref<2x8x64x64xf32, #tpu.memory_space<vmem>> -> memref<1x8x64x64xf32, #tpu.memory_space<vmem>>
        %dma_start3A_933 = tpu.memref_squeeze %dma_start3A_932 : memref<1x8x64x64xf32, #tpu.memory_space<vmem>> -> memref<8x64x64xf32, #tpu.memory_space<vmem>>
        %dma_start3A_934 = arith.constant 0 : i32
        %dma_start3A_935 = arith.constant 0 : i32
        %dma_start3A_936 = tpu.memref_slice %dma_start3A_933[%dma_start3A_928, %dma_start3A_934, %dma_start3A_935] : memref<8x64x64xf32, #tpu.memory_space<vmem>> -> memref<1x64x64xf32, #tpu.memory_space<vmem>>
        %dma_start3A_937 = tpu.memref_squeeze %dma_start3A_936 : memref<1x64x64xf32, #tpu.memory_space<vmem>> -> memref<64x64xf32, #tpu.memory_space<vmem>>
        %dma_start3A_938 = arith.constant 0 : i32
        %dma_start3A_939 = arith.constant 0 : i32
        %dma_start3A_940 = tpu.memref_slice %arg9[%dma_start3A_925, %dma_start3A_938, %dma_start3A_939] : memref<2x8x64xi32, #tpu.memory_space<vmem>> -> memref<1x8x64xi32, #tpu.memory_space<vmem>>
        %dma_start3A_941 = tpu.memref_squeeze %dma_start3A_940 : memref<1x8x64xi32, #tpu.memory_space<vmem>> -> memref<8x64xi32, #tpu.memory_space<vmem>>
        %dma_start3A_942 = arith.constant 0 : i32
        %dma_start3A_943 = tpu.memref_slice %dma_start3A_941[%dma_start3A_926, %dma_start3A_942] : memref<8x64xi32, #tpu.memory_space<vmem>> -> memref<1x64xi32, #tpu.memory_space<vmem>>
        %dma_start3A_944 = tpu.memref_squeeze %dma_start3A_943 : memref<1x64xi32, #tpu.memory_space<vmem>> -> memref<64xi32, #tpu.memory_space<vmem>>
        %dma_start3A_945 = arith.constant 0 : i32
        %dma_start3A_946 = arith.constant 0 : i32
        %dma_start3A_947 = tpu.memref_slice %arg4[%dma_start3A_945, %dma_start3A_946] : memref<32768x64xf32, #tpu.memory_space<hbm>> -> memref<32768x64xf32, #tpu.memory_space<hbm>>
        tpu.enqueue_indirect_dma source(%dma_start3A_947 : memref<32768x64xf32, #tpu.memory_space<hbm>>) target(%dma_start3A_937 : memref<64x64xf32, #tpu.memory_space<vmem>>) offsets(%dma_start3A_944 : memref<64xi32, #tpu.memory_space<vmem>>) semaphore(%arg14 : memref<!tpu.dma_semaphore, #tpu.memory_space<semaphore_mem>>)
      } else {
      }
      %add3A_514 = arith.constant 2 : i32
      %add3A_515 = arith.addi %add3A_506, %add3A_514 : i32
      %lt3A_516 = arith.constant 100 : i32
      %lt3A_517 = arith.cmpi slt, %add3A_515, %lt3A_516 : i32
      %convert_element_type3A_518 = arith.extui %lt3A_517 : i1 to i32
      %cond3A_519 = arith.constant 0 : i32
      %cond3A_520 = arith.cmpi ne, %convert_element_type3A_518, %cond3A_519 : i32
      scf.if %cond3A_520 {
        %add3A_750 = arith.constant 2 : i32
        %add3A_751 = arith.addi %add3A_506, %add3A_750 : i32
        %mul3A_752 = arith.constant 64 : i32
        %mul3A_753 = arith.muli %add3A_751, %mul3A_752 : i32
        %add3A_754 = arith.addi %mul3A_2, %mul3A_753 : i32
        %run_scoped3A_755 = arith.constant 1 : i32
        "tpu.region"() ({
          %run_scoped3A_763 = tpu.sem_alloc : memref<!tpu.dma_semaphore, #tpu.memory_space<semaphore_mem>>
          %dma_start3A_764 = arith.constant 0 : i32
          %dma_start3A_765 = tpu.memref_slice %arg6[%run_scoped3A_755, %dma_start3A_764] : memref<2x64xi32, #tpu.memory_space<vmem>> -> memref<1x64xi32, #tpu.memory_space<vmem>>
          %dma_start3A_766 = tpu.memref_squeeze %dma_start3A_765 : memref<1x64xi32, #tpu.memory_space<vmem>> -> memref<64xi32, #tpu.memory_space<vmem>>
          %dma_start3A_767 = tpu.memref_slice %arg2[%add3A_754] : memref<204800xi32, #tpu.memory_space<hbm>> -> memref<64xi32, #tpu.memory_space<hbm>>
          %dma_start3A_768 = arith.constant 0 : i32
          %dma_start3A_769 = tpu.memref_slice %arg6[%run_scoped3A_755, %dma_start3A_768] : memref<2x64xi32, #tpu.memory_space<vmem>> -> memref<1x64xi32, #tpu.memory_space<vmem>>
          %dma_start3A_770 = tpu.memref_squeeze %dma_start3A_769 : memref<1x64xi32, #tpu.memory_space<vmem>> -> memref<64xi32, #tpu.memory_space<vmem>>
          %dma_start3A_771 = tpu.memref_slice %arg2[%add3A_754] : memref<204800xi32, #tpu.memory_space<hbm>> -> memref<64xi32, #tpu.memory_space<hbm>>
          tpu.enqueue_dma source(%dma_start3A_771 : memref<64xi32, #tpu.memory_space<hbm>>) target(%dma_start3A_770 : memref<64xi32, #tpu.memory_space<vmem>>) target_semaphore(%run_scoped3A_763 : memref<!tpu.dma_semaphore, #tpu.memory_space<semaphore_mem>>)
          %dma_wait3A_772 = arith.constant 0 : i32
          %dma_wait3A_773 = tpu.memref_slice %arg6[%run_scoped3A_755, %dma_wait3A_772] : memref<2x64xi32, #tpu.memory_space<vmem>> -> memref<1x64xi32, #tpu.memory_space<vmem>>
          %dma_wait3A_774 = tpu.memref_squeeze %dma_wait3A_773 : memref<1x64xi32, #tpu.memory_space<vmem>> -> memref<64xi32, #tpu.memory_space<vmem>>
          %dma_wait3A_775 = tpu.memref_slice %arg2[%add3A_754] : memref<204800xi32, #tpu.memory_space<hbm>> -> memref<64xi32, #tpu.memory_space<hbm>>
          %dma_wait3A_776 = arith.constant 0 : i32
          %dma_wait3A_777 = tpu.memref_slice %arg6[%run_scoped3A_755, %dma_wait3A_776] : memref<2x64xi32, #tpu.memory_space<vmem>> -> memref<1x64xi32, #tpu.memory_space<vmem>>
          %dma_wait3A_778 = tpu.memref_squeeze %dma_wait3A_777 : memref<1x64xi32, #tpu.memory_space<vmem>> -> memref<64xi32, #tpu.memory_space<vmem>>
          %dma_wait3A_779 = tpu.memref_slice %arg2[%add3A_754] : memref<204800xi32, #tpu.memory_space<hbm>> -> memref<64xi32, #tpu.memory_space<hbm>>
          tpu.wait_dma2 semaphore(%run_scoped3A_763 : memref<!tpu.dma_semaphore, #tpu.memory_space<semaphore_mem>>) src(%dma_wait3A_779 : memref<64xi32, #tpu.memory_space<hbm>>) dst(%dma_wait3A_778 : memref<64xi32, #tpu.memory_space<vmem>>)
          tpu.yield
        }) : () -> ()
        %dma_start3A_756 = arith.constant 1 : i32
        %dma_start3A_757 = arith.constant 0 : i32
        %dma_start3A_758 = tpu.memref_slice %arg6[%dma_start3A_756, %dma_start3A_757] : memref<2x64xi32, #tpu.memory_space<vmem>> -> memref<1x64xi32, #tpu.memory_space<vmem>>
        %dma_start3A_759 = tpu.memref_squeeze %dma_start3A_758 : memref<1x64xi32, #tpu.memory_space<vmem>> -> memref<64xi32, #tpu.memory_space<vmem>>
        %dma_start3A_760 = arith.constant 0 : i32
        %dma_start3A_761 = arith.constant 0 : i32
        %dma_start3A_762 = tpu.memref_slice %arg3[%dma_start3A_760, %dma_start3A_761] : memref<1000000x8xi32, #tpu.memory_space<hbm>> -> memref<1000000x8xi32, #tpu.memory_space<hbm>>
        tpu.enqueue_indirect_dma source(%dma_start3A_762 : memref<1000000x8xi32, #tpu.memory_space<hbm>>) target(%arg8 : memref<64x8xi32, #tpu.memory_space<vmem>>) offsets(%dma_start3A_759 : memref<64xi32, #tpu.memory_space<vmem>>) semaphore(%arg13 : memref<!tpu.dma_semaphore, #tpu.memory_space<semaphore_mem>>)
      } else {
      }
      %ge3A_521 = arith.constant 2 : i32
      %ge3A_522 = arith.cmpi sge, %add3A_506, %ge3A_521 : i32
      %convert_element_type3A_523 = arith.extui %ge3A_522 : i1 to i32
      %cond3A_524 = arith.constant 0 : i32
      %cond3A_525 = arith.cmpi ne, %convert_element_type3A_523, %cond3A_524 : i32
      scf.if %cond3A_525 {
        %add3A_750 = arith.constant 0 : i32
        %add3A_751 = arith.addi %mul3A_2, %add3A_750 : i32
        %dma_wait3A_752 = arith.constant 1 : i32
        %dma_wait3A_753 = arith.constant 0 : i32
        %dma_wait3A_754 = tpu.memref_slice %arg5[%add3A_751, %dma_wait3A_753] : memref<204800x64xf32, #tpu.memory_space<hbm>> -> memref<64x64xf32, #tpu.memory_space<hbm>>
        %dma_wait3A_755 = arith.constant 0 : i32
        %dma_wait3A_756 = arith.constant 0 : i32
        %dma_wait3A_757 = arith.constant 0 : i32
        %dma_wait3A_758 = tpu.memref_slice %arg12[%arg1, %dma_wait3A_755, %dma_wait3A_756, %dma_wait3A_757] : memref<16x2x64x64xf32, #tpu.memory_space<vmem_shared>> -> memref<1x2x64x64xf32, #tpu.memory_space<vmem_shared>>
        %dma_wait3A_759 = tpu.memref_squeeze %dma_wait3A_758 : memref<1x2x64x64xf32, #tpu.memory_space<vmem_shared>> -> memref<2x64x64xf32, #tpu.memory_space<vmem_shared>>
        %dma_wait3A_760 = arith.constant 0 : i32
        %dma_wait3A_761 = arith.constant 0 : i32
        %dma_wait3A_762 = tpu.memref_slice %dma_wait3A_759[%dma_wait3A_752, %dma_wait3A_760, %dma_wait3A_761] : memref<2x64x64xf32, #tpu.memory_space<vmem_shared>> -> memref<1x64x64xf32, #tpu.memory_space<vmem_shared>>
        %dma_wait3A_763 = tpu.memref_squeeze %dma_wait3A_762 : memref<1x64x64xf32, #tpu.memory_space<vmem_shared>> -> memref<64x64xf32, #tpu.memory_space<vmem_shared>>
        tpu.wait_dma2 semaphore(%arg17 : memref<!tpu.dma_semaphore, #tpu.memory_space<semaphore_mem>>) src(%dma_wait3A_763 : memref<64x64xf32, #tpu.memory_space<vmem_shared>>) dst(%dma_wait3A_754 : memref<64x64xf32, #tpu.memory_space<hbm>>)
      } else {
      }
      %dma_wait3A_526 = arith.constant 1 : i32
      %dma_wait3A_527 = arith.constant 0 : i32
      %dma_wait3A_528 = arith.constant 1 : i32
      %dma_wait3A_529 = arith.constant 0 : i32
      %dma_wait3A_530 = arith.constant 0 : i32
      %dma_wait3A_531 = arith.constant 0 : i32
      %dma_wait3A_532 = arith.constant 0 : i32
      %dma_wait3A_533 = tpu.memref_slice %arg11[%dma_wait3A_528, %dma_wait3A_530, %dma_wait3A_531, %dma_wait3A_532] : memref<2x8x64x64xf32, #tpu.memory_space<vmem>> -> memref<1x8x64x64xf32, #tpu.memory_space<vmem>>
      %dma_wait3A_534 = tpu.memref_squeeze %dma_wait3A_533 : memref<1x8x64x64xf32, #tpu.memory_space<vmem>> -> memref<8x64x64xf32, #tpu.memory_space<vmem>>
      %dma_wait3A_535 = arith.constant 0 : i32
      %dma_wait3A_536 = arith.constant 0 : i32
      %dma_wait3A_537 = tpu.memref_slice %dma_wait3A_534[%dma_wait3A_529, %dma_wait3A_535, %dma_wait3A_536] : memref<8x64x64xf32, #tpu.memory_space<vmem>> -> memref<1x64x64xf32, #tpu.memory_space<vmem>>
      %dma_wait3A_538 = tpu.memref_squeeze %dma_wait3A_537 : memref<1x64x64xf32, #tpu.memory_space<vmem>> -> memref<64x64xf32, #tpu.memory_space<vmem>>
      %dma_wait3A_539 = arith.constant 0 : i32
      %dma_wait3A_540 = arith.constant 0 : i32
      %dma_wait3A_541 = tpu.memref_slice %arg9[%dma_wait3A_526, %dma_wait3A_539, %dma_wait3A_540] : memref<2x8x64xi32, #tpu.memory_space<vmem>> -> memref<1x8x64xi32, #tpu.memory_space<vmem>>
      %dma_wait3A_542 = tpu.memref_squeeze %dma_wait3A_541 : memref<1x8x64xi32, #tpu.memory_space<vmem>> -> memref<8x64xi32, #tpu.memory_space<vmem>>
      %dma_wait3A_543 = arith.constant 0 : i32
      %dma_wait3A_544 = tpu.memref_slice %dma_wait3A_542[%dma_wait3A_527, %dma_wait3A_543] : memref<8x64xi32, #tpu.memory_space<vmem>> -> memref<1x64xi32, #tpu.memory_space<vmem>>
      %dma_wait3A_545 = tpu.memref_squeeze %dma_wait3A_544 : memref<1x64xi32, #tpu.memory_space<vmem>> -> memref<64xi32, #tpu.memory_space<vmem>>
      %dma_wait3A_546 = arith.constant 0 : i32
      %dma_wait3A_547 = arith.constant 0 : i32
      %dma_wait3A_548 = tpu.memref_slice %arg4[%dma_wait3A_546, %dma_wait3A_547] : memref<32768x64xf32, #tpu.memory_space<hbm>> -> memref<32768x64xf32, #tpu.memory_space<hbm>>
      tpu.wait_indirect_dma semaphore(%arg15 : memref<!tpu.dma_semaphore, #tpu.memory_space<semaphore_mem>>) src(%dma_wait3A_548 : memref<32768x64xf32, #tpu.memory_space<hbm>>) dst(%dma_wait3A_538 : memref<64x64xf32, #tpu.memory_space<vmem>>)
      %dma_wait3A_549 = arith.constant 1 : i32
      %dma_wait3A_550 = arith.constant 1 : i32
      %dma_wait3A_551 = arith.constant 1 : i32
      %dma_wait3A_552 = arith.constant 1 : i32
      %dma_wait3A_553 = arith.constant 0 : i32
      %dma_wait3A_554 = arith.constant 0 : i32
      %dma_wait3A_555 = arith.constant 0 : i32
      %dma_wait3A_556 = tpu.memref_slice %arg11[%dma_wait3A_551, %dma_wait3A_553, %dma_wait3A_554, %dma_wait3A_555] : memref<2x8x64x64xf32, #tpu.memory_space<vmem>> -> memref<1x8x64x64xf32, #tpu.memory_space<vmem>>
      %dma_wait3A_557 = tpu.memref_squeeze %dma_wait3A_556 : memref<1x8x64x64xf32, #tpu.memory_space<vmem>> -> memref<8x64x64xf32, #tpu.memory_space<vmem>>
      %dma_wait3A_558 = arith.constant 0 : i32
      %dma_wait3A_559 = arith.constant 0 : i32
      %dma_wait3A_560 = tpu.memref_slice %dma_wait3A_557[%dma_wait3A_552, %dma_wait3A_558, %dma_wait3A_559] : memref<8x64x64xf32, #tpu.memory_space<vmem>> -> memref<1x64x64xf32, #tpu.memory_space<vmem>>
      %dma_wait3A_561 = tpu.memref_squeeze %dma_wait3A_560 : memref<1x64x64xf32, #tpu.memory_space<vmem>> -> memref<64x64xf32, #tpu.memory_space<vmem>>
      %dma_wait3A_562 = arith.constant 0 : i32
      %dma_wait3A_563 = arith.constant 0 : i32
      %dma_wait3A_564 = tpu.memref_slice %arg9[%dma_wait3A_549, %dma_wait3A_562, %dma_wait3A_563] : memref<2x8x64xi32, #tpu.memory_space<vmem>> -> memref<1x8x64xi32, #tpu.memory_space<vmem>>
      %dma_wait3A_565 = tpu.memref_squeeze %dma_wait3A_564 : memref<1x8x64xi32, #tpu.memory_space<vmem>> -> memref<8x64xi32, #tpu.memory_space<vmem>>
      %dma_wait3A_566 = arith.constant 0 : i32
      %dma_wait3A_567 = tpu.memref_slice %dma_wait3A_565[%dma_wait3A_550, %dma_wait3A_566] : memref<8x64xi32, #tpu.memory_space<vmem>> -> memref<1x64xi32, #tpu.memory_space<vmem>>
      %dma_wait3A_568 = tpu.memref_squeeze %dma_wait3A_567 : memref<1x64xi32, #tpu.memory_space<vmem>> -> memref<64xi32, #tpu.memory_space<vmem>>
      %dma_wait3A_569 = arith.constant 0 : i32
      %dma_wait3A_570 = arith.constant 0 : i32
      %dma_wait3A_571 = tpu.memref_slice %arg4[%dma_wait3A_569, %dma_wait3A_570] : memref<32768x64xf32, #tpu.memory_space<hbm>> -> memref<32768x64xf32, #tpu.memory_space<hbm>>
      tpu.wait_indirect_dma semaphore(%arg15 : memref<!tpu.dma_semaphore, #tpu.memory_space<semaphore_mem>>) src(%dma_wait3A_571 : memref<32768x64xf32, #tpu.memory_space<hbm>>) dst(%dma_wait3A_561 : memref<64x64xf32, #tpu.memory_space<vmem>>)
      %dma_wait3A_572 = arith.constant 1 : i32
      %dma_wait3A_573 = arith.constant 2 : i32
      %dma_wait3A_574 = arith.constant 1 : i32
      %dma_wait3A_575 = arith.constant 2 : i32
      %dma_wait3A_576 = arith.constant 0 : i32
      %dma_wait3A_577 = arith.constant 0 : i32
      %dma_wait3A_578 = arith.constant 0 : i32
      %dma_wait3A_579 = tpu.memref_slice %arg11[%dma_wait3A_574, %dma_wait3A_576, %dma_wait3A_577, %dma_wait3A_578] : memref<2x8x64x64xf32, #tpu.memory_space<vmem>> -> memref<1x8x64x64xf32, #tpu.memory_space<vmem>>
      %dma_wait3A_580 = tpu.memref_squeeze %dma_wait3A_579 : memref<1x8x64x64xf32, #tpu.memory_space<vmem>> -> memref<8x64x64xf32, #tpu.memory_space<vmem>>
      %dma_wait3A_581 = arith.constant 0 : i32
      %dma_wait3A_582 = arith.constant 0 : i32
      %dma_wait3A_583 = tpu.memref_slice %dma_wait3A_580[%dma_wait3A_575, %dma_wait3A_581, %dma_wait3A_582] : memref<8x64x64xf32, #tpu.memory_space<vmem>> -> memref<1x64x64xf32, #tpu.memory_space<vmem>>
      %dma_wait3A_584 = tpu.memref_squeeze %dma_wait3A_583 : memref<1x64x64xf32, #tpu.memory_space<vmem>> -> memref<64x64xf32, #tpu.memory_space<vmem>>
      %dma_wait3A_585 = arith.constant 0 : i32
      %dma_wait3A_586 = arith.constant 0 : i32
      %dma_wait3A_587 = tpu.memref_slice %arg9[%dma_wait3A_572, %dma_wait3A_585, %dma_wait3A_586] : memref<2x8x64xi32, #tpu.memory_space<vmem>> -> memref<1x8x64xi32, #tpu.memory_space<vmem>>
      %dma_wait3A_588 = tpu.memref_squeeze %dma_wait3A_587 : memref<1x8x64xi32, #tpu.memory_space<vmem>> -> memref<8x64xi32, #tpu.memory_space<vmem>>
      %dma_wait3A_589 = arith.constant 0 : i32
      %dma_wait3A_590 = tpu.memref_slice %dma_wait3A_588[%dma_wait3A_573, %dma_wait3A_589] : memref<8x64xi32, #tpu.memory_space<vmem>> -> memref<1x64xi32, #tpu.memory_space<vmem>>
      %dma_wait3A_591 = tpu.memref_squeeze %dma_wait3A_590 : memref<1x64xi32, #tpu.memory_space<vmem>> -> memref<64xi32, #tpu.memory_space<vmem>>
      %dma_wait3A_592 = arith.constant 0 : i32
      %dma_wait3A_593 = arith.constant 0 : i32
      %dma_wait3A_594 = tpu.memref_slice %arg4[%dma_wait3A_592, %dma_wait3A_593] : memref<32768x64xf32, #tpu.memory_space<hbm>> -> memref<32768x64xf32, #tpu.memory_space<hbm>>
      tpu.wait_indirect_dma semaphore(%arg15 : memref<!tpu.dma_semaphore, #tpu.memory_space<semaphore_mem>>) src(%dma_wait3A_594 : memref<32768x64xf32, #tpu.memory_space<hbm>>) dst(%dma_wait3A_584 : memref<64x64xf32, #tpu.memory_space<vmem>>)
      %dma_wait3A_595 = arith.constant 1 : i32
      %dma_wait3A_596 = arith.constant 3 : i32
      %dma_wait3A_597 = arith.constant 1 : i32
      %dma_wait3A_598 = arith.constant 3 : i32
      %dma_wait3A_599 = arith.constant 0 : i32
      %dma_wait3A_600 = arith.constant 0 : i32
      %dma_wait3A_601 = arith.constant 0 : i32
      %dma_wait3A_602 = tpu.memref_slice %arg11[%dma_wait3A_597, %dma_wait3A_599, %dma_wait3A_600, %dma_wait3A_601] : memref<2x8x64x64xf32, #tpu.memory_space<vmem>> -> memref<1x8x64x64xf32, #tpu.memory_space<vmem>>
      %dma_wait3A_603 = tpu.memref_squeeze %dma_wait3A_602 : memref<1x8x64x64xf32, #tpu.memory_space<vmem>> -> memref<8x64x64xf32, #tpu.memory_space<vmem>>
      %dma_wait3A_604 = arith.constant 0 : i32
      %dma_wait3A_605 = arith.constant 0 : i32
      %dma_wait3A_606 = tpu.memref_slice %dma_wait3A_603[%dma_wait3A_598, %dma_wait3A_604, %dma_wait3A_605] : memref<8x64x64xf32, #tpu.memory_space<vmem>> -> memref<1x64x64xf32, #tpu.memory_space<vmem>>
      %dma_wait3A_607 = tpu.memref_squeeze %dma_wait3A_606 : memref<1x64x64xf32, #tpu.memory_space<vmem>> -> memref<64x64xf32, #tpu.memory_space<vmem>>
      %dma_wait3A_608 = arith.constant 0 : i32
      %dma_wait3A_609 = arith.constant 0 : i32
      %dma_wait3A_610 = tpu.memref_slice %arg9[%dma_wait3A_595, %dma_wait3A_608, %dma_wait3A_609] : memref<2x8x64xi32, #tpu.memory_space<vmem>> -> memref<1x8x64xi32, #tpu.memory_space<vmem>>
      %dma_wait3A_611 = tpu.memref_squeeze %dma_wait3A_610 : memref<1x8x64xi32, #tpu.memory_space<vmem>> -> memref<8x64xi32, #tpu.memory_space<vmem>>
      %dma_wait3A_612 = arith.constant 0 : i32
      %dma_wait3A_613 = tpu.memref_slice %dma_wait3A_611[%dma_wait3A_596, %dma_wait3A_612] : memref<8x64xi32, #tpu.memory_space<vmem>> -> memref<1x64xi32, #tpu.memory_space<vmem>>
      %dma_wait3A_614 = tpu.memref_squeeze %dma_wait3A_613 : memref<1x64xi32, #tpu.memory_space<vmem>> -> memref<64xi32, #tpu.memory_space<vmem>>
      %dma_wait3A_615 = arith.constant 0 : i32
      %dma_wait3A_616 = arith.constant 0 : i32
      %dma_wait3A_617 = tpu.memref_slice %arg4[%dma_wait3A_615, %dma_wait3A_616] : memref<32768x64xf32, #tpu.memory_space<hbm>> -> memref<32768x64xf32, #tpu.memory_space<hbm>>
      tpu.wait_indirect_dma semaphore(%arg15 : memref<!tpu.dma_semaphore, #tpu.memory_space<semaphore_mem>>) src(%dma_wait3A_617 : memref<32768x64xf32, #tpu.memory_space<hbm>>) dst(%dma_wait3A_607 : memref<64x64xf32, #tpu.memory_space<vmem>>)
      %dma_wait3A_618 = arith.constant 1 : i32
      %dma_wait3A_619 = arith.constant 4 : i32
      %dma_wait3A_620 = arith.constant 1 : i32
      %dma_wait3A_621 = arith.constant 4 : i32
      %dma_wait3A_622 = arith.constant 0 : i32
      %dma_wait3A_623 = arith.constant 0 : i32
      %dma_wait3A_624 = arith.constant 0 : i32
      %dma_wait3A_625 = tpu.memref_slice %arg11[%dma_wait3A_620, %dma_wait3A_622, %dma_wait3A_623, %dma_wait3A_624] : memref<2x8x64x64xf32, #tpu.memory_space<vmem>> -> memref<1x8x64x64xf32, #tpu.memory_space<vmem>>
      %dma_wait3A_626 = tpu.memref_squeeze %dma_wait3A_625 : memref<1x8x64x64xf32, #tpu.memory_space<vmem>> -> memref<8x64x64xf32, #tpu.memory_space<vmem>>
      %dma_wait3A_627 = arith.constant 0 : i32
      %dma_wait3A_628 = arith.constant 0 : i32
      %dma_wait3A_629 = tpu.memref_slice %dma_wait3A_626[%dma_wait3A_621, %dma_wait3A_627, %dma_wait3A_628] : memref<8x64x64xf32, #tpu.memory_space<vmem>> -> memref<1x64x64xf32, #tpu.memory_space<vmem>>
      %dma_wait3A_630 = tpu.memref_squeeze %dma_wait3A_629 : memref<1x64x64xf32, #tpu.memory_space<vmem>> -> memref<64x64xf32, #tpu.memory_space<vmem>>
      %dma_wait3A_631 = arith.constant 0 : i32
      %dma_wait3A_632 = arith.constant 0 : i32
      %dma_wait3A_633 = tpu.memref_slice %arg9[%dma_wait3A_618, %dma_wait3A_631, %dma_wait3A_632] : memref<2x8x64xi32, #tpu.memory_space<vmem>> -> memref<1x8x64xi32, #tpu.memory_space<vmem>>
      %dma_wait3A_634 = tpu.memref_squeeze %dma_wait3A_633 : memref<1x8x64xi32, #tpu.memory_space<vmem>> -> memref<8x64xi32, #tpu.memory_space<vmem>>
      %dma_wait3A_635 = arith.constant 0 : i32
      %dma_wait3A_636 = tpu.memref_slice %dma_wait3A_634[%dma_wait3A_619, %dma_wait3A_635] : memref<8x64xi32, #tpu.memory_space<vmem>> -> memref<1x64xi32, #tpu.memory_space<vmem>>
      %dma_wait3A_637 = tpu.memref_squeeze %dma_wait3A_636 : memref<1x64xi32, #tpu.memory_space<vmem>> -> memref<64xi32, #tpu.memory_space<vmem>>
      %dma_wait3A_638 = arith.constant 0 : i32
      %dma_wait3A_639 = arith.constant 0 : i32
      %dma_wait3A_640 = tpu.memref_slice %arg4[%dma_wait3A_638, %dma_wait3A_639] : memref<32768x64xf32, #tpu.memory_space<hbm>> -> memref<32768x64xf32, #tpu.memory_space<hbm>>
      tpu.wait_indirect_dma semaphore(%arg15 : memref<!tpu.dma_semaphore, #tpu.memory_space<semaphore_mem>>) src(%dma_wait3A_640 : memref<32768x64xf32, #tpu.memory_space<hbm>>) dst(%dma_wait3A_630 : memref<64x64xf32, #tpu.memory_space<vmem>>)
      %dma_wait3A_641 = arith.constant 1 : i32
      %dma_wait3A_642 = arith.constant 5 : i32
      %dma_wait3A_643 = arith.constant 1 : i32
      %dma_wait3A_644 = arith.constant 5 : i32
      %dma_wait3A_645 = arith.constant 0 : i32
      %dma_wait3A_646 = arith.constant 0 : i32
      %dma_wait3A_647 = arith.constant 0 : i32
      %dma_wait3A_648 = tpu.memref_slice %arg11[%dma_wait3A_643, %dma_wait3A_645, %dma_wait3A_646, %dma_wait3A_647] : memref<2x8x64x64xf32, #tpu.memory_space<vmem>> -> memref<1x8x64x64xf32, #tpu.memory_space<vmem>>
      %dma_wait3A_649 = tpu.memref_squeeze %dma_wait3A_648 : memref<1x8x64x64xf32, #tpu.memory_space<vmem>> -> memref<8x64x64xf32, #tpu.memory_space<vmem>>
      %dma_wait3A_650 = arith.constant 0 : i32
      %dma_wait3A_651 = arith.constant 0 : i32
      %dma_wait3A_652 = tpu.memref_slice %dma_wait3A_649[%dma_wait3A_644, %dma_wait3A_650, %dma_wait3A_651] : memref<8x64x64xf32, #tpu.memory_space<vmem>> -> memref<1x64x64xf32, #tpu.memory_space<vmem>>
      %dma_wait3A_653 = tpu.memref_squeeze %dma_wait3A_652 : memref<1x64x64xf32, #tpu.memory_space<vmem>> -> memref<64x64xf32, #tpu.memory_space<vmem>>
      %dma_wait3A_654 = arith.constant 0 : i32
      %dma_wait3A_655 = arith.constant 0 : i32
      %dma_wait3A_656 = tpu.memref_slice %arg9[%dma_wait3A_641, %dma_wait3A_654, %dma_wait3A_655] : memref<2x8x64xi32, #tpu.memory_space<vmem>> -> memref<1x8x64xi32, #tpu.memory_space<vmem>>
      %dma_wait3A_657 = tpu.memref_squeeze %dma_wait3A_656 : memref<1x8x64xi32, #tpu.memory_space<vmem>> -> memref<8x64xi32, #tpu.memory_space<vmem>>
      %dma_wait3A_658 = arith.constant 0 : i32
      %dma_wait3A_659 = tpu.memref_slice %dma_wait3A_657[%dma_wait3A_642, %dma_wait3A_658] : memref<8x64xi32, #tpu.memory_space<vmem>> -> memref<1x64xi32, #tpu.memory_space<vmem>>
      %dma_wait3A_660 = tpu.memref_squeeze %dma_wait3A_659 : memref<1x64xi32, #tpu.memory_space<vmem>> -> memref<64xi32, #tpu.memory_space<vmem>>
      %dma_wait3A_661 = arith.constant 0 : i32
      %dma_wait3A_662 = arith.constant 0 : i32
      %dma_wait3A_663 = tpu.memref_slice %arg4[%dma_wait3A_661, %dma_wait3A_662] : memref<32768x64xf32, #tpu.memory_space<hbm>> -> memref<32768x64xf32, #tpu.memory_space<hbm>>
      tpu.wait_indirect_dma semaphore(%arg15 : memref<!tpu.dma_semaphore, #tpu.memory_space<semaphore_mem>>) src(%dma_wait3A_663 : memref<32768x64xf32, #tpu.memory_space<hbm>>) dst(%dma_wait3A_653 : memref<64x64xf32, #tpu.memory_space<vmem>>)
      %dma_wait3A_664 = arith.constant 1 : i32
      %dma_wait3A_665 = arith.constant 6 : i32
      %dma_wait3A_666 = arith.constant 1 : i32
      %dma_wait3A_667 = arith.constant 6 : i32
      %dma_wait3A_668 = arith.constant 0 : i32
      %dma_wait3A_669 = arith.constant 0 : i32
      %dma_wait3A_670 = arith.constant 0 : i32
      %dma_wait3A_671 = tpu.memref_slice %arg11[%dma_wait3A_666, %dma_wait3A_668, %dma_wait3A_669, %dma_wait3A_670] : memref<2x8x64x64xf32, #tpu.memory_space<vmem>> -> memref<1x8x64x64xf32, #tpu.memory_space<vmem>>
      %dma_wait3A_672 = tpu.memref_squeeze %dma_wait3A_671 : memref<1x8x64x64xf32, #tpu.memory_space<vmem>> -> memref<8x64x64xf32, #tpu.memory_space<vmem>>
      %dma_wait3A_673 = arith.constant 0 : i32
      %dma_wait3A_674 = arith.constant 0 : i32
      %dma_wait3A_675 = tpu.memref_slice %dma_wait3A_672[%dma_wait3A_667, %dma_wait3A_673, %dma_wait3A_674] : memref<8x64x64xf32, #tpu.memory_space<vmem>> -> memref<1x64x64xf32, #tpu.memory_space<vmem>>
      %dma_wait3A_676 = tpu.memref_squeeze %dma_wait3A_675 : memref<1x64x64xf32, #tpu.memory_space<vmem>> -> memref<64x64xf32, #tpu.memory_space<vmem>>
      %dma_wait3A_677 = arith.constant 0 : i32
      %dma_wait3A_678 = arith.constant 0 : i32
      %dma_wait3A_679 = tpu.memref_slice %arg9[%dma_wait3A_664, %dma_wait3A_677, %dma_wait3A_678] : memref<2x8x64xi32, #tpu.memory_space<vmem>> -> memref<1x8x64xi32, #tpu.memory_space<vmem>>
      %dma_wait3A_680 = tpu.memref_squeeze %dma_wait3A_679 : memref<1x8x64xi32, #tpu.memory_space<vmem>> -> memref<8x64xi32, #tpu.memory_space<vmem>>
      %dma_wait3A_681 = arith.constant 0 : i32
      %dma_wait3A_682 = tpu.memref_slice %dma_wait3A_680[%dma_wait3A_665, %dma_wait3A_681] : memref<8x64xi32, #tpu.memory_space<vmem>> -> memref<1x64xi32, #tpu.memory_space<vmem>>
      %dma_wait3A_683 = tpu.memref_squeeze %dma_wait3A_682 : memref<1x64xi32, #tpu.memory_space<vmem>> -> memref<64xi32, #tpu.memory_space<vmem>>
      %dma_wait3A_684 = arith.constant 0 : i32
      %dma_wait3A_685 = arith.constant 0 : i32
      %dma_wait3A_686 = tpu.memref_slice %arg4[%dma_wait3A_684, %dma_wait3A_685] : memref<32768x64xf32, #tpu.memory_space<hbm>> -> memref<32768x64xf32, #tpu.memory_space<hbm>>
      tpu.wait_indirect_dma semaphore(%arg15 : memref<!tpu.dma_semaphore, #tpu.memory_space<semaphore_mem>>) src(%dma_wait3A_686 : memref<32768x64xf32, #tpu.memory_space<hbm>>) dst(%dma_wait3A_676 : memref<64x64xf32, #tpu.memory_space<vmem>>)
      %dma_wait3A_687 = arith.constant 1 : i32
      %dma_wait3A_688 = arith.constant 7 : i32
      %dma_wait3A_689 = arith.constant 1 : i32
      %dma_wait3A_690 = arith.constant 7 : i32
      %dma_wait3A_691 = arith.constant 0 : i32
      %dma_wait3A_692 = arith.constant 0 : i32
      %dma_wait3A_693 = arith.constant 0 : i32
      %dma_wait3A_694 = tpu.memref_slice %arg11[%dma_wait3A_689, %dma_wait3A_691, %dma_wait3A_692, %dma_wait3A_693] : memref<2x8x64x64xf32, #tpu.memory_space<vmem>> -> memref<1x8x64x64xf32, #tpu.memory_space<vmem>>
      %dma_wait3A_695 = tpu.memref_squeeze %dma_wait3A_694 : memref<1x8x64x64xf32, #tpu.memory_space<vmem>> -> memref<8x64x64xf32, #tpu.memory_space<vmem>>
      %dma_wait3A_696 = arith.constant 0 : i32
      %dma_wait3A_697 = arith.constant 0 : i32
      %dma_wait3A_698 = tpu.memref_slice %dma_wait3A_695[%dma_wait3A_690, %dma_wait3A_696, %dma_wait3A_697] : memref<8x64x64xf32, #tpu.memory_space<vmem>> -> memref<1x64x64xf32, #tpu.memory_space<vmem>>
      %dma_wait3A_699 = tpu.memref_squeeze %dma_wait3A_698 : memref<1x64x64xf32, #tpu.memory_space<vmem>> -> memref<64x64xf32, #tpu.memory_space<vmem>>
      %dma_wait3A_700 = arith.constant 0 : i32
      %dma_wait3A_701 = arith.constant 0 : i32
      %dma_wait3A_702 = tpu.memref_slice %arg9[%dma_wait3A_687, %dma_wait3A_700, %dma_wait3A_701] : memref<2x8x64xi32, #tpu.memory_space<vmem>> -> memref<1x8x64xi32, #tpu.memory_space<vmem>>
      %dma_wait3A_703 = tpu.memref_squeeze %dma_wait3A_702 : memref<1x8x64xi32, #tpu.memory_space<vmem>> -> memref<8x64xi32, #tpu.memory_space<vmem>>
      %dma_wait3A_704 = arith.constant 0 : i32
      %dma_wait3A_705 = tpu.memref_slice %dma_wait3A_703[%dma_wait3A_688, %dma_wait3A_704] : memref<8x64xi32, #tpu.memory_space<vmem>> -> memref<1x64xi32, #tpu.memory_space<vmem>>
      %dma_wait3A_706 = tpu.memref_squeeze %dma_wait3A_705 : memref<1x64xi32, #tpu.memory_space<vmem>> -> memref<64xi32, #tpu.memory_space<vmem>>
      %dma_wait3A_707 = arith.constant 0 : i32
      %dma_wait3A_708 = arith.constant 0 : i32
      %dma_wait3A_709 = tpu.memref_slice %arg4[%dma_wait3A_707, %dma_wait3A_708] : memref<32768x64xf32, #tpu.memory_space<hbm>> -> memref<32768x64xf32, #tpu.memory_space<hbm>>
      tpu.wait_indirect_dma semaphore(%arg15 : memref<!tpu.dma_semaphore, #tpu.memory_space<semaphore_mem>>) src(%dma_wait3A_709 : memref<32768x64xf32, #tpu.memory_space<hbm>>) dst(%dma_wait3A_699 : memref<64x64xf32, #tpu.memory_space<vmem>>)
      %run_scoped3A_710 = arith.constant 1 : i32
      %run_scoped3A_711 = arith.constant 0 : i32
      %run_scoped3A_712 = arith.constant 1 : i32
      "tpu.region"() ({
        %run_scoped3A_750 = tpu.sem_alloc : memref<!tpu.dma_semaphore, #tpu.memory_space<semaphore_mem>>
        %dma_start3A_751 = arith.constant 0 : i32
        %dma_start3A_752 = arith.constant 0 : i32
        %dma_start3A_753 = arith.constant 0 : i32
        %dma_start3A_754 = tpu.memref_slice %arg11[%run_scoped3A_710, %dma_start3A_751, %dma_start3A_752, %dma_start3A_753] : memref<2x8x64x64xf32, #tpu.memory_space<vmem>> -> memref<1x8x64x64xf32, #tpu.memory_space<vmem>>
        %dma_start3A_755 = tpu.memref_squeeze %dma_start3A_754 : memref<1x8x64x64xf32, #tpu.memory_space<vmem>> -> memref<8x64x64xf32, #tpu.memory_space<vmem>>
        %dma_start3A_756 = arith.constant 0 : i32
        %dma_start3A_757 = arith.constant 0 : i32
        %dma_start3A_758 = tpu.memref_slice %dma_start3A_755[%run_scoped3A_711, %dma_start3A_756, %dma_start3A_757] : memref<8x64x64xf32, #tpu.memory_space<vmem>> -> memref<1x64x64xf32, #tpu.memory_space<vmem>>
        %dma_start3A_759 = tpu.memref_squeeze %dma_start3A_758 : memref<1x64x64xf32, #tpu.memory_space<vmem>> -> memref<64x64xf32, #tpu.memory_space<vmem>>
        %dma_start3A_760 = arith.constant 0 : i32
        %dma_start3A_761 = arith.constant 0 : i32
        %dma_start3A_762 = arith.constant 0 : i32
        %dma_start3A_763 = tpu.memref_slice %arg12[%arg1, %dma_start3A_760, %dma_start3A_761, %dma_start3A_762] : memref<16x2x64x64xf32, #tpu.memory_space<vmem_shared>> -> memref<1x2x64x64xf32, #tpu.memory_space<vmem_shared>>
        %dma_start3A_764 = tpu.memref_squeeze %dma_start3A_763 : memref<1x2x64x64xf32, #tpu.memory_space<vmem_shared>> -> memref<2x64x64xf32, #tpu.memory_space<vmem_shared>>
        %dma_start3A_765 = arith.constant 0 : i32
        %dma_start3A_766 = arith.constant 0 : i32
        %dma_start3A_767 = tpu.memref_slice %dma_start3A_764[%run_scoped3A_712, %dma_start3A_765, %dma_start3A_766] : memref<2x64x64xf32, #tpu.memory_space<vmem_shared>> -> memref<1x64x64xf32, #tpu.memory_space<vmem_shared>>
        %dma_start3A_768 = tpu.memref_squeeze %dma_start3A_767 : memref<1x64x64xf32, #tpu.memory_space<vmem_shared>> -> memref<64x64xf32, #tpu.memory_space<vmem_shared>>
        %dma_start3A_769 = arith.constant 0 : i32
        %dma_start3A_770 = arith.constant 0 : i32
        %dma_start3A_771 = tpu.memref_slice %dma_start3A_768[%dma_start3A_769, %dma_start3A_770] : memref<64x64xf32, #tpu.memory_space<vmem_shared>> -> memref<64x64xf32, #tpu.memory_space<vmem_shared>>
        tpu.enqueue_indirect_dma source(%dma_start3A_759 : memref<64x64xf32, #tpu.memory_space<vmem>>) target(%dma_start3A_771 : memref<64x64xf32, #tpu.memory_space<vmem_shared>>) offsets(%arg10 : memref<64xi32, #tpu.memory_space<vmem>>) semaphore(%run_scoped3A_750 : memref<!tpu.dma_semaphore, #tpu.memory_space<semaphore_mem>>)
        %dma_wait3A_772 = arith.constant 0 : i32
        %dma_wait3A_773 = arith.constant 0 : i32
        %dma_wait3A_774 = arith.constant 0 : i32
        %dma_wait3A_775 = tpu.memref_slice %arg11[%run_scoped3A_710, %dma_wait3A_772, %dma_wait3A_773, %dma_wait3A_774] : memref<2x8x64x64xf32, #tpu.memory_space<vmem>> -> memref<1x8x64x64xf32, #tpu.memory_space<vmem>>
        %dma_wait3A_776 = tpu.memref_squeeze %dma_wait3A_775 : memref<1x8x64x64xf32, #tpu.memory_space<vmem>> -> memref<8x64x64xf32, #tpu.memory_space<vmem>>
        %dma_wait3A_777 = arith.constant 0 : i32
        %dma_wait3A_778 = arith.constant 0 : i32
        %dma_wait3A_779 = tpu.memref_slice %dma_wait3A_776[%run_scoped3A_711, %dma_wait3A_777, %dma_wait3A_778] : memref<8x64x64xf32, #tpu.memory_space<vmem>> -> memref<1x64x64xf32, #tpu.memory_space<vmem>>
        %dma_wait3A_780 = tpu.memref_squeeze %dma_wait3A_779 : memref<1x64x64xf32, #tpu.memory_space<vmem>> -> memref<64x64xf32, #tpu.memory_space<vmem>>
        %dma_wait3A_781 = arith.constant 0 : i32
        %dma_wait3A_782 = arith.constant 0 : i32
        %dma_wait3A_783 = arith.constant 0 : i32
        %dma_wait3A_784 = tpu.memref_slice %arg12[%arg1, %dma_wait3A_781, %dma_wait3A_782, %dma_wait3A_783] : memref<16x2x64x64xf32, #tpu.memory_space<vmem_shared>> -> memref<1x2x64x64xf32, #tpu.memory_space<vmem_shared>>
        %dma_wait3A_785 = tpu.memref_squeeze %dma_wait3A_784 : memref<1x2x64x64xf32, #tpu.memory_space<vmem_shared>> -> memref<2x64x64xf32, #tpu.memory_space<vmem_shared>>
        %dma_wait3A_786 = arith.constant 0 : i32
        %dma_wait3A_787 = arith.constant 0 : i32
        %dma_wait3A_788 = tpu.memref_slice %dma_wait3A_785[%run_scoped3A_712, %dma_wait3A_786, %dma_wait3A_787] : memref<2x64x64xf32, #tpu.memory_space<vmem_shared>> -> memref<1x64x64xf32, #tpu.memory_space<vmem_shared>>
        %dma_wait3A_789 = tpu.memref_squeeze %dma_wait3A_788 : memref<1x64x64xf32, #tpu.memory_space<vmem_shared>> -> memref<64x64xf32, #tpu.memory_space<vmem_shared>>
        %dma_wait3A_790 = arith.constant 0 : i32
        %dma_wait3A_791 = arith.constant 0 : i32
        %dma_wait3A_792 = tpu.memref_slice %dma_wait3A_789[%dma_wait3A_790, %dma_wait3A_791] : memref<64x64xf32, #tpu.memory_space<vmem_shared>> -> memref<64x64xf32, #tpu.memory_space<vmem_shared>>
        tpu.wait_indirect_dma semaphore(%run_scoped3A_750 : memref<!tpu.dma_semaphore, #tpu.memory_space<semaphore_mem>>) src(%dma_wait3A_780 : memref<64x64xf32, #tpu.memory_space<vmem>>) dst(%dma_wait3A_792 : memref<64x64xf32, #tpu.memory_space<vmem_shared>>)
        tpu.yield
      }) : () -> ()
      %run_scoped3A_713 = arith.constant 1 : i32
      %run_scoped3A_714 = arith.constant 1 : i32
      %run_scoped3A_715 = arith.constant 1 : i32
      "tpu.region"() ({
        %run_scoped3A_750 = tpu.sem_alloc : memref<!tpu.dma_semaphore, #tpu.memory_space<semaphore_mem>>
        %dma_start3A_751 = arith.constant 0 : i32
        %dma_start3A_752 = arith.constant 0 : i32
        %dma_start3A_753 = arith.constant 0 : i32
        %dma_start3A_754 = tpu.memref_slice %arg11[%run_scoped3A_713, %dma_start3A_751, %dma_start3A_752, %dma_start3A_753] : memref<2x8x64x64xf32, #tpu.memory_space<vmem>> -> memref<1x8x64x64xf32, #tpu.memory_space<vmem>>
        %dma_start3A_755 = tpu.memref_squeeze %dma_start3A_754 : memref<1x8x64x64xf32, #tpu.memory_space<vmem>> -> memref<8x64x64xf32, #tpu.memory_space<vmem>>
        %dma_start3A_756 = arith.constant 0 : i32
        %dma_start3A_757 = arith.constant 0 : i32
        %dma_start3A_758 = tpu.memref_slice %dma_start3A_755[%run_scoped3A_714, %dma_start3A_756, %dma_start3A_757] : memref<8x64x64xf32, #tpu.memory_space<vmem>> -> memref<1x64x64xf32, #tpu.memory_space<vmem>>
        %dma_start3A_759 = tpu.memref_squeeze %dma_start3A_758 : memref<1x64x64xf32, #tpu.memory_space<vmem>> -> memref<64x64xf32, #tpu.memory_space<vmem>>
        %dma_start3A_760 = arith.constant 0 : i32
        %dma_start3A_761 = arith.constant 0 : i32
        %dma_start3A_762 = arith.constant 0 : i32
        %dma_start3A_763 = tpu.memref_slice %arg12[%arg1, %dma_start3A_760, %dma_start3A_761, %dma_start3A_762] : memref<16x2x64x64xf32, #tpu.memory_space<vmem_shared>> -> memref<1x2x64x64xf32, #tpu.memory_space<vmem_shared>>
        %dma_start3A_764 = tpu.memref_squeeze %dma_start3A_763 : memref<1x2x64x64xf32, #tpu.memory_space<vmem_shared>> -> memref<2x64x64xf32, #tpu.memory_space<vmem_shared>>
        %dma_start3A_765 = arith.constant 0 : i32
        %dma_start3A_766 = arith.constant 0 : i32
        %dma_start3A_767 = tpu.memref_slice %dma_start3A_764[%run_scoped3A_715, %dma_start3A_765, %dma_start3A_766] : memref<2x64x64xf32, #tpu.memory_space<vmem_shared>> -> memref<1x64x64xf32, #tpu.memory_space<vmem_shared>>
        %dma_start3A_768 = tpu.memref_squeeze %dma_start3A_767 : memref<1x64x64xf32, #tpu.memory_space<vmem_shared>> -> memref<64x64xf32, #tpu.memory_space<vmem_shared>>
        %dma_start3A_769 = arith.constant 0 : i32
        %dma_start3A_770 = arith.constant 0 : i32
        %dma_start3A_771 = tpu.memref_slice %dma_start3A_768[%dma_start3A_769, %dma_start3A_770] : memref<64x64xf32, #tpu.memory_space<vmem_shared>> -> memref<64x64xf32, #tpu.memory_space<vmem_shared>>
        tpu.enqueue_indirect_dma source(%dma_start3A_759 : memref<64x64xf32, #tpu.memory_space<vmem>>) target(%dma_start3A_771 : memref<64x64xf32, #tpu.memory_space<vmem_shared>>) offsets(%arg10 : memref<64xi32, #tpu.memory_space<vmem>>) semaphore(%run_scoped3A_750 : memref<!tpu.dma_semaphore, #tpu.memory_space<semaphore_mem>>) {add = true}
        %dma_wait3A_772 = arith.constant 0 : i32
        %dma_wait3A_773 = arith.constant 0 : i32
        %dma_wait3A_774 = arith.constant 0 : i32
        %dma_wait3A_775 = tpu.memref_slice %arg11[%run_scoped3A_713, %dma_wait3A_772, %dma_wait3A_773, %dma_wait3A_774] : memref<2x8x64x64xf32, #tpu.memory_space<vmem>> -> memref<1x8x64x64xf32, #tpu.memory_space<vmem>>
        %dma_wait3A_776 = tpu.memref_squeeze %dma_wait3A_775 : memref<1x8x64x64xf32, #tpu.memory_space<vmem>> -> memref<8x64x64xf32, #tpu.memory_space<vmem>>
        %dma_wait3A_777 = arith.constant 0 : i32
        %dma_wait3A_778 = arith.constant 0 : i32
        %dma_wait3A_779 = tpu.memref_slice %dma_wait3A_776[%run_scoped3A_714, %dma_wait3A_777, %dma_wait3A_778] : memref<8x64x64xf32, #tpu.memory_space<vmem>> -> memref<1x64x64xf32, #tpu.memory_space<vmem>>
        %dma_wait3A_780 = tpu.memref_squeeze %dma_wait3A_779 : memref<1x64x64xf32, #tpu.memory_space<vmem>> -> memref<64x64xf32, #tpu.memory_space<vmem>>
        %dma_wait3A_781 = arith.constant 0 : i32
        %dma_wait3A_782 = arith.constant 0 : i32
        %dma_wait3A_783 = arith.constant 0 : i32
        %dma_wait3A_784 = tpu.memref_slice %arg12[%arg1, %dma_wait3A_781, %dma_wait3A_782, %dma_wait3A_783] : memref<16x2x64x64xf32, #tpu.memory_space<vmem_shared>> -> memref<1x2x64x64xf32, #tpu.memory_space<vmem_shared>>
        %dma_wait3A_785 = tpu.memref_squeeze %dma_wait3A_784 : memref<1x2x64x64xf32, #tpu.memory_space<vmem_shared>> -> memref<2x64x64xf32, #tpu.memory_space<vmem_shared>>
        %dma_wait3A_786 = arith.constant 0 : i32
        %dma_wait3A_787 = arith.constant 0 : i32
        %dma_wait3A_788 = tpu.memref_slice %dma_wait3A_785[%run_scoped3A_715, %dma_wait3A_786, %dma_wait3A_787] : memref<2x64x64xf32, #tpu.memory_space<vmem_shared>> -> memref<1x64x64xf32, #tpu.memory_space<vmem_shared>>
        %dma_wait3A_789 = tpu.memref_squeeze %dma_wait3A_788 : memref<1x64x64xf32, #tpu.memory_space<vmem_shared>> -> memref<64x64xf32, #tpu.memory_space<vmem_shared>>
        %dma_wait3A_790 = arith.constant 0 : i32
        %dma_wait3A_791 = arith.constant 0 : i32
        %dma_wait3A_792 = tpu.memref_slice %dma_wait3A_789[%dma_wait3A_790, %dma_wait3A_791] : memref<64x64xf32, #tpu.memory_space<vmem_shared>> -> memref<64x64xf32, #tpu.memory_space<vmem_shared>>
        tpu.wait_indirect_dma semaphore(%run_scoped3A_750 : memref<!tpu.dma_semaphore, #tpu.memory_space<semaphore_mem>>) src(%dma_wait3A_780 : memref<64x64xf32, #tpu.memory_space<vmem>>) dst(%dma_wait3A_792 : memref<64x64xf32, #tpu.memory_space<vmem_shared>>)
        tpu.yield
      }) : () -> ()
      %run_scoped3A_716 = arith.constant 1 : i32
      %run_scoped3A_717 = arith.constant 2 : i32
      %run_scoped3A_718 = arith.constant 1 : i32
      "tpu.region"() ({
        %run_scoped3A_750 = tpu.sem_alloc : memref<!tpu.dma_semaphore, #tpu.memory_space<semaphore_mem>>
        %dma_start3A_751 = arith.constant 0 : i32
        %dma_start3A_752 = arith.constant 0 : i32
        %dma_start3A_753 = arith.constant 0 : i32
        %dma_start3A_754 = tpu.memref_slice %arg11[%run_scoped3A_716, %dma_start3A_751, %dma_start3A_752, %dma_start3A_753] : memref<2x8x64x64xf32, #tpu.memory_space<vmem>> -> memref<1x8x64x64xf32, #tpu.memory_space<vmem>>
        %dma_start3A_755 = tpu.memref_squeeze %dma_start3A_754 : memref<1x8x64x64xf32, #tpu.memory_space<vmem>> -> memref<8x64x64xf32, #tpu.memory_space<vmem>>
        %dma_start3A_756 = arith.constant 0 : i32
        %dma_start3A_757 = arith.constant 0 : i32
        %dma_start3A_758 = tpu.memref_slice %dma_start3A_755[%run_scoped3A_717, %dma_start3A_756, %dma_start3A_757] : memref<8x64x64xf32, #tpu.memory_space<vmem>> -> memref<1x64x64xf32, #tpu.memory_space<vmem>>
        %dma_start3A_759 = tpu.memref_squeeze %dma_start3A_758 : memref<1x64x64xf32, #tpu.memory_space<vmem>> -> memref<64x64xf32, #tpu.memory_space<vmem>>
        %dma_start3A_760 = arith.constant 0 : i32
        %dma_start3A_761 = arith.constant 0 : i32
        %dma_start3A_762 = arith.constant 0 : i32
        %dma_start3A_763 = tpu.memref_slice %arg12[%arg1, %dma_start3A_760, %dma_start3A_761, %dma_start3A_762] : memref<16x2x64x64xf32, #tpu.memory_space<vmem_shared>> -> memref<1x2x64x64xf32, #tpu.memory_space<vmem_shared>>
        %dma_start3A_764 = tpu.memref_squeeze %dma_start3A_763 : memref<1x2x64x64xf32, #tpu.memory_space<vmem_shared>> -> memref<2x64x64xf32, #tpu.memory_space<vmem_shared>>
        %dma_start3A_765 = arith.constant 0 : i32
        %dma_start3A_766 = arith.constant 0 : i32
        %dma_start3A_767 = tpu.memref_slice %dma_start3A_764[%run_scoped3A_718, %dma_start3A_765, %dma_start3A_766] : memref<2x64x64xf32, #tpu.memory_space<vmem_shared>> -> memref<1x64x64xf32, #tpu.memory_space<vmem_shared>>
        %dma_start3A_768 = tpu.memref_squeeze %dma_start3A_767 : memref<1x64x64xf32, #tpu.memory_space<vmem_shared>> -> memref<64x64xf32, #tpu.memory_space<vmem_shared>>
        %dma_start3A_769 = arith.constant 0 : i32
        %dma_start3A_770 = arith.constant 0 : i32
        %dma_start3A_771 = tpu.memref_slice %dma_start3A_768[%dma_start3A_769, %dma_start3A_770] : memref<64x64xf32, #tpu.memory_space<vmem_shared>> -> memref<64x64xf32, #tpu.memory_space<vmem_shared>>
        tpu.enqueue_indirect_dma source(%dma_start3A_759 : memref<64x64xf32, #tpu.memory_space<vmem>>) target(%dma_start3A_771 : memref<64x64xf32, #tpu.memory_space<vmem_shared>>) offsets(%arg10 : memref<64xi32, #tpu.memory_space<vmem>>) semaphore(%run_scoped3A_750 : memref<!tpu.dma_semaphore, #tpu.memory_space<semaphore_mem>>) {add = true}
        %dma_wait3A_772 = arith.constant 0 : i32
        %dma_wait3A_773 = arith.constant 0 : i32
        %dma_wait3A_774 = arith.constant 0 : i32
        %dma_wait3A_775 = tpu.memref_slice %arg11[%run_scoped3A_716, %dma_wait3A_772, %dma_wait3A_773, %dma_wait3A_774] : memref<2x8x64x64xf32, #tpu.memory_space<vmem>> -> memref<1x8x64x64xf32, #tpu.memory_space<vmem>>
        %dma_wait3A_776 = tpu.memref_squeeze %dma_wait3A_775 : memref<1x8x64x64xf32, #tpu.memory_space<vmem>> -> memref<8x64x64xf32, #tpu.memory_space<vmem>>
        %dma_wait3A_777 = arith.constant 0 : i32
        %dma_wait3A_778 = arith.constant 0 : i32
        %dma_wait3A_779 = tpu.memref_slice %dma_wait3A_776[%run_scoped3A_717, %dma_wait3A_777, %dma_wait3A_778] : memref<8x64x64xf32, #tpu.memory_space<vmem>> -> memref<1x64x64xf32, #tpu.memory_space<vmem>>
        %dma_wait3A_780 = tpu.memref_squeeze %dma_wait3A_779 : memref<1x64x64xf32, #tpu.memory_space<vmem>> -> memref<64x64xf32, #tpu.memory_space<vmem>>
        %dma_wait3A_781 = arith.constant 0 : i32
        %dma_wait3A_782 = arith.constant 0 : i32
        %dma_wait3A_783 = arith.constant 0 : i32
        %dma_wait3A_784 = tpu.memref_slice %arg12[%arg1, %dma_wait3A_781, %dma_wait3A_782, %dma_wait3A_783] : memref<16x2x64x64xf32, #tpu.memory_space<vmem_shared>> -> memref<1x2x64x64xf32, #tpu.memory_space<vmem_shared>>
        %dma_wait3A_785 = tpu.memref_squeeze %dma_wait3A_784 : memref<1x2x64x64xf32, #tpu.memory_space<vmem_shared>> -> memref<2x64x64xf32, #tpu.memory_space<vmem_shared>>
        %dma_wait3A_786 = arith.constant 0 : i32
        %dma_wait3A_787 = arith.constant 0 : i32
        %dma_wait3A_788 = tpu.memref_slice %dma_wait3A_785[%run_scoped3A_718, %dma_wait3A_786, %dma_wait3A_787] : memref<2x64x64xf32, #tpu.memory_space<vmem_shared>> -> memref<1x64x64xf32, #tpu.memory_space<vmem_shared>>
        %dma_wait3A_789 = tpu.memref_squeeze %dma_wait3A_788 : memref<1x64x64xf32, #tpu.memory_space<vmem_shared>> -> memref<64x64xf32, #tpu.memory_space<vmem_shared>>
        %dma_wait3A_790 = arith.constant 0 : i32
        %dma_wait3A_791 = arith.constant 0 : i32
        %dma_wait3A_792 = tpu.memref_slice %dma_wait3A_789[%dma_wait3A_790, %dma_wait3A_791] : memref<64x64xf32, #tpu.memory_space<vmem_shared>> -> memref<64x64xf32, #tpu.memory_space<vmem_shared>>
        tpu.wait_indirect_dma semaphore(%run_scoped3A_750 : memref<!tpu.dma_semaphore, #tpu.memory_space<semaphore_mem>>) src(%dma_wait3A_780 : memref<64x64xf32, #tpu.memory_space<vmem>>) dst(%dma_wait3A_792 : memref<64x64xf32, #tpu.memory_space<vmem_shared>>)
        tpu.yield
      }) : () -> ()
      %run_scoped3A_719 = arith.constant 1 : i32
      %run_scoped3A_720 = arith.constant 3 : i32
      %run_scoped3A_721 = arith.constant 1 : i32
      "tpu.region"() ({
        %run_scoped3A_750 = tpu.sem_alloc : memref<!tpu.dma_semaphore, #tpu.memory_space<semaphore_mem>>
        %dma_start3A_751 = arith.constant 0 : i32
        %dma_start3A_752 = arith.constant 0 : i32
        %dma_start3A_753 = arith.constant 0 : i32
        %dma_start3A_754 = tpu.memref_slice %arg11[%run_scoped3A_719, %dma_start3A_751, %dma_start3A_752, %dma_start3A_753] : memref<2x8x64x64xf32, #tpu.memory_space<vmem>> -> memref<1x8x64x64xf32, #tpu.memory_space<vmem>>
        %dma_start3A_755 = tpu.memref_squeeze %dma_start3A_754 : memref<1x8x64x64xf32, #tpu.memory_space<vmem>> -> memref<8x64x64xf32, #tpu.memory_space<vmem>>
        %dma_start3A_756 = arith.constant 0 : i32
        %dma_start3A_757 = arith.constant 0 : i32
        %dma_start3A_758 = tpu.memref_slice %dma_start3A_755[%run_scoped3A_720, %dma_start3A_756, %dma_start3A_757] : memref<8x64x64xf32, #tpu.memory_space<vmem>> -> memref<1x64x64xf32, #tpu.memory_space<vmem>>
        %dma_start3A_759 = tpu.memref_squeeze %dma_start3A_758 : memref<1x64x64xf32, #tpu.memory_space<vmem>> -> memref<64x64xf32, #tpu.memory_space<vmem>>
        %dma_start3A_760 = arith.constant 0 : i32
        %dma_start3A_761 = arith.constant 0 : i32
        %dma_start3A_762 = arith.constant 0 : i32
        %dma_start3A_763 = tpu.memref_slice %arg12[%arg1, %dma_start3A_760, %dma_start3A_761, %dma_start3A_762] : memref<16x2x64x64xf32, #tpu.memory_space<vmem_shared>> -> memref<1x2x64x64xf32, #tpu.memory_space<vmem_shared>>
        %dma_start3A_764 = tpu.memref_squeeze %dma_start3A_763 : memref<1x2x64x64xf32, #tpu.memory_space<vmem_shared>> -> memref<2x64x64xf32, #tpu.memory_space<vmem_shared>>
        %dma_start3A_765 = arith.constant 0 : i32
        %dma_start3A_766 = arith.constant 0 : i32
        %dma_start3A_767 = tpu.memref_slice %dma_start3A_764[%run_scoped3A_721, %dma_start3A_765, %dma_start3A_766] : memref<2x64x64xf32, #tpu.memory_space<vmem_shared>> -> memref<1x64x64xf32, #tpu.memory_space<vmem_shared>>
        %dma_start3A_768 = tpu.memref_squeeze %dma_start3A_767 : memref<1x64x64xf32, #tpu.memory_space<vmem_shared>> -> memref<64x64xf32, #tpu.memory_space<vmem_shared>>
        %dma_start3A_769 = arith.constant 0 : i32
        %dma_start3A_770 = arith.constant 0 : i32
        %dma_start3A_771 = tpu.memref_slice %dma_start3A_768[%dma_start3A_769, %dma_start3A_770] : memref<64x64xf32, #tpu.memory_space<vmem_shared>> -> memref<64x64xf32, #tpu.memory_space<vmem_shared>>
        tpu.enqueue_indirect_dma source(%dma_start3A_759 : memref<64x64xf32, #tpu.memory_space<vmem>>) target(%dma_start3A_771 : memref<64x64xf32, #tpu.memory_space<vmem_shared>>) offsets(%arg10 : memref<64xi32, #tpu.memory_space<vmem>>) semaphore(%run_scoped3A_750 : memref<!tpu.dma_semaphore, #tpu.memory_space<semaphore_mem>>) {add = true}
        %dma_wait3A_772 = arith.constant 0 : i32
        %dma_wait3A_773 = arith.constant 0 : i32
        %dma_wait3A_774 = arith.constant 0 : i32
        %dma_wait3A_775 = tpu.memref_slice %arg11[%run_scoped3A_719, %dma_wait3A_772, %dma_wait3A_773, %dma_wait3A_774] : memref<2x8x64x64xf32, #tpu.memory_space<vmem>> -> memref<1x8x64x64xf32, #tpu.memory_space<vmem>>
        %dma_wait3A_776 = tpu.memref_squeeze %dma_wait3A_775 : memref<1x8x64x64xf32, #tpu.memory_space<vmem>> -> memref<8x64x64xf32, #tpu.memory_space<vmem>>
        %dma_wait3A_777 = arith.constant 0 : i32
        %dma_wait3A_778 = arith.constant 0 : i32
        %dma_wait3A_779 = tpu.memref_slice %dma_wait3A_776[%run_scoped3A_720, %dma_wait3A_777, %dma_wait3A_778] : memref<8x64x64xf32, #tpu.memory_space<vmem>> -> memref<1x64x64xf32, #tpu.memory_space<vmem>>
        %dma_wait3A_780 = tpu.memref_squeeze %dma_wait3A_779 : memref<1x64x64xf32, #tpu.memory_space<vmem>> -> memref<64x64xf32, #tpu.memory_space<vmem>>
        %dma_wait3A_781 = arith.constant 0 : i32
        %dma_wait3A_782 = arith.constant 0 : i32
        %dma_wait3A_783 = arith.constant 0 : i32
        %dma_wait3A_784 = tpu.memref_slice %arg12[%arg1, %dma_wait3A_781, %dma_wait3A_782, %dma_wait3A_783] : memref<16x2x64x64xf32, #tpu.memory_space<vmem_shared>> -> memref<1x2x64x64xf32, #tpu.memory_space<vmem_shared>>
        %dma_wait3A_785 = tpu.memref_squeeze %dma_wait3A_784 : memref<1x2x64x64xf32, #tpu.memory_space<vmem_shared>> -> memref<2x64x64xf32, #tpu.memory_space<vmem_shared>>
        %dma_wait3A_786 = arith.constant 0 : i32
        %dma_wait3A_787 = arith.constant 0 : i32
        %dma_wait3A_788 = tpu.memref_slice %dma_wait3A_785[%run_scoped3A_721, %dma_wait3A_786, %dma_wait3A_787] : memref<2x64x64xf32, #tpu.memory_space<vmem_shared>> -> memref<1x64x64xf32, #tpu.memory_space<vmem_shared>>
        %dma_wait3A_789 = tpu.memref_squeeze %dma_wait3A_788 : memref<1x64x64xf32, #tpu.memory_space<vmem_shared>> -> memref<64x64xf32, #tpu.memory_space<vmem_shared>>
        %dma_wait3A_790 = arith.constant 0 : i32
        %dma_wait3A_791 = arith.constant 0 : i32
        %dma_wait3A_792 = tpu.memref_slice %dma_wait3A_789[%dma_wait3A_790, %dma_wait3A_791] : memref<64x64xf32, #tpu.memory_space<vmem_shared>> -> memref<64x64xf32, #tpu.memory_space<vmem_shared>>
        tpu.wait_indirect_dma semaphore(%run_scoped3A_750 : memref<!tpu.dma_semaphore, #tpu.memory_space<semaphore_mem>>) src(%dma_wait3A_780 : memref<64x64xf32, #tpu.memory_space<vmem>>) dst(%dma_wait3A_792 : memref<64x64xf32, #tpu.memory_space<vmem_shared>>)
        tpu.yield
      }) : () -> ()
      %run_scoped3A_722 = arith.constant 1 : i32
      %run_scoped3A_723 = arith.constant 4 : i32
      %run_scoped3A_724 = arith.constant 1 : i32
      "tpu.region"() ({
        %run_scoped3A_750 = tpu.sem_alloc : memref<!tpu.dma_semaphore, #tpu.memory_space<semaphore_mem>>
        %dma_start3A_751 = arith.constant 0 : i32
        %dma_start3A_752 = arith.constant 0 : i32
        %dma_start3A_753 = arith.constant 0 : i32
        %dma_start3A_754 = tpu.memref_slice %arg11[%run_scoped3A_722, %dma_start3A_751, %dma_start3A_752, %dma_start3A_753] : memref<2x8x64x64xf32, #tpu.memory_space<vmem>> -> memref<1x8x64x64xf32, #tpu.memory_space<vmem>>
        %dma_start3A_755 = tpu.memref_squeeze %dma_start3A_754 : memref<1x8x64x64xf32, #tpu.memory_space<vmem>> -> memref<8x64x64xf32, #tpu.memory_space<vmem>>
        %dma_start3A_756 = arith.constant 0 : i32
        %dma_start3A_757 = arith.constant 0 : i32
        %dma_start3A_758 = tpu.memref_slice %dma_start3A_755[%run_scoped3A_723, %dma_start3A_756, %dma_start3A_757] : memref<8x64x64xf32, #tpu.memory_space<vmem>> -> memref<1x64x64xf32, #tpu.memory_space<vmem>>
        %dma_start3A_759 = tpu.memref_squeeze %dma_start3A_758 : memref<1x64x64xf32, #tpu.memory_space<vmem>> -> memref<64x64xf32, #tpu.memory_space<vmem>>
        %dma_start3A_760 = arith.constant 0 : i32
        %dma_start3A_761 = arith.constant 0 : i32
        %dma_start3A_762 = arith.constant 0 : i32
        %dma_start3A_763 = tpu.memref_slice %arg12[%arg1, %dma_start3A_760, %dma_start3A_761, %dma_start3A_762] : memref<16x2x64x64xf32, #tpu.memory_space<vmem_shared>> -> memref<1x2x64x64xf32, #tpu.memory_space<vmem_shared>>
        %dma_start3A_764 = tpu.memref_squeeze %dma_start3A_763 : memref<1x2x64x64xf32, #tpu.memory_space<vmem_shared>> -> memref<2x64x64xf32, #tpu.memory_space<vmem_shared>>
        %dma_start3A_765 = arith.constant 0 : i32
        %dma_start3A_766 = arith.constant 0 : i32
        %dma_start3A_767 = tpu.memref_slice %dma_start3A_764[%run_scoped3A_724, %dma_start3A_765, %dma_start3A_766] : memref<2x64x64xf32, #tpu.memory_space<vmem_shared>> -> memref<1x64x64xf32, #tpu.memory_space<vmem_shared>>
        %dma_start3A_768 = tpu.memref_squeeze %dma_start3A_767 : memref<1x64x64xf32, #tpu.memory_space<vmem_shared>> -> memref<64x64xf32, #tpu.memory_space<vmem_shared>>
        %dma_start3A_769 = arith.constant 0 : i32
        %dma_start3A_770 = arith.constant 0 : i32
        %dma_start3A_771 = tpu.memref_slice %dma_start3A_768[%dma_start3A_769, %dma_start3A_770] : memref<64x64xf32, #tpu.memory_space<vmem_shared>> -> memref<64x64xf32, #tpu.memory_space<vmem_shared>>
        tpu.enqueue_indirect_dma source(%dma_start3A_759 : memref<64x64xf32, #tpu.memory_space<vmem>>) target(%dma_start3A_771 : memref<64x64xf32, #tpu.memory_space<vmem_shared>>) offsets(%arg10 : memref<64xi32, #tpu.memory_space<vmem>>) semaphore(%run_scoped3A_750 : memref<!tpu.dma_semaphore, #tpu.memory_space<semaphore_mem>>) {add = true}
        %dma_wait3A_772 = arith.constant 0 : i32
        %dma_wait3A_773 = arith.constant 0 : i32
        %dma_wait3A_774 = arith.constant 0 : i32
        %dma_wait3A_775 = tpu.memref_slice %arg11[%run_scoped3A_722, %dma_wait3A_772, %dma_wait3A_773, %dma_wait3A_774] : memref<2x8x64x64xf32, #tpu.memory_space<vmem>> -> memref<1x8x64x64xf32, #tpu.memory_space<vmem>>
        %dma_wait3A_776 = tpu.memref_squeeze %dma_wait3A_775 : memref<1x8x64x64xf32, #tpu.memory_space<vmem>> -> memref<8x64x64xf32, #tpu.memory_space<vmem>>
        %dma_wait3A_777 = arith.constant 0 : i32
        %dma_wait3A_778 = arith.constant 0 : i32
        %dma_wait3A_779 = tpu.memref_slice %dma_wait3A_776[%run_scoped3A_723, %dma_wait3A_777, %dma_wait3A_778] : memref<8x64x64xf32, #tpu.memory_space<vmem>> -> memref<1x64x64xf32, #tpu.memory_space<vmem>>
        %dma_wait3A_780 = tpu.memref_squeeze %dma_wait3A_779 : memref<1x64x64xf32, #tpu.memory_space<vmem>> -> memref<64x64xf32, #tpu.memory_space<vmem>>
        %dma_wait3A_781 = arith.constant 0 : i32
        %dma_wait3A_782 = arith.constant 0 : i32
        %dma_wait3A_783 = arith.constant 0 : i32
        %dma_wait3A_784 = tpu.memref_slice %arg12[%arg1, %dma_wait3A_781, %dma_wait3A_782, %dma_wait3A_783] : memref<16x2x64x64xf32, #tpu.memory_space<vmem_shared>> -> memref<1x2x64x64xf32, #tpu.memory_space<vmem_shared>>
        %dma_wait3A_785 = tpu.memref_squeeze %dma_wait3A_784 : memref<1x2x64x64xf32, #tpu.memory_space<vmem_shared>> -> memref<2x64x64xf32, #tpu.memory_space<vmem_shared>>
        %dma_wait3A_786 = arith.constant 0 : i32
        %dma_wait3A_787 = arith.constant 0 : i32
        %dma_wait3A_788 = tpu.memref_slice %dma_wait3A_785[%run_scoped3A_724, %dma_wait3A_786, %dma_wait3A_787] : memref<2x64x64xf32, #tpu.memory_space<vmem_shared>> -> memref<1x64x64xf32, #tpu.memory_space<vmem_shared>>
        %dma_wait3A_789 = tpu.memref_squeeze %dma_wait3A_788 : memref<1x64x64xf32, #tpu.memory_space<vmem_shared>> -> memref<64x64xf32, #tpu.memory_space<vmem_shared>>
        %dma_wait3A_790 = arith.constant 0 : i32
        %dma_wait3A_791 = arith.constant 0 : i32
        %dma_wait3A_792 = tpu.memref_slice %dma_wait3A_789[%dma_wait3A_790, %dma_wait3A_791] : memref<64x64xf32, #tpu.memory_space<vmem_shared>> -> memref<64x64xf32, #tpu.memory_space<vmem_shared>>
        tpu.wait_indirect_dma semaphore(%run_scoped3A_750 : memref<!tpu.dma_semaphore, #tpu.memory_space<semaphore_mem>>) src(%dma_wait3A_780 : memref<64x64xf32, #tpu.memory_space<vmem>>) dst(%dma_wait3A_792 : memref<64x64xf32, #tpu.memory_space<vmem_shared>>)
        tpu.yield
      }) : () -> ()
      %run_scoped3A_725 = arith.constant 1 : i32
      %run_scoped3A_726 = arith.constant 5 : i32
      %run_scoped3A_727 = arith.constant 1 : i32
      "tpu.region"() ({
        %run_scoped3A_750 = tpu.sem_alloc : memref<!tpu.dma_semaphore, #tpu.memory_space<semaphore_mem>>
        %dma_start3A_751 = arith.constant 0 : i32
        %dma_start3A_752 = arith.constant 0 : i32
        %dma_start3A_753 = arith.constant 0 : i32
        %dma_start3A_754 = tpu.memref_slice %arg11[%run_scoped3A_725, %dma_start3A_751, %dma_start3A_752, %dma_start3A_753] : memref<2x8x64x64xf32, #tpu.memory_space<vmem>> -> memref<1x8x64x64xf32, #tpu.memory_space<vmem>>
        %dma_start3A_755 = tpu.memref_squeeze %dma_start3A_754 : memref<1x8x64x64xf32, #tpu.memory_space<vmem>> -> memref<8x64x64xf32, #tpu.memory_space<vmem>>
        %dma_start3A_756 = arith.constant 0 : i32
        %dma_start3A_757 = arith.constant 0 : i32
        %dma_start3A_758 = tpu.memref_slice %dma_start3A_755[%run_scoped3A_726, %dma_start3A_756, %dma_start3A_757] : memref<8x64x64xf32, #tpu.memory_space<vmem>> -> memref<1x64x64xf32, #tpu.memory_space<vmem>>
        %dma_start3A_759 = tpu.memref_squeeze %dma_start3A_758 : memref<1x64x64xf32, #tpu.memory_space<vmem>> -> memref<64x64xf32, #tpu.memory_space<vmem>>
        %dma_start3A_760 = arith.constant 0 : i32
        %dma_start3A_761 = arith.constant 0 : i32
        %dma_start3A_762 = arith.constant 0 : i32
        %dma_start3A_763 = tpu.memref_slice %arg12[%arg1, %dma_start3A_760, %dma_start3A_761, %dma_start3A_762] : memref<16x2x64x64xf32, #tpu.memory_space<vmem_shared>> -> memref<1x2x64x64xf32, #tpu.memory_space<vmem_shared>>
        %dma_start3A_764 = tpu.memref_squeeze %dma_start3A_763 : memref<1x2x64x64xf32, #tpu.memory_space<vmem_shared>> -> memref<2x64x64xf32, #tpu.memory_space<vmem_shared>>
        %dma_start3A_765 = arith.constant 0 : i32
        %dma_start3A_766 = arith.constant 0 : i32
        %dma_start3A_767 = tpu.memref_slice %dma_start3A_764[%run_scoped3A_727, %dma_start3A_765, %dma_start3A_766] : memref<2x64x64xf32, #tpu.memory_space<vmem_shared>> -> memref<1x64x64xf32, #tpu.memory_space<vmem_shared>>
        %dma_start3A_768 = tpu.memref_squeeze %dma_start3A_767 : memref<1x64x64xf32, #tpu.memory_space<vmem_shared>> -> memref<64x64xf32, #tpu.memory_space<vmem_shared>>
        %dma_start3A_769 = arith.constant 0 : i32
        %dma_start3A_770 = arith.constant 0 : i32
        %dma_start3A_771 = tpu.memref_slice %dma_start3A_768[%dma_start3A_769, %dma_start3A_770] : memref<64x64xf32, #tpu.memory_space<vmem_shared>> -> memref<64x64xf32, #tpu.memory_space<vmem_shared>>
        tpu.enqueue_indirect_dma source(%dma_start3A_759 : memref<64x64xf32, #tpu.memory_space<vmem>>) target(%dma_start3A_771 : memref<64x64xf32, #tpu.memory_space<vmem_shared>>) offsets(%arg10 : memref<64xi32, #tpu.memory_space<vmem>>) semaphore(%run_scoped3A_750 : memref<!tpu.dma_semaphore, #tpu.memory_space<semaphore_mem>>) {add = true}
        %dma_wait3A_772 = arith.constant 0 : i32
        %dma_wait3A_773 = arith.constant 0 : i32
        %dma_wait3A_774 = arith.constant 0 : i32
        %dma_wait3A_775 = tpu.memref_slice %arg11[%run_scoped3A_725, %dma_wait3A_772, %dma_wait3A_773, %dma_wait3A_774] : memref<2x8x64x64xf32, #tpu.memory_space<vmem>> -> memref<1x8x64x64xf32, #tpu.memory_space<vmem>>
        %dma_wait3A_776 = tpu.memref_squeeze %dma_wait3A_775 : memref<1x8x64x64xf32, #tpu.memory_space<vmem>> -> memref<8x64x64xf32, #tpu.memory_space<vmem>>
        %dma_wait3A_777 = arith.constant 0 : i32
        %dma_wait3A_778 = arith.constant 0 : i32
        %dma_wait3A_779 = tpu.memref_slice %dma_wait3A_776[%run_scoped3A_726, %dma_wait3A_777, %dma_wait3A_778] : memref<8x64x64xf32, #tpu.memory_space<vmem>> -> memref<1x64x64xf32, #tpu.memory_space<vmem>>
        %dma_wait3A_780 = tpu.memref_squeeze %dma_wait3A_779 : memref<1x64x64xf32, #tpu.memory_space<vmem>> -> memref<64x64xf32, #tpu.memory_space<vmem>>
        %dma_wait3A_781 = arith.constant 0 : i32
        %dma_wait3A_782 = arith.constant 0 : i32
        %dma_wait3A_783 = arith.constant 0 : i32
        %dma_wait3A_784 = tpu.memref_slice %arg12[%arg1, %dma_wait3A_781, %dma_wait3A_782, %dma_wait3A_783] : memref<16x2x64x64xf32, #tpu.memory_space<vmem_shared>> -> memref<1x2x64x64xf32, #tpu.memory_space<vmem_shared>>
        %dma_wait3A_785 = tpu.memref_squeeze %dma_wait3A_784 : memref<1x2x64x64xf32, #tpu.memory_space<vmem_shared>> -> memref<2x64x64xf32, #tpu.memory_space<vmem_shared>>
        %dma_wait3A_786 = arith.constant 0 : i32
        %dma_wait3A_787 = arith.constant 0 : i32
        %dma_wait3A_788 = tpu.memref_slice %dma_wait3A_785[%run_scoped3A_727, %dma_wait3A_786, %dma_wait3A_787] : memref<2x64x64xf32, #tpu.memory_space<vmem_shared>> -> memref<1x64x64xf32, #tpu.memory_space<vmem_shared>>
        %dma_wait3A_789 = tpu.memref_squeeze %dma_wait3A_788 : memref<1x64x64xf32, #tpu.memory_space<vmem_shared>> -> memref<64x64xf32, #tpu.memory_space<vmem_shared>>
        %dma_wait3A_790 = arith.constant 0 : i32
        %dma_wait3A_791 = arith.constant 0 : i32
        %dma_wait3A_792 = tpu.memref_slice %dma_wait3A_789[%dma_wait3A_790, %dma_wait3A_791] : memref<64x64xf32, #tpu.memory_space<vmem_shared>> -> memref<64x64xf32, #tpu.memory_space<vmem_shared>>
        tpu.wait_indirect_dma semaphore(%run_scoped3A_750 : memref<!tpu.dma_semaphore, #tpu.memory_space<semaphore_mem>>) src(%dma_wait3A_780 : memref<64x64xf32, #tpu.memory_space<vmem>>) dst(%dma_wait3A_792 : memref<64x64xf32, #tpu.memory_space<vmem_shared>>)
        tpu.yield
      }) : () -> ()
      %run_scoped3A_728 = arith.constant 1 : i32
      %run_scoped3A_729 = arith.constant 6 : i32
      %run_scoped3A_730 = arith.constant 1 : i32
      "tpu.region"() ({
        %run_scoped3A_750 = tpu.sem_alloc : memref<!tpu.dma_semaphore, #tpu.memory_space<semaphore_mem>>
        %dma_start3A_751 = arith.constant 0 : i32
        %dma_start3A_752 = arith.constant 0 : i32
        %dma_start3A_753 = arith.constant 0 : i32
        %dma_start3A_754 = tpu.memref_slice %arg11[%run_scoped3A_728, %dma_start3A_751, %dma_start3A_752, %dma_start3A_753] : memref<2x8x64x64xf32, #tpu.memory_space<vmem>> -> memref<1x8x64x64xf32, #tpu.memory_space<vmem>>
        %dma_start3A_755 = tpu.memref_squeeze %dma_start3A_754 : memref<1x8x64x64xf32, #tpu.memory_space<vmem>> -> memref<8x64x64xf32, #tpu.memory_space<vmem>>
        %dma_start3A_756 = arith.constant 0 : i32
        %dma_start3A_757 = arith.constant 0 : i32
        %dma_start3A_758 = tpu.memref_slice %dma_start3A_755[%run_scoped3A_729, %dma_start3A_756, %dma_start3A_757] : memref<8x64x64xf32, #tpu.memory_space<vmem>> -> memref<1x64x64xf32, #tpu.memory_space<vmem>>
        %dma_start3A_759 = tpu.memref_squeeze %dma_start3A_758 : memref<1x64x64xf32, #tpu.memory_space<vmem>> -> memref<64x64xf32, #tpu.memory_space<vmem>>
        %dma_start3A_760 = arith.constant 0 : i32
        %dma_start3A_761 = arith.constant 0 : i32
        %dma_start3A_762 = arith.constant 0 : i32
        %dma_start3A_763 = tpu.memref_slice %arg12[%arg1, %dma_start3A_760, %dma_start3A_761, %dma_start3A_762] : memref<16x2x64x64xf32, #tpu.memory_space<vmem_shared>> -> memref<1x2x64x64xf32, #tpu.memory_space<vmem_shared>>
        %dma_start3A_764 = tpu.memref_squeeze %dma_start3A_763 : memref<1x2x64x64xf32, #tpu.memory_space<vmem_shared>> -> memref<2x64x64xf32, #tpu.memory_space<vmem_shared>>
        %dma_start3A_765 = arith.constant 0 : i32
        %dma_start3A_766 = arith.constant 0 : i32
        %dma_start3A_767 = tpu.memref_slice %dma_start3A_764[%run_scoped3A_730, %dma_start3A_765, %dma_start3A_766] : memref<2x64x64xf32, #tpu.memory_space<vmem_shared>> -> memref<1x64x64xf32, #tpu.memory_space<vmem_shared>>
        %dma_start3A_768 = tpu.memref_squeeze %dma_start3A_767 : memref<1x64x64xf32, #tpu.memory_space<vmem_shared>> -> memref<64x64xf32, #tpu.memory_space<vmem_shared>>
        %dma_start3A_769 = arith.constant 0 : i32
        %dma_start3A_770 = arith.constant 0 : i32
        %dma_start3A_771 = tpu.memref_slice %dma_start3A_768[%dma_start3A_769, %dma_start3A_770] : memref<64x64xf32, #tpu.memory_space<vmem_shared>> -> memref<64x64xf32, #tpu.memory_space<vmem_shared>>
        tpu.enqueue_indirect_dma source(%dma_start3A_759 : memref<64x64xf32, #tpu.memory_space<vmem>>) target(%dma_start3A_771 : memref<64x64xf32, #tpu.memory_space<vmem_shared>>) offsets(%arg10 : memref<64xi32, #tpu.memory_space<vmem>>) semaphore(%run_scoped3A_750 : memref<!tpu.dma_semaphore, #tpu.memory_space<semaphore_mem>>) {add = true}
        %dma_wait3A_772 = arith.constant 0 : i32
        %dma_wait3A_773 = arith.constant 0 : i32
        %dma_wait3A_774 = arith.constant 0 : i32
        %dma_wait3A_775 = tpu.memref_slice %arg11[%run_scoped3A_728, %dma_wait3A_772, %dma_wait3A_773, %dma_wait3A_774] : memref<2x8x64x64xf32, #tpu.memory_space<vmem>> -> memref<1x8x64x64xf32, #tpu.memory_space<vmem>>
        %dma_wait3A_776 = tpu.memref_squeeze %dma_wait3A_775 : memref<1x8x64x64xf32, #tpu.memory_space<vmem>> -> memref<8x64x64xf32, #tpu.memory_space<vmem>>
        %dma_wait3A_777 = arith.constant 0 : i32
        %dma_wait3A_778 = arith.constant 0 : i32
        %dma_wait3A_779 = tpu.memref_slice %dma_wait3A_776[%run_scoped3A_729, %dma_wait3A_777, %dma_wait3A_778] : memref<8x64x64xf32, #tpu.memory_space<vmem>> -> memref<1x64x64xf32, #tpu.memory_space<vmem>>
        %dma_wait3A_780 = tpu.memref_squeeze %dma_wait3A_779 : memref<1x64x64xf32, #tpu.memory_space<vmem>> -> memref<64x64xf32, #tpu.memory_space<vmem>>
        %dma_wait3A_781 = arith.constant 0 : i32
        %dma_wait3A_782 = arith.constant 0 : i32
        %dma_wait3A_783 = arith.constant 0 : i32
        %dma_wait3A_784 = tpu.memref_slice %arg12[%arg1, %dma_wait3A_781, %dma_wait3A_782, %dma_wait3A_783] : memref<16x2x64x64xf32, #tpu.memory_space<vmem_shared>> -> memref<1x2x64x64xf32, #tpu.memory_space<vmem_shared>>
        %dma_wait3A_785 = tpu.memref_squeeze %dma_wait3A_784 : memref<1x2x64x64xf32, #tpu.memory_space<vmem_shared>> -> memref<2x64x64xf32, #tpu.memory_space<vmem_shared>>
        %dma_wait3A_786 = arith.constant 0 : i32
        %dma_wait3A_787 = arith.constant 0 : i32
        %dma_wait3A_788 = tpu.memref_slice %dma_wait3A_785[%run_scoped3A_730, %dma_wait3A_786, %dma_wait3A_787] : memref<2x64x64xf32, #tpu.memory_space<vmem_shared>> -> memref<1x64x64xf32, #tpu.memory_space<vmem_shared>>
        %dma_wait3A_789 = tpu.memref_squeeze %dma_wait3A_788 : memref<1x64x64xf32, #tpu.memory_space<vmem_shared>> -> memref<64x64xf32, #tpu.memory_space<vmem_shared>>
        %dma_wait3A_790 = arith.constant 0 : i32
        %dma_wait3A_791 = arith.constant 0 : i32
        %dma_wait3A_792 = tpu.memref_slice %dma_wait3A_789[%dma_wait3A_790, %dma_wait3A_791] : memref<64x64xf32, #tpu.memory_space<vmem_shared>> -> memref<64x64xf32, #tpu.memory_space<vmem_shared>>
        tpu.wait_indirect_dma semaphore(%run_scoped3A_750 : memref<!tpu.dma_semaphore, #tpu.memory_space<semaphore_mem>>) src(%dma_wait3A_780 : memref<64x64xf32, #tpu.memory_space<vmem>>) dst(%dma_wait3A_792 : memref<64x64xf32, #tpu.memory_space<vmem_shared>>)
        tpu.yield
      }) : () -> ()
      %run_scoped3A_731 = arith.constant 1 : i32
      %run_scoped3A_732 = arith.constant 7 : i32
      %run_scoped3A_733 = arith.constant 1 : i32
      "tpu.region"() ({
        %run_scoped3A_750 = tpu.sem_alloc : memref<!tpu.dma_semaphore, #tpu.memory_space<semaphore_mem>>
        %dma_start3A_751 = arith.constant 0 : i32
        %dma_start3A_752 = arith.constant 0 : i32
        %dma_start3A_753 = arith.constant 0 : i32
        %dma_start3A_754 = tpu.memref_slice %arg11[%run_scoped3A_731, %dma_start3A_751, %dma_start3A_752, %dma_start3A_753] : memref<2x8x64x64xf32, #tpu.memory_space<vmem>> -> memref<1x8x64x64xf32, #tpu.memory_space<vmem>>
        %dma_start3A_755 = tpu.memref_squeeze %dma_start3A_754 : memref<1x8x64x64xf32, #tpu.memory_space<vmem>> -> memref<8x64x64xf32, #tpu.memory_space<vmem>>
        %dma_start3A_756 = arith.constant 0 : i32
        %dma_start3A_757 = arith.constant 0 : i32
        %dma_start3A_758 = tpu.memref_slice %dma_start3A_755[%run_scoped3A_732, %dma_start3A_756, %dma_start3A_757] : memref<8x64x64xf32, #tpu.memory_space<vmem>> -> memref<1x64x64xf32, #tpu.memory_space<vmem>>
        %dma_start3A_759 = tpu.memref_squeeze %dma_start3A_758 : memref<1x64x64xf32, #tpu.memory_space<vmem>> -> memref<64x64xf32, #tpu.memory_space<vmem>>
        %dma_start3A_760 = arith.constant 0 : i32
        %dma_start3A_761 = arith.constant 0 : i32
        %dma_start3A_762 = arith.constant 0 : i32
        %dma_start3A_763 = tpu.memref_slice %arg12[%arg1, %dma_start3A_760, %dma_start3A_761, %dma_start3A_762] : memref<16x2x64x64xf32, #tpu.memory_space<vmem_shared>> -> memref<1x2x64x64xf32, #tpu.memory_space<vmem_shared>>
        %dma_start3A_764 = tpu.memref_squeeze %dma_start3A_763 : memref<1x2x64x64xf32, #tpu.memory_space<vmem_shared>> -> memref<2x64x64xf32, #tpu.memory_space<vmem_shared>>
        %dma_start3A_765 = arith.constant 0 : i32
        %dma_start3A_766 = arith.constant 0 : i32
        %dma_start3A_767 = tpu.memref_slice %dma_start3A_764[%run_scoped3A_733, %dma_start3A_765, %dma_start3A_766] : memref<2x64x64xf32, #tpu.memory_space<vmem_shared>> -> memref<1x64x64xf32, #tpu.memory_space<vmem_shared>>
        %dma_start3A_768 = tpu.memref_squeeze %dma_start3A_767 : memref<1x64x64xf32, #tpu.memory_space<vmem_shared>> -> memref<64x64xf32, #tpu.memory_space<vmem_shared>>
        %dma_start3A_769 = arith.constant 0 : i32
        %dma_start3A_770 = arith.constant 0 : i32
        %dma_start3A_771 = tpu.memref_slice %dma_start3A_768[%dma_start3A_769, %dma_start3A_770] : memref<64x64xf32, #tpu.memory_space<vmem_shared>> -> memref<64x64xf32, #tpu.memory_space<vmem_shared>>
        tpu.enqueue_indirect_dma source(%dma_start3A_759 : memref<64x64xf32, #tpu.memory_space<vmem>>) target(%dma_start3A_771 : memref<64x64xf32, #tpu.memory_space<vmem_shared>>) offsets(%arg10 : memref<64xi32, #tpu.memory_space<vmem>>) semaphore(%run_scoped3A_750 : memref<!tpu.dma_semaphore, #tpu.memory_space<semaphore_mem>>) {add = true}
        %dma_wait3A_772 = arith.constant 0 : i32
        %dma_wait3A_773 = arith.constant 0 : i32
        %dma_wait3A_774 = arith.constant 0 : i32
        %dma_wait3A_775 = tpu.memref_slice %arg11[%run_scoped3A_731, %dma_wait3A_772, %dma_wait3A_773, %dma_wait3A_774] : memref<2x8x64x64xf32, #tpu.memory_space<vmem>> -> memref<1x8x64x64xf32, #tpu.memory_space<vmem>>
        %dma_wait3A_776 = tpu.memref_squeeze %dma_wait3A_775 : memref<1x8x64x64xf32, #tpu.memory_space<vmem>> -> memref<8x64x64xf32, #tpu.memory_space<vmem>>
        %dma_wait3A_777 = arith.constant 0 : i32
        %dma_wait3A_778 = arith.constant 0 : i32
        %dma_wait3A_779 = tpu.memref_slice %dma_wait3A_776[%run_scoped3A_732, %dma_wait3A_777, %dma_wait3A_778] : memref<8x64x64xf32, #tpu.memory_space<vmem>> -> memref<1x64x64xf32, #tpu.memory_space<vmem>>
        %dma_wait3A_780 = tpu.memref_squeeze %dma_wait3A_779 : memref<1x64x64xf32, #tpu.memory_space<vmem>> -> memref<64x64xf32, #tpu.memory_space<vmem>>
        %dma_wait3A_781 = arith.constant 0 : i32
        %dma_wait3A_782 = arith.constant 0 : i32
        %dma_wait3A_783 = arith.constant 0 : i32
        %dma_wait3A_784 = tpu.memref_slice %arg12[%arg1, %dma_wait3A_781, %dma_wait3A_782, %dma_wait3A_783] : memref<16x2x64x64xf32, #tpu.memory_space<vmem_shared>> -> memref<1x2x64x64xf32, #tpu.memory_space<vmem_shared>>
        %dma_wait3A_785 = tpu.memref_squeeze %dma_wait3A_784 : memref<1x2x64x64xf32, #tpu.memory_space<vmem_shared>> -> memref<2x64x64xf32, #tpu.memory_space<vmem_shared>>
        %dma_wait3A_786 = arith.constant 0 : i32
        %dma_wait3A_787 = arith.constant 0 : i32
        %dma_wait3A_788 = tpu.memref_slice %dma_wait3A_785[%run_scoped3A_733, %dma_wait3A_786, %dma_wait3A_787] : memref<2x64x64xf32, #tpu.memory_space<vmem_shared>> -> memref<1x64x64xf32, #tpu.memory_space<vmem_shared>>
        %dma_wait3A_789 = tpu.memref_squeeze %dma_wait3A_788 : memref<1x64x64xf32, #tpu.memory_space<vmem_shared>> -> memref<64x64xf32, #tpu.memory_space<vmem_shared>>
        %dma_wait3A_790 = arith.constant 0 : i32
        %dma_wait3A_791 = arith.constant 0 : i32
        %dma_wait3A_792 = tpu.memref_slice %dma_wait3A_789[%dma_wait3A_790, %dma_wait3A_791] : memref<64x64xf32, #tpu.memory_space<vmem_shared>> -> memref<64x64xf32, #tpu.memory_space<vmem_shared>>
        tpu.wait_indirect_dma semaphore(%run_scoped3A_750 : memref<!tpu.dma_semaphore, #tpu.memory_space<semaphore_mem>>) src(%dma_wait3A_780 : memref<64x64xf32, #tpu.memory_space<vmem>>) dst(%dma_wait3A_792 : memref<64x64xf32, #tpu.memory_space<vmem_shared>>)
        tpu.yield
      }) : () -> ()
      %mul3A_734 = arith.constant 64 : i32
      %mul3A_735 = arith.muli %add3A_506, %mul3A_734 : i32
      %add3A_736 = arith.addi %mul3A_2, %mul3A_735 : i32
      %dma_start3A_737 = arith.constant 1 : i32
      %dma_start3A_738 = arith.constant 0 : i32
      %dma_start3A_739 = tpu.memref_slice %arg5[%add3A_736, %dma_start3A_738] : memref<204800x64xf32, #tpu.memory_space<hbm>> -> memref<64x64xf32, #tpu.memory_space<hbm>>
      %dma_start3A_740 = arith.constant 0 : i32
      %dma_start3A_741 = arith.constant 0 : i32
      %dma_start3A_742 = arith.constant 0 : i32
      %dma_start3A_743 = tpu.memref_slice %arg12[%arg1, %dma_start3A_740, %dma_start3A_741, %dma_start3A_742] : memref<16x2x64x64xf32, #tpu.memory_space<vmem_shared>> -> memref<1x2x64x64xf32, #tpu.memory_space<vmem_shared>>
      %dma_start3A_744 = tpu.memref_squeeze %dma_start3A_743 : memref<1x2x64x64xf32, #tpu.memory_space<vmem_shared>> -> memref<2x64x64xf32, #tpu.memory_space<vmem_shared>>
      %dma_start3A_745 = arith.constant 0 : i32
      %dma_start3A_746 = arith.constant 0 : i32
      %dma_start3A_747 = tpu.memref_slice %dma_start3A_744[%dma_start3A_737, %dma_start3A_745, %dma_start3A_746] : memref<2x64x64xf32, #tpu.memory_space<vmem_shared>> -> memref<1x64x64xf32, #tpu.memory_space<vmem_shared>>
      %dma_start3A_748 = tpu.memref_squeeze %dma_start3A_747 : memref<1x64x64xf32, #tpu.memory_space<vmem_shared>> -> memref<64x64xf32, #tpu.memory_space<vmem_shared>>
      tpu.enqueue_dma source(%dma_start3A_748 : memref<64x64xf32, #tpu.memory_space<vmem_shared>>) target(%dma_start3A_739 : memref<64x64xf32, #tpu.memory_space<hbm>>) target_semaphore(%arg17 : memref<!tpu.dma_semaphore, #tpu.memory_space<semaphore_mem>>)
      %scan3A_749 = arith.constant 0 : i32
      scf.yield %scan3A_749 : i32
    }
    %scan3A_230 = arith.constant 50 : i32
    %add3A_231 = arith.constant 0 : i32
    %add3A_232 = arith.addi %mul3A_2, %add3A_231 : i32
    %dma_wait3A_233 = arith.constant 0 : i32
    %dma_wait3A_234 = arith.constant 0 : i32
    %dma_wait3A_235 = tpu.memref_slice %arg5[%add3A_232, %dma_wait3A_234] : memref<204800x64xf32, #tpu.memory_space<hbm>> -> memref<64x64xf32, #tpu.memory_space<hbm>>
    %dma_wait3A_236 = arith.constant 0 : i32
    %dma_wait3A_237 = arith.constant 0 : i32
    %dma_wait3A_238 = arith.constant 0 : i32
    %dma_wait3A_239 = tpu.memref_slice %arg12[%arg1, %dma_wait3A_236, %dma_wait3A_237, %dma_wait3A_238] : memref<16x2x64x64xf32, #tpu.memory_space<vmem_shared>> -> memref<1x2x64x64xf32, #tpu.memory_space<vmem_shared>>
    %dma_wait3A_240 = tpu.memref_squeeze %dma_wait3A_239 : memref<1x2x64x64xf32, #tpu.memory_space<vmem_shared>> -> memref<2x64x64xf32, #tpu.memory_space<vmem_shared>>
    %dma_wait3A_241 = arith.constant 0 : i32
    %dma_wait3A_242 = arith.constant 0 : i32
    %dma_wait3A_243 = tpu.memref_slice %dma_wait3A_240[%dma_wait3A_233, %dma_wait3A_241, %dma_wait3A_242] : memref<2x64x64xf32, #tpu.memory_space<vmem_shared>> -> memref<1x64x64xf32, #tpu.memory_space<vmem_shared>>
    %dma_wait3A_244 = tpu.memref_squeeze %dma_wait3A_243 : memref<1x64x64xf32, #tpu.memory_space<vmem_shared>> -> memref<64x64xf32, #tpu.memory_space<vmem_shared>>
    tpu.wait_dma2 semaphore(%arg16 : memref<!tpu.dma_semaphore, #tpu.memory_space<semaphore_mem>>) src(%dma_wait3A_244 : memref<64x64xf32, #tpu.memory_space<vmem_shared>>) dst(%dma_wait3A_235 : memref<64x64xf32, #tpu.memory_space<hbm>>)
    %add3A_245 = arith.constant 0 : i32
    %add3A_246 = arith.addi %mul3A_2, %add3A_245 : i32
    %dma_wait3A_247 = arith.constant 1 : i32
    %dma_wait3A_248 = arith.constant 0 : i32
    %dma_wait3A_249 = tpu.memref_slice %arg5[%add3A_246, %dma_wait3A_248] : memref<204800x64xf32, #tpu.memory_space<hbm>> -> memref<64x64xf32, #tpu.memory_space<hbm>>
    %dma_wait3A_250 = arith.constant 0 : i32
    %dma_wait3A_251 = arith.constant 0 : i32
    %dma_wait3A_252 = arith.constant 0 : i32
    %dma_wait3A_253 = tpu.memref_slice %arg12[%arg1, %dma_wait3A_250, %dma_wait3A_251, %dma_wait3A_252] : memref<16x2x64x64xf32, #tpu.memory_space<vmem_shared>> -> memref<1x2x64x64xf32, #tpu.memory_space<vmem_shared>>
    %dma_wait3A_254 = tpu.memref_squeeze %dma_wait3A_253 : memref<1x2x64x64xf32, #tpu.memory_space<vmem_shared>> -> memref<2x64x64xf32, #tpu.memory_space<vmem_shared>>
    %dma_wait3A_255 = arith.constant 0 : i32
    %dma_wait3A_256 = arith.constant 0 : i32
    %dma_wait3A_257 = tpu.memref_slice %dma_wait3A_254[%dma_wait3A_247, %dma_wait3A_255, %dma_wait3A_256] : memref<2x64x64xf32, #tpu.memory_space<vmem_shared>> -> memref<1x64x64xf32, #tpu.memory_space<vmem_shared>>
    %dma_wait3A_258 = tpu.memref_squeeze %dma_wait3A_257 : memref<1x64x64xf32, #tpu.memory_space<vmem_shared>> -> memref<64x64xf32, #tpu.memory_space<vmem_shared>>
    tpu.wait_dma2 semaphore(%arg17 : memref<!tpu.dma_semaphore, #tpu.memory_space<semaphore_mem>>) src(%dma_wait3A_258 : memref<64x64xf32, #tpu.memory_space<vmem_shared>>) dst(%dma_wait3A_249 : memref<64x64xf32, #tpu.memory_space<hbm>>)
    return
  }
}

</mosaic_0001>

<sc_bundles>
// kernel: kernel.3.cloned.1.call-start
scs
__scs_entry_jumppad:
0x0: {  	(pc) =	sbr.rel $0x88, $3  }
0x1: {  	(tag) =	ssettag $0x0;
	lr =	simm.s32 $0x1  }
0x2: {  	[smem:$0x3F9E] =	sst lr;
	_ =	strace $0xD0000000  }
0x3: {  	_ = 	snop  }
0x4: {  	_ = 	snop  }
0x5: {  	_ = 	snop  }
0x6: {  	_ = 	snop  }
0x7: {  	_ = 	snop  }
__scs_overlays_trampoline_lowered:
0x8: {  	[smem:$0x3FAD] =	sst s0  }
0x9: {  	[smem:$0x3FAE] =	sst s1  }
0xa: {  	[smem:$0x3FAF] =	sst s2  }
0xb: {  	[smem:$0x3FB0] =	sst s3  }
0xc: {  	[smem:$0x3FB1] =	sst s4  }
0xd: {  	[smem:$0x3FB2] =	sst s5  }
0xe: {  	[smem:$0x3FB3] =	sst s6  }
0xf: {  	[smem:$0x3FB4] =	sst s7  }
0x10: {  	[smem:$0x3FB5] =	sst s8  }
0x11: {  	[smem:$0x3FB6] =	sst s9;
	s0 =	simm.s32 @!p0 $0x0  }
0x12: {  	s1 =	sld [smem:$0x3F9C];
	s0 =	simm.s32 @p0 $0x1  }
0x13: {  	[smem:$0x3FB7] =	sst s0;
	s0 =	simm.s32 @!p1 $0x0  }
0x14: {  	s2 =	sld [smem:$0x3F9B];
	s0 =	simm.s32 @p1 $0x1  }
0x15: {  	[smem:$0x3FB8] =	sst s0;
	s0 =	simm.s32 @!p2 $0x0  }
0x16: {  	s3 =	sld [smem:$0x3FDB];
	s0 =	simm.s32 @p2 $0x1  }
0x17: {  	s4 =	simm.s32 $0x1BF5;
	[smem:$0x3FBA] =	sst s0  }
0x18: {  	s0 =	sld [smem:$0x3F9D];
	_ =	swait.ge [sflag:s4], $0x0  }
0x19: {  	s7 =	sld [smem:$0x3F9E]  }
0x1a: {  	s8 =	sadd.s32 $0xFFFFE003, lr  }
0x1b: {  	s9 =	sadd.s32 $0xFFFFFEF7, lr;
	s5 =	simm.s32 $0xFFFFFFFF;
	p2 =	slt.u32 s8, $0xFFFFF086  }
0x1c: {  	p1 =	slt.u32 s9, $0xF7A;
	s5 =	simm.s32 @!p2 $0x0  }
0x1d: {  	s5 =	simm.s32 @p1 $0x1;
	p0 =	seq.s32 s7, s2  }
0x1e: {  	s7 =	smul.u32 @!p0 $0xF7A, s2;
	p2 =	seq.s32 @!p0 s5, $0x0  }
0x1f: {  	s9 =	smul.u32 $0xF7A, s1;
	s8 =	simm.s32 @!p0 $0x1BF5;
	p2 =	por !p2, p0  }
0x20: {  	[sflag:s8] =	ssyncset.s32 @!p0 $0xFFFFF086;
	s6 =	sadd.s32 @!p0 s3, s7;
	s7 =	simm.s32 @!p0 $0x108  }
0x21: {  	s3 =	sadd.s32 s3, s9;
	s6 =	sadd.s32 @!p0 $0x88, s6;
	s7 =	simm.s32 @p2 $0x1082  }
0x22: {  	[simem:s7], [sflag:s8] =	dma.local @!p0 [hbm:s6], $0xF7A  }
0x23: {  	s9 =	sor.u32 $0xD0000000, s2;
	s6 =	simm.s32 $0x108;
	_ =	swait.ge @!p0 [sflag:s8], $0x0  }
0x24: {  	s3 =	sadd.s32 $0x88, s3;
	s6 =	simm.s32 @!p1 $0x1082;
	[sflag:s4] =	ssyncset.s32 $0xFFFFF086  }
0x25: {  	[simem:s6], [sflag:s4] =	dma.local [hbm:s3], $0xF7A  }
0x26: {  	[smem:$0x3F9E] =	sst s1;
	(tag) =	ssettag s2;
	_ =	strace s9  }
0x27: {  	s1 =	sld [smem:$0x3FAE]  }
0x28: {  	s2 =	sld [smem:$0x3FAF]  }
0x29: {  	s4 =	sld [smem:$0x3FB1]  }
0x2a: {  	p0 =	seq.s32 s5, $0x0;
	s5 =	sld [smem:$0x3FB2]  }
0x2b: {  	s6 =	sld [smem:$0x3FB3]  }
0x2c: {  	s7 =	sld [smem:$0x3FB4]  }
0x2d: {  	s3 =	simm.s32 $0x108;
	s8 =	sld [smem:$0x3FB5]  }
0x2e: {  	s3 =	simm.s32 @!p0 $0x1082;
	s9 =	sld [smem:$0x3FB6]  }
0x2f: {  	lr =	sadd.s32 s0, s3;
	s0 =	sld [smem:$0x3FAD]  }
0x30: {  	s3 =	sld [smem:$0x3FB0]  }
0x31: {  	[smem:$0x3FB9] =	sst s10  }
0x32: {  	s10 =	sld [smem:$0x3FB7];
	_ =	sdelay $0x3  }
0x33: {  	p0 =	seq.s32 s10, $0x1;
	s10 =	sld [smem:$0x3FB9];
	_ =	sdelay $0x3  }
0x34: {  	[smem:$0x3FB9] =	sst s10  }
0x35: {  	s10 =	sld [smem:$0x3FB8];
	_ =	sdelay $0x3  }
0x36: {  	p1 =	seq.s32 s10, $0x1;
	s10 =	sld [smem:$0x3FB9];
	_ =	sdelay $0x3  }
0x37: {  	[smem:$0x3FB9] =	sst s10  }
0x38: {  	s10 =	sld [smem:$0x3FBA]  }
0x39: {  	_ = 	snop;
	(pc) =	sbr.ind lr, $3  }
0x3a: {  	_ = 	snop  }
0x3b: {  	_ = 	snop  }
0x3c: {  	p2 =	seq.s32 s10, $0x1;
	s10 =	sld [smem:$0x3FB9]  }
0x3d: {  	_ =	shalt  }
0x3e: {  	_ =	shalt  }
0x3f: {  	_ =	shalt  }
0x40: {  	_ =	shalt  }
0x41: {  	_ =	shalt  }
0x42: {  	_ =	shalt  }
0x43: {  	_ =	shalt  }
0x44: {  	_ =	shalt  }
0x45: {  	_ =	shalt  }
0x46: {  	_ =	shalt  }
0x47: {  	_ =	shalt  }
0x48: {  	_ =	shalt  }
0x49: {  	_ =	shalt  }
0x4a: {  	_ =	shalt  }
0x4b: {  	_ =	shalt  }
0x4c: {  	_ =	shalt  }
0x4d: {  	_ =	shalt  }
0x4e: {  	_ =	shalt  }
0x4f: {  	_ =	shalt  }
0x50: {  	_ =	shalt  }
0x51: {  	_ =	shalt  }
0x52: {  	_ =	shalt  }
0x53: {  	_ =	shalt  }
0x54: {  	_ =	shalt  }
0x55: {  	_ =	shalt  }
0x56: {  	_ =	shalt  }
0x57: {  	_ =	shalt  }
0x58: {  	_ =	shalt  }
0x59: {  	_ =	shalt  }
0x5a: {  	_ =	shalt  }
0x5b: {  	_ =	shalt  }
0x5c: {  	_ =	shalt  }
0x5d: {  	_ =	shalt  }
0x5e: {  	_ =	shalt  }
0x5f: {  	_ =	shalt  }
0x60: {  	_ =	shalt  }
0x61: {  	_ =	shalt  }
0x62: {  	_ =	shalt  }
0x63: {  	_ =	shalt  }
0x64: {  	_ =	shalt  }
0x65: {  	_ =	shalt  }
0x66: {  	_ =	shalt  }
0x67: {  	_ =	shalt  }
0x68: {  	_ =	shalt  }
0x69: {  	_ =	shalt  }
0x6a: {  	_ =	shalt  }
0x6b: {  	_ =	shalt  }
0x6c: {  	_ =	shalt  }
0x6d: {  	_ =	shalt  }
0x6e: {  	_ =	shalt  }
0x6f: {  	_ =	shalt  }
0x70: {  	_ =	shalt  }
0x71: {  	_ =	shalt  }
0x72: {  	_ =	shalt  }
0x73: {  	_ =	shalt  }
0x74: {  	_ =	shalt  }
0x75: {  	_ =	shalt  }
0x76: {  	_ =	shalt  }
0x77: {  	_ =	shalt  }
0x78: {  	_ =	shalt  }
0x79: {  	_ =	shalt  }
0x7a: {  	_ =	shalt  }
0x7b: {  	_ =	shalt  }
0x7c: {  	_ =	shalt  }
0x7d: {  	_ =	shalt  }
0x7e: {  	_ =	shalt  }
0x7f: {  	_ =	shalt  }
0x80: {  	_ =	shalt  }
0x81: {  	_ =	shalt  }
0x82: {  	_ =	shalt  }
0x83: {  	_ =	shalt  }
0x84: {  	_ =	shalt  }
0x85: {  	_ =	shalt  }
0x86: {  	_ =	shalt  }
0x87: {  	_ =	shalt  }
.Lfunc_end0:
.L_simem_size_0:
called_computation.1_lowered:
.L_overlay_start_0:
0x88: {  	s2 =	sld [smem:$0x3FD9]  }
0x89: {  	s3 =	sld [smem:$0x3FFE];
	_ =	sdelay $0x1  }
0x8a: {  	s1 =	srdreg.scid  }
0x8b: {  	s0 =	sand.u32 $0x1, s1  }
0x8c: {  	s17 =	sshll.u32 s0, $0xA;
	s2 =	sadd.s32 s3, s2  }
0x8d: {  	s2 =	sadd.s32 s2, s17  }
0x8e: {  	[smem:$0x3FC5] =	sst s2  }
0x8f: {  	_ = 	snop  }
0x90: {  	s2 =	sld [smem:$0x3FD0];
	(tm) =	ssettm $0x1  }
0x91: {  	s18 =	sld [smem:$0x3FFB];
	_ =	sdelay $0x3  }
0x92: {  	_ =	strace s18  }
0x93: {  	s3 =	sld [smem:$0x3FFC];
	_ =	sdelay $0x3  }
0x94: {  	_ =	strace s3  }
0x95: {  	s3 =	sld [smem:$0x3FFD];
	_ =	sdelay $0x3  }
0x96: {  	_ =	strace s3  }
0x97: {  	_ =	strace $0x8FFFFFFF  }
0x98: {  	s19 =	sld [smem:$0x3FDB];
	_ =	sdelay $0x1  }
0x99: {  	s4 =	simm.s32 $_scs_section_size  }
0x9a: {  	s5 =	simm.s32 $_size__tile_overlayer_lowered;
	s6 =	simm.s32 $_tile_overlayer_lowered  }
0x9b: {  	s22 =	simm.s32 $0x1BFF;
	s21 =	sshll.u32 s6, $0x1;
	s3 =	sadd.s32 s4, s19  }
0x9c: {  	s7 =	simm.s32 $0x0;
	s20 =	sshll.u32 s5, $0x1;
	s5 =	sadd.s32 s21, s3  }
0x9d: {  	[timem:s7], [sflag:s22] =	dma.local [hbm:s5], s20  }
0x9e: {  	_ =	swait.ge [sflag:s22], s20  }
0x9f: {  	s4 =	ssub.s32 $0x0, s20;
	[sflag:s22] =	ssyncset.done $0x0  }
0xa0: {  	[sflag:s22] =	ssyncadd.s32 s4;
	_ =	sdelay $0x1  }
0xa1: {  	s23 =	simm.s32 $0x1B8B  }
0xa2: {  	_ =	swait.ge [sflag:s23], $0x1  }
0xa3: {  	[sflag:s23] =	ssyncset.done $0x0  }
0xa4: {  	s25 =	simm.s32 $0x1B8E;
	s24 =	sld [smem:$0x3FFE];
	[sflag:s23] =	ssyncadd.s32 $0xFFFFFFFF  }
0xa5: {  	s26 =	simm.s32 $execute0_lowered;
	[smem:$0x3FD2] =	sst s25  }
0xa6: {  	s5 =	sshll.u32 s26, $0x1;
	_ =	strace $0x80000046;
	[dreg:$0x1] =	wrdreg $0xFFFFFFFF  }
0xa7: {  	s28 =	simm.s32 $_size_execute0_lowered;
	s3 =	sadd.s32 s3, s5;
	[dreg:$0x0] =	wrdreg $0x0  }
0xa8: {  	s5 =	sshll.u32 s28, $0x1;
	[dreg:$0x2] =	wrdreg s3  }
0xa9: {  	[dreg:$0x3] =	wrdreg s5  }
0xaa: {  	[dreg:$0x4] =	wrdreg $0xC0  }
0xab: {  	_ =	task [dreg:s7], $0x5FFFF  }
0xac: {  	[dreg:$0x1] =	wrdreg $0xFFFFFFFF  }
0xad: {  	[dreg:$0x0] =	wrdreg $0x60  }
0xae: {  	[dreg:$0x2] =	wrdreg s24  }
0xaf: {  	[dreg:$0x3] =	wrdreg s2  }
0xb0: {  	[dreg:$0x4] =	wrdreg $0x108C00  }
0xb1: {  	[dreg:$0x5] =	wrdreg $0x9  }
0xb2: {  	_ =	task.clear_ibuf [dreg:s7], $0x6FFFF;
	_ =	strace $0x90000046  }
0xb3: {  	s29 =	simm.s32 $0x9;
	_ =	strace $0x80000048  }
0xb4: {  	_ =	swait.ge [sflag:s29], $0x1  }
0xb5: {  	[sflag:s29] =	ssyncadd.s32 $0xFFFFFFFF  }
0xb6: {  	_ =	strace $0x90000048  }
0xb7: {  	_ =	sfence  }
0xb8: {  	s30 =	sld [smem:$0x0];
	_ =	sdelay $0x2  }
0xb9: {  	s31 =	sshll.u32 s1, $0xD;
	s1 =	sshrl.u32 s1, $0x2  }
0xba: {  	s3 =	sand.u32 $0x4000, s31;
	s1 =	sadd.s32 s1, s30  }
0xbb: {  	s0 =	sor.u32 s3, s0;
	s1 =	sshll.u32 s1, $0x11  }
0xbc: {  	s0 =	sor.u32 s1, s0  }
0xbd: {  	s0 =	sadd.s32 $0x8F2B, s0  }
0xbe: {  	[sflag:s0] =	ssyncadd.remote.s32 $0x1  }
0xbf: {  	_ =	sfence.sel $0xFFFF  }
0xc0: {  	[dreg:$0x0] =	wrdreg $0xFFFFFFFF;
	(pc) =	sbr.abs _section_cstart, $3  }
0xc1: {  	[dreg:$0x1] =	wrdreg $0xFFFFFFFF  }
0xc2: {  	_ =	task.clear_ibuf [dreg:s7], $0x2FFFF;
	_ =	strace $0x9FFFFFFF  }
0xc3: {  	(tm) =	ssettm $0x7FFFFFFF  }
tec
execute0_lowered:
.L_overlay_start_1:
0x0: {  	(tag) =	ssettag $0x1  }
0x1: {  	s0 =	rddreg [dreg:$0x0]  }
0x2: {  	s1 =	rddreg [dreg:$0x2];
	s2 =	srdreg.scid  }
0x3: {  	s31 =	stileid.u32;
	s4 =	simm.s32 $0x0;
	s16 =	simm.s32 $0x6  }
0x4: {  	s17 =	simm.s32 $0x40;
	s18 =	simm.s32 $0x80;
	s19 =	simm.s32 $0x1  }
0x5: {  	s22 =	simm.s32 $0x280;
	s12 =	simm.s32 $0xE8C0;
	s29 =	simm.s32 $0x2  }
0x6: {  	s21 =	simm.s32 $0x880;
	s28 =	simm.s32 $0x4;
	s2 =	sand.u32 $0x1, s2  }
0x7: {  	s3 =	sshll.u32 s31, $0x1;
	[smem:$0x7FF] =	sst s4;
	s4 =	sadd.s32 $0x40C00, s0  }
0x8: {  	s5 =	sadd.s32 $0xF43000, s0;
	s6 =	sadd.s32 $0xC00, s0;
	s3 =	sor.u32 s2, s3  }
0x9: {  	s24 =	sshll.u32 s31, $0xD;
	_ =	strace $0x80000047;
	s7 =	smul.u32 $0x1900, s3  }
0xa: {  	s2 =	ssub.s32 $0x2, s2;
	s9 =	sadd.s32 s24, s1;
	s25 =	smul.u32 $0x64000, s3  }
0xb: {  	s24 =	simm.s32 $0xC8C0;
	s23 =	sshrl.u32 s2, $0x1;
	s13 =	sadd.s32 $0x1000, s9  }
0xc: {  	s3 =	simm.s32 $0xF8C0;
	s26 =	sor.u32 $0x80, s7;
	[dreg:$0x6] =	wrdreg s25  }
0xd: {  	s0 =	ssub.s32 s2, s23;
	s30 =	sor.u32 $0xC0, s7;
	[dreg:$0x7] =	wrdreg s26  }
.Ltmp0:
0xe: {  	s1 =	sor.u32 $0x1000, s25;
	[dreg:$0x8] =	wrdreg s30;
	(pc) =	sbr.rel .LBB2_1-.Ltmp0, $4  }
0xf: {  	s8 =	sshrl.u32 s7, $0x3;
	s0 =	smax.u32 s0, $0x1;
	[dreg:$0x9] =	wrdreg s1  }
0x10: {  	v0 =	vlaneseq.u32;
	s23 =	simm.s32 $0x5;
	s8 =	sadd.s32 s4, s8;
	[dreg:$0xa] =	wrdreg s0  }
0x11: {  	v1 =	vor.u32 $0x10, v0;
	s25 =	simm.s32 $0x3;
	[dreg:$0x4] =	wrdreg s8;
	s8 =	sadd.s32 $0x8, s8  }
0x12: {  	v2 =	vor.u32 $0x20, v0;
	v3 =	vor.u32 $0x30, v0;
	v4 =	vmul.u32 $0x8, v0;
	s1 =	simm.s32 $0x0;
	[dreg:$0x5] =	wrdreg s8;
	s8 =	simm.s32 $0xD8C0  }
.LBB2_15:
0x13: {  	_ =	swait.ge [sflag:s28], $0x200  }
0x14: {  	[sflag:s28] =	ssyncset.done $0x0  }
0x15: {  	[sflag:s28] =	ssyncadd.s32 $0xFFFFFE00  }
0x16: {  	_ =	swait.ge [sflag:s23], $0x200  }
0x17: {  	s1 =	rddreg [dreg:$0xb]  }
0x18: {  	s0 =	rddreg [dreg:$0xa];
	s1 =	sadd.s32 $0x1, s1  }
0x19: {  	p0 =	sne.s32 s1, s0  }
.Ltmp1:
0x1a: {  	_ = 	snop;
	(pc) =	sbr.rel @!p0 .LBB2_16-.Ltmp1, $3  }
0x1b: {  	_ =	sdelay $0x1  }
0x1c: {  	[sflag:s23] =	ssyncset.done $0x0  }
0x1d: {  	[sflag:s23] =	ssyncadd.s32 $0xFFFFFE00  }
.LBB2_1:
0x1e: {  	[tilespmem:$0x880] =	vst v0  }
0x1f: {  	[tilespmem:$0x890] =	vst v1  }
0x20: {  	[dreg:$0xb] =	wrdreg s1;
	[tilespmem:$0x8A0] =	vst v2;
	s20 =	simm.s32 $0x0;
	s26 =	simm.s32 $0x0  }
0x21: {  	[tilespmem:$0x8B0] =	vst v3;
	s0 =	rddreg [dreg:$0x4];
	s15 =	sand.u32 $0x30, s20;
	v5 =	vmov s26  }
0x22: {  	[tilespmem:s20], [sflag:$0x6] =	stream.linear.gather [hbm4b:s0+s20], $0x40, $0x38;
	v6 =	vmov s15;
	v5 =	vand.u32 $0x7, v5;
	[tilespmem:$0x128C0] =	vst v63  }
0x23: {  	_ =	swait.ge [sflag:s16], $0x40;
	v6 =	vshll.u32 v6, $0x3;
	v5 =	vbroadcast v5, $0x0  }
0x24: {  	[sflag:s16] =	ssyncset.done $0x0;
	v6 =	vor.u32 v4, v6  }
0x25: {  	s30 =	simm.s32 $0x10;
	s2 =	simm.s32 $0x0;
	[sflag:s16] =	ssyncadd.s32 $0xFFFFFFC0;
	v5 =	vor.u32 v5, v6  }
0x26: {  	[tilespmem:s18], [sflag:$0x1] =	stream.indirect.gather [hbm4b:s5+s17], $0x8, s20, s17, $0xb8;
	[tilespmem:$0x128C0] =	vst v63  }
0x27: {  	s0 =	sand.u32 $0x30, s30;
	v6 =	vmov s2;
	_ =	swait.ge [sflag:s19], $0x200  }
0x28: {  	v7 =	vmov s0;
	v6 =	vand.u32 $0x7, v6;
	[sflag:s19] =	ssyncset.done $0x0  }
0x29: {  	v7 =	vshll.u32 v7, $0x3;
	v8 =	vbroadcast v6, $0x0;
	[sflag:s19] =	ssyncadd.s32 $0xFFFFFE00  }
0x2a: {  	v7 =	vor.u32 v4, v7;
	v6 =	vld.idx.msk [tilespmem:v5+s18+$0x0], $0xffff  }
0x2b: {  	s10 =	simm.s32 $0x2;
	v5 =	vor.u32 v8, v7  }
0x2c: {  	s11 =	simm.s32 $0x20;
	s7 =	simm.s32 $0x0;
	s14 =	simm.s32 $0x3  }
0x2d: {  	s26 =	sand.u32 $0x3FFFFFC0, s7;
	s2 =	simm.s32 $0x1;
	s20 =	simm.s32 $0x0  }
.LBB2_2:
0x2e: {  	p0 =	sne.s32 s14, $0x1F;
	s7 =	sand.u32 $0x30, s11;
	v7 =	vmov s20;
	s15 =	sor.u32 s15, s26  }
0x2f: {  	v8 =	vmov s7;
	v7 =	vand.u32 $0x7, v7;
	[tilespmem:s15+$0x480] =	vst v6;
	s15 =	smov.u32 s0;
	s0 =	smov.u32 s7;
	s7 =	smov.u32 s10  }
.Ltmp2:
0x30: {  	s10 =	smov.u32 s14;
	v8 =	vshll.u32 v8, $0x3;
	v7 =	vbroadcast v7, $0x0;
	v6 =	vld.idx.msk [tilespmem:v5+s18+$0x0], $0xffff;
	(pc) =	sbr.rel @p0 .LBB2_2-.Ltmp2, $4  }
0x31: {  	v5 =	vor.u32 v4, v8  }
0x32: {  	v5 =	vor.u32 v7, v5  }
0x33: {  	s11 =	sadd.s32 $0x10, s11;
	s26 =	sshll.u32 s2, $0x4;
	s2 =	smov.u32 s7  }
0x34: {  	s14 =	sadd.s32 $0x1, s14;
	s26 =	sand.u32 $0x3FFFFFC0, s26;
	s20 =	sshrl.u32 s10, $0x2  }
0x35: {  	_ = 	snop  }
0x36: {  	v7 =	vmov s20;
	s7 =	sand.u32 $0x30, s11  }
0x37: {  	s15 =	sor.u32 s15, s26;
	v8 =	vmov s7;
	v7 =	vand.u32 $0x7, v7  }
0x38: {  	[tilespmem:s15+$0x480] =	vst v6;
	v6 =	vshll.u32 v8, $0x3;
	v7 =	vbroadcast v7, $0x0  }
0x39: {  	v5 =	vld.idx.msk [tilespmem:v5+s18+$0x0], $0xffff;
	v6 =	vor.u32 v4, v6  }
0x3a: {  	v6 =	vor.u32 v7, v6  }
0x3b: {  	s2 =	sshll.u32 s2, $0x4  }
0x3c: {  	s2 =	sand.u32 $0x3FFFFFC0, s2  }
0x3d: {  	s0 =	sor.u32 s0, s2  }
0x3e: {  	[tilespmem:s0+$0x480] =	vst v5  }
0x3f: {  	v5 =	vld.idx.msk [tilespmem:v6+s18+$0x0], $0xffff;
	_ =	sdelay $0x1  }
0x40: {  	s20 =	sshll.u32 s10, $0x4  }
0x41: {  	s0 =	sand.u32 $0x3FFFFFC0, s20  }
0x42: {  	s0 =	sor.u32 s7, s0  }
0x43: {  	s26 =	simm.s32 $0x480;
	s1 =	simm.s32 $0x8C0;
	[tilespmem:s0+$0x480] =	vst v5  }
0x44: {  	[tilespmem:s1], [sflag:$0x2] =	stream.indirect.gather [hbm4b:s6+s17], $0x40, s26, s17, $0xb8;
	[tilespmem:$0x128C0] =	vst v63  }
0x45: {  	s2 =	simm.s32 $0x4C0;
	s7 =	simm.s32 $0x18C0  }
0x46: {  	[tilespmem:s7], [sflag:$0x2] =	stream.indirect.gather [hbm4b:s6+s17], $0x40, s2, s17, $0xb8;
	[tilespmem:$0x128C0] =	vst v63  }
0x47: {  	s10 =	simm.s32 $0x500;
	s11 =	simm.s32 $0x28C0  }
0x48: {  	[tilespmem:s11], [sflag:$0x2] =	stream.indirect.gather [hbm4b:s6+s17], $0x40, s10, s17, $0xb8;
	[tilespmem:$0x128C0] =	vst v63  }
0x49: {  	s14 =	simm.s32 $0x540;
	s15 =	simm.s32 $0x38C0  }
0x4a: {  	[tilespmem:s15], [sflag:$0x2] =	stream.indirect.gather [hbm4b:s6+s17], $0x40, s14, s17, $0xb8;
	[tilespmem:$0x128C0] =	vst v63  }
0x4b: {  	s20 =	simm.s32 $0x580;
	s26 =	simm.s32 $0x48C0  }
0x4c: {  	[tilespmem:s26], [sflag:$0x2] =	stream.indirect.gather [hbm4b:s6+s17], $0x40, s20, s17, $0xb8;
	[tilespmem:$0x128C0] =	vst v63  }
0x4d: {  	s2 =	simm.s32 $0x5C0;
	s7 =	simm.s32 $0x58C0  }
0x4e: {  	[tilespmem:s7], [sflag:$0x2] =	stream.indirect.gather [hbm4b:s6+s17], $0x40, s2, s17, $0xb8;
	[tilespmem:$0x128C0] =	vst v63  }
0x4f: {  	s10 =	simm.s32 $0x600;
	s11 =	simm.s32 $0x68C0  }
0x50: {  	[tilespmem:s11], [sflag:$0x2] =	stream.indirect.gather [hbm4b:s6+s17], $0x40, s10, s17, $0xb8;
	[tilespmem:$0x128C0] =	vst v63  }
0x51: {  	s14 =	simm.s32 $0x640;
	s15 =	simm.s32 $0x78C0  }
0x52: {  	[tilespmem:s15], [sflag:$0x2] =	stream.indirect.gather [hbm4b:s6+s17], $0x40, s14, s17, $0xb8;
	[tilespmem:$0x128C0] =	vst v63  }
0x53: {  	s20 =	simm.s32 $0x0;
	s26 =	rddreg [dreg:$0x5]  }
0x54: {  	[tilespmem:s17], [sflag:$0x6] =	stream.linear.gather [hbm4b:s26+s20], $0x40, $0x38;
	[tilespmem:$0x128C0] =	vst v63  }
.Ltmp3:
0x55: {  	_ = 	snop;
	(pc) =	sbr.rel .LBB2_4-.Ltmp3, $4  }
0x56: {  	_ =	swait.ge [sflag:s16], $0x40  }
0x57: {  	[sflag:s16] =	ssyncset.done $0x0  }
0x58: {  	s30 =	simm.s32 $0x0;
	[sflag:s16] =	ssyncadd.s32 $0xFFFFFFC0  }
0x59: {  	[tilespmem:s22], [sflag:$0x1] =	stream.indirect.gather [hbm4b:s5+s17], $0x8, s17, s17, $0xb8;
	[tilespmem:$0x128C0] =	vst v63  }
.LBB2_13:
0x5a: {  	_ =	swait.ge [sflag:s23], $0x200  }
0x5b: {  	[sflag:s23] =	ssyncset.done $0x0  }
0x5c: {  	[sflag:s23] =	ssyncadd.s32 $0xFFFFFE00  }
.LBB2_14:
0x5d: {  	_ =	swait.ge [sflag:s25], $0x1000  }
0x5e: {  	[sflag:s25] =	ssyncset.done $0x0  }
0x5f: {  	[sflag:s25] =	ssyncadd.s32 $0xFFFFF000  }
0x60: {  	_ =	swait.ge [sflag:s25], $0x1000  }
0x61: {  	[sflag:s25] =	ssyncset.done $0x0  }
0x62: {  	[sflag:s25] =	ssyncadd.s32 $0xFFFFF000  }
0x63: {  	_ =	swait.ge [sflag:s25], $0x1000  }
0x64: {  	[sflag:s25] =	ssyncset.done $0x0  }
0x65: {  	[sflag:s25] =	ssyncadd.s32 $0xFFFFF000  }
0x66: {  	_ =	swait.ge [sflag:s25], $0x1000  }
0x67: {  	[sflag:s25] =	ssyncset.done $0x0  }
0x68: {  	[sflag:s25] =	ssyncadd.s32 $0xFFFFF000  }
0x69: {  	_ =	swait.ge [sflag:s25], $0x1000  }
0x6a: {  	[sflag:s25] =	ssyncset.done $0x0  }
0x6b: {  	[sflag:s25] =	ssyncadd.s32 $0xFFFFF000  }
0x6c: {  	_ =	swait.ge [sflag:s25], $0x1000  }
0x6d: {  	[sflag:s25] =	ssyncset.done $0x0  }
0x6e: {  	[sflag:s25] =	ssyncadd.s32 $0xFFFFF000  }
0x6f: {  	_ =	swait.ge [sflag:s25], $0x1000  }
0x70: {  	[sflag:s25] =	ssyncset.done $0x0  }
0x71: {  	[sflag:s25] =	ssyncadd.s32 $0xFFFFF000  }
0x72: {  	_ =	swait.ge [sflag:s25], $0x1000  }
0x73: {  	[sflag:s25] =	ssyncset.done $0x0  }
0x74: {  	s1 =	simm.s32 $0x88C0;
	[sflag:s25] =	ssyncadd.s32 $0xFFFFF000  }
0x75: {  	[spmem:s13] =	stream.indirect.scatter [tilespmem:s1], [sflag:$0x6], $0x40, s21, s17, $0xb8;
	[tilespmem:$0x128C0] =	vst v63  }
0x76: {  	_ =	swait.ge [sflag:s16], $0x1000  }
0x77: {  	[sflag:s16] =	ssyncset.done $0x0  }
0x78: {  	s7 =	simm.s32 $0x98C0;
	[sflag:s16] =	ssyncadd.s32 $0xFFFFF000  }
0x79: {  	[spmem:s13] =	stream.indirect.scatter.add.f32 [tilespmem:s7], [sflag:$0x6], $0x40, s21, s17, $0xb8;
	[tilespmem:$0x128C0] =	vst v63  }
0x7a: {  	_ =	swait.ge [sflag:s16], $0x1000  }
0x7b: {  	[sflag:s16] =	ssyncset.done $0x0  }
0x7c: {  	s10 =	simm.s32 $0xA8C0;
	[sflag:s16] =	ssyncadd.s32 $0xFFFFF000  }
0x7d: {  	[spmem:s13] =	stream.indirect.scatter.add.f32 [tilespmem:s10], [sflag:$0x6], $0x40, s21, s17, $0xb8;
	[tilespmem:$0x128C0] =	vst v63  }
0x7e: {  	_ =	swait.ge [sflag:s16], $0x1000  }
0x7f: {  	[sflag:s16] =	ssyncset.done $0x0  }
0x80: {  	s11 =	simm.s32 $0xB8C0;
	[sflag:s16] =	ssyncadd.s32 $0xFFFFF000  }
0x81: {  	[spmem:s13] =	stream.indirect.scatter.add.f32 [tilespmem:s11], [sflag:$0x6], $0x40, s21, s17, $0xb8;
	[tilespmem:$0x128C0] =	vst v63  }
0x82: {  	_ =	swait.ge [sflag:s16], $0x1000  }
0x83: {  	[sflag:s16] =	ssyncset.done $0x0  }
0x84: {  	[sflag:s16] =	ssyncadd.s32 $0xFFFFF000  }
0x85: {  	[spmem:s13] =	stream.indirect.scatter.add.f32 [tilespmem:s24], [sflag:$0x6], $0x40, s21, s17, $0xb8;
	[tilespmem:$0x128C0] =	vst v63  }
0x86: {  	_ =	swait.ge [sflag:s16], $0x1000  }
0x87: {  	[sflag:s16] =	ssyncset.done $0x0  }
0x88: {  	[sflag:s16] =	ssyncadd.s32 $0xFFFFF000  }
0x89: {  	[spmem:s13] =	stream.indirect.scatter.add.f32 [tilespmem:s8], [sflag:$0x6], $0x40, s21, s17, $0xb8;
	[tilespmem:$0x128C0] =	vst v63  }
0x8a: {  	_ =	swait.ge [sflag:s16], $0x1000  }
0x8b: {  	[sflag:s16] =	ssyncset.done $0x0  }
0x8c: {  	[sflag:s16] =	ssyncadd.s32 $0xFFFFF000  }
0x8d: {  	[spmem:s13] =	stream.indirect.scatter.add.f32 [tilespmem:s12], [sflag:$0x6], $0x40, s21, s17, $0xb8;
	[tilespmem:$0x128C0] =	vst v63  }
0x8e: {  	_ =	swait.ge [sflag:s16], $0x1000  }
0x8f: {  	[sflag:s16] =	ssyncset.done $0x0  }
0x90: {  	s30 =	sadd.s32 $0x1, s30;
	[sflag:s16] =	ssyncadd.s32 $0xFFFFF000  }
0x91: {  	[spmem:s13] =	stream.indirect.scatter.add.f32 [tilespmem:s3], [sflag:$0x6], $0x40, s21, s17, $0xb8;
	[tilespmem:$0x128C0] =	vst v63  }
0x92: {  	p0 =	sne.s32 s30, $0x32;
	_ =	swait.ge [sflag:s16], $0x1000  }
.Ltmp4:
0x93: {  	[sflag:s16] =	ssyncset.done $0x0;
	s14 =	rddreg [dreg:$0x9];
	(pc) =	sbr.rel @!p0 .LBB2_15-.Ltmp4, $4  }
0x94: {  	s0 =	sadd.s32 s0, s14;
	[sflag:s16] =	ssyncadd.s32 $0xFFFFF000  }
0x95: {  	s0 =	sshrl.u32 s0, $0x3;
	s20 =	rddreg [dreg:$0x1]  }
0x96: {  	s26 =	sor.u32 $0x1C05, s15;
	s2 =	sshrl.u32 s13, $0x3;
	s0 =	sadd.s32 s20, s0  }
0x97: {  	[hbm:s0], [sflag:s26] =	dma.local [spmem:s2], $0x200  }
.LBB2_4:
0x98: {  	s0 =	simm.s32 $0x0;
	s1 =	simm.s32 $0x0  }
0x99: {  	s15 =	sand.u32 $0x30, s1;
	v5 =	vmov s0  }
0x9a: {  	v6 =	vmov s15;
	v5 =	vand.u32 $0x7, v5  }
0x9b: {  	v6 =	vshll.u32 v6, $0x3;
	v5 =	vbroadcast v5, $0x0  }
0x9c: {  	v6 =	vor.u32 v4, v6  }
0x9d: {  	v5 =	vor.u32 v5, v6  }
0x9e: {  	s26 =	simm.s32 $0x10;
	s2 =	simm.s32 $0x0  }
0x9f: {  	_ =	swait.ge [sflag:s19], $0x200;
	s0 =	sand.u32 $0x30, s26;
	v6 =	vmov s2  }
0xa0: {  	[sflag:s19] =	ssyncset.done $0x0;
	v7 =	vmov s0;
	v6 =	vand.u32 $0x7, v6  }
0xa1: {  	[sflag:s19] =	ssyncadd.s32 $0xFFFFFE00;
	v7 =	vshll.u32 v7, $0x3;
	v8 =	vbroadcast v6, $0x0  }
0xa2: {  	v7 =	vor.u32 v4, v7;
	v6 =	vld.idx.msk [tilespmem:v5+s22+$0x0], $0xffff  }
0xa3: {  	s10 =	simm.s32 $0x2;
	v5 =	vor.u32 v8, v7  }
0xa4: {  	s11 =	simm.s32 $0x20;
	s7 =	simm.s32 $0x0;
	s20 =	simm.s32 $0x0  }
0xa5: {  	s14 =	simm.s32 $0x3;
	s26 =	sand.u32 $0x3FFFFFC0, s7;
	s2 =	simm.s32 $0x1  }
.LBB2_5:
0xa6: {  	p0 =	sne.s32 s14, $0x1F;
	s7 =	sand.u32 $0x30, s11;
	v7 =	vmov s20;
	s15 =	sor.u32 s15, s26  }
0xa7: {  	v8 =	vmov s7;
	v7 =	vand.u32 $0x7, v7;
	[tilespmem:s15+$0x680] =	vst v6;
	s15 =	smov.u32 s0;
	s0 =	smov.u32 s7;
	s7 =	smov.u32 s10  }
.Ltmp5:
0xa8: {  	s10 =	smov.u32 s14;
	v8 =	vshll.u32 v8, $0x3;
	v7 =	vbroadcast v7, $0x0;
	v6 =	vld.idx.msk [tilespmem:v5+s22+$0x0], $0xffff;
	(pc) =	sbr.rel @p0 .LBB2_5-.Ltmp5, $4  }
0xa9: {  	v5 =	vor.u32 v4, v8  }
0xaa: {  	v5 =	vor.u32 v7, v5  }
0xab: {  	s11 =	sadd.s32 $0x10, s11;
	s26 =	sshll.u32 s2, $0x4;
	s2 =	smov.u32 s7  }
0xac: {  	s14 =	sadd.s32 $0x1, s14;
	s26 =	sand.u32 $0x3FFFFFC0, s26;
	s20 =	sshrl.u32 s10, $0x2  }
0xad: {  	_ = 	snop  }
0xae: {  	v7 =	vmov s20;
	s7 =	sand.u32 $0x30, s11  }
0xaf: {  	s1 =	sor.u32 s15, s26;
	v8 =	vmov s7;
	v7 =	vand.u32 $0x7, v7  }
0xb0: {  	[tilespmem:s1+$0x680] =	vst v6;
	v6 =	vshll.u32 v8, $0x3;
	v7 =	vbroadcast v7, $0x0  }
0xb1: {  	v5 =	vld.idx.msk [tilespmem:v5+s22+$0x0], $0xffff;
	v6 =	vor.u32 v4, v6  }
0xb2: {  	v6 =	vor.u32 v7, v6  }
0xb3: {  	s2 =	sshll.u32 s2, $0x4  }
0xb4: {  	s2 =	sand.u32 $0x3FFFFFC0, s2  }
0xb5: {  	s0 =	sor.u32 s0, s2  }
0xb6: {  	[tilespmem:s0+$0x680] =	vst v5  }
0xb7: {  	v5 =	vld.idx.msk [tilespmem:v6+s22+$0x0], $0xffff;
	_ =	sdelay $0x1  }
0xb8: {  	s14 =	sshll.u32 s10, $0x4  }
0xb9: {  	s0 =	sand.u32 $0x3FFFFFC0, s14  }
0xba: {  	s0 =	sor.u32 s7, s0  }
0xbb: {  	s15 =	simm.s32 $0x680;
	s1 =	simm.s32 $0x88C0;
	[tilespmem:s0+$0x680] =	vst v5  }
0xbc: {  	[tilespmem:s1], [sflag:$0x3] =	stream.indirect.gather [hbm4b:s6+s17], $0x40, s15, s17, $0xb8;
	[tilespmem:$0x128C0] =	vst v63  }
0xbd: {  	s20 =	simm.s32 $0x6C0;
	s26 =	simm.s32 $0x98C0  }
0xbe: {  	[tilespmem:s26], [sflag:$0x3] =	stream.indirect.gather [hbm4b:s6+s17], $0x40, s20, s17, $0xb8;
	[tilespmem:$0x128C0] =	vst v63  }
0xbf: {  	s2 =	simm.s32 $0x700;
	s7 =	simm.s32 $0xA8C0  }
0xc0: {  	[tilespmem:s7], [sflag:$0x3] =	stream.indirect.gather [hbm4b:s6+s17], $0x40, s2, s17, $0xb8;
	[tilespmem:$0x128C0] =	vst v63  }
0xc1: {  	s10 =	simm.s32 $0x740;
	s11 =	simm.s32 $0xB8C0  }
0xc2: {  	[tilespmem:s11], [sflag:$0x3] =	stream.indirect.gather [hbm4b:s6+s17], $0x40, s10, s17, $0xb8;
	[tilespmem:$0x128C0] =	vst v63  }
0xc3: {  	p1 =	seq.s32 s30, $0x31;
	s14 =	simm.s32 $0x780  }
0xc4: {  	[tilespmem:s24], [sflag:$0x3] =	stream.indirect.gather [hbm4b:s6+s17], $0x40, s14, s17, $0xb8;
	[tilespmem:$0x128C0] =	vst v63  }
0xc5: {  	s0 =	sshll.u32 @!p1 s30, $0x7;
	s15 =	simm.s32 $0x7C0;
	s1 =	rddreg [dreg:$0x7]  }
0xc6: {  	[tilespmem:s8], [sflag:$0x3] =	stream.indirect.gather [hbm4b:s6+s17], $0x40, s15, s17, $0xb8;
	[tilespmem:$0x128C0] =	vst v63  }
0xc7: {  	s0 =	sadd.s32 @!p1 s0, s1;
	s20 =	simm.s32 $0x800  }
0xc8: {  	[tilespmem:s12], [sflag:$0x3] =	stream.indirect.gather [hbm4b:s6+s17], $0x40, s20, s17, $0xb8;
	[tilespmem:$0x128C0] =	vst v63  }
0xc9: {  	p0 =	seq.s32 @!p1 s30, $0x0;
	s26 =	simm.s32 $0x840;
	s0 =	sshrl.u32 @!p1 s0, $0x3  }
0xca: {  	[tilespmem:s3], [sflag:$0x3] =	stream.indirect.gather [hbm4b:s6+s17], $0x40, s26, s17, $0xb8;
	[tilespmem:$0x128C0] =	vst v63  }
0xcb: {  	p0 =	por p1, !p0;
	s0 =	sadd.s32 @!p1 s4, s0;
	s2 =	simm.s32 @!p1 $0x0  }
0xcc: {  	[tilespmem:s2], [sflag:$0x6] =	stream.linear.gather @!p1 [hbm4b:s0+s2], $0x40, $0x38;
	[tilespmem:$0x128C0] =	vst v63  }
.Ltmp6:
0xcd: {  	s0 =	simm.s32 @!p1 $0x6;
	(pc) =	sbr.rel @!p0 .LBB2_7-.Ltmp6, $4  }
0xce: {  	_ =	swait.ge @!p1 [sflag:s0], $0x40  }
0xcf: {  	[sflag:s0] =	ssyncset.done @!p1 $0x0  }
0xd0: {  	s7 =	simm.s32 @!p1 $0x80;
	[sflag:s0] =	ssyncadd.s32 @!p1 $0xFFFFFFC0;
	s0 =	simm.s32 @!p1 $0x40  }
0xd1: {  	[tilespmem:s7], [sflag:$0x1] =	stream.indirect.gather @!p1 [hbm4b:s5+s0], $0x8, s2, s0, $0xb8;
	[tilespmem:$0x128C0] =	vst v63  }
.Ltmp7:
0xd2: {  	(pc) =	sbr.rel .LBB2_9-.Ltmp7, $4  }
0xd3: {  	_ = 	snop  }
0xd4: {  	_ =	swait.ge [sflag:s28], $0x200  }
0xd5: {  	[sflag:s28] =	ssyncset.done $0x0  }
0xd6: {  	p0 =	por $0x0, $0x0;
	[sflag:s28] =	ssyncadd.s32 $0xFFFFFE00  }
.LBB2_7:
0xd7: {  	p0 =	por @!p1 $0x1, $0x1  }
.LBB2_9:
0xd8: {  	_ =	swait.ge [sflag:s29], $0x1000  }
0xd9: {  	[sflag:s29] =	ssyncset.done $0x0  }
0xda: {  	[sflag:s29] =	ssyncadd.s32 $0xFFFFF000  }
0xdb: {  	_ =	swait.ge [sflag:s29], $0x1000  }
0xdc: {  	[sflag:s29] =	ssyncset.done $0x0  }
0xdd: {  	[sflag:s29] =	ssyncadd.s32 $0xFFFFF000  }
0xde: {  	_ =	swait.ge [sflag:s29], $0x1000  }
0xdf: {  	[sflag:s29] =	ssyncset.done $0x0  }
0xe0: {  	[sflag:s29] =	ssyncadd.s32 $0xFFFFF000  }
0xe1: {  	_ =	swait.ge [sflag:s29], $0x1000  }
0xe2: {  	[sflag:s29] =	ssyncset.done $0x0  }
0xe3: {  	[sflag:s29] =	ssyncadd.s32 $0xFFFFF000  }
0xe4: {  	_ =	swait.ge [sflag:s29], $0x1000  }
0xe5: {  	[sflag:s29] =	ssyncset.done $0x0  }
0xe6: {  	[sflag:s29] =	ssyncadd.s32 $0xFFFFF000  }
0xe7: {  	_ =	swait.ge [sflag:s29], $0x1000  }
0xe8: {  	[sflag:s29] =	ssyncset.done $0x0  }
0xe9: {  	[sflag:s29] =	ssyncadd.s32 $0xFFFFF000  }
0xea: {  	_ =	swait.ge [sflag:s29], $0x1000  }
0xeb: {  	[sflag:s29] =	ssyncset.done $0x0  }
0xec: {  	[sflag:s29] =	ssyncadd.s32 $0xFFFFF000  }
0xed: {  	_ =	swait.ge [sflag:s29], $0x1000  }
0xee: {  	[sflag:s29] =	ssyncset.done $0x0  }
0xef: {  	s0 =	simm.s32 $0x8C0;
	[sflag:s29] =	ssyncadd.s32 $0xFFFFF000  }
0xf0: {  	[spmem:s9] =	stream.indirect.scatter [tilespmem:s0], [sflag:$0x6], $0x40, s21, s17, $0xb8;
	[tilespmem:$0x128C0] =	vst v63  }
0xf1: {  	_ =	swait.ge [sflag:s16], $0x1000  }
0xf2: {  	[sflag:s16] =	ssyncset.done $0x0  }
0xf3: {  	s2 =	simm.s32 $0x18C0;
	[sflag:s16] =	ssyncadd.s32 $0xFFFFF000  }
0xf4: {  	[spmem:s9] =	stream.indirect.scatter.add.f32 [tilespmem:s2], [sflag:$0x6], $0x40, s21, s17, $0xb8;
	[tilespmem:$0x128C0] =	vst v63  }
0xf5: {  	_ =	swait.ge [sflag:s16], $0x1000  }
0xf6: {  	[sflag:s16] =	ssyncset.done $0x0  }
0xf7: {  	s7 =	simm.s32 $0x28C0;
	[sflag:s16] =	ssyncadd.s32 $0xFFFFF000  }
0xf8: {  	[spmem:s9] =	stream.indirect.scatter.add.f32 [tilespmem:s7], [sflag:$0x6], $0x40, s21, s17, $0xb8;
	[tilespmem:$0x128C0] =	vst v63  }
0xf9: {  	_ =	swait.ge [sflag:s16], $0x1000  }
0xfa: {  	[sflag:s16] =	ssyncset.done $0x0  }
0xfb: {  	s10 =	simm.s32 $0x38C0;
	[sflag:s16] =	ssyncadd.s32 $0xFFFFF000  }
0xfc: {  	[spmem:s9] =	stream.indirect.scatter.add.f32 [tilespmem:s10], [sflag:$0x6], $0x40, s21, s17, $0xb8;
	[tilespmem:$0x128C0] =	vst v63  }
0xfd: {  	_ =	swait.ge [sflag:s16], $0x1000  }
0xfe: {  	[sflag:s16] =	ssyncset.done $0x0  }
0xff: {  	s11 =	simm.s32 $0x48C0;
	[sflag:s16] =	ssyncadd.s32 $0xFFFFF000  }
0x100: {  	[spmem:s9] =	stream.indirect.scatter.add.f32 [tilespmem:s11], [sflag:$0x6], $0x40, s21, s17, $0xb8;
	[tilespmem:$0x128C0] =	vst v63  }
0x101: {  	_ =	swait.ge [sflag:s16], $0x1000  }
0x102: {  	[sflag:s16] =	ssyncset.done $0x0  }
0x103: {  	s14 =	simm.s32 $0x58C0;
	[sflag:s16] =	ssyncadd.s32 $0xFFFFF000  }
0x104: {  	[spmem:s9] =	stream.indirect.scatter.add.f32 [tilespmem:s14], [sflag:$0x6], $0x40, s21, s17, $0xb8;
	[tilespmem:$0x128C0] =	vst v63  }
0x105: {  	_ =	swait.ge [sflag:s16], $0x1000  }
0x106: {  	[sflag:s16] =	ssyncset.done $0x0  }
0x107: {  	s15 =	simm.s32 $0x68C0;
	[sflag:s16] =	ssyncadd.s32 $0xFFFFF000  }
0x108: {  	[spmem:s9] =	stream.indirect.scatter.add.f32 [tilespmem:s15], [sflag:$0x6], $0x40, s21, s17, $0xb8;
	[tilespmem:$0x128C0] =	vst v63  }
0x109: {  	_ =	swait.ge [sflag:s16], $0x1000  }
0x10a: {  	[sflag:s16] =	ssyncset.done $0x0  }
0x10b: {  	s20 =	simm.s32 $0x78C0;
	[sflag:s16] =	ssyncadd.s32 $0xFFFFF000  }
0x10c: {  	[spmem:s9] =	stream.indirect.scatter.add.f32 [tilespmem:s20], [sflag:$0x6], $0x40, s21, s17, $0xb8;
	[tilespmem:$0x128C0] =	vst v63  }
0x10d: {  	s0 =	sshll.u32 s30, $0xD;
	_ =	swait.ge [sflag:s16], $0x1000  }
.Ltmp8:
0x10e: {  	[sflag:s16] =	ssyncset.done $0x0;
	s1 =	rddreg [dreg:$0x6];
	(pc) =	sbr.rel @p1 .LBB2_13-.Ltmp8, $4  }
0x10f: {  	s2 =	sadd.s32 s1, s0;
	[sflag:s16] =	ssyncadd.s32 $0xFFFFF000  }
0x110: {  	s15 =	sshll.u32 s31, $0x6;
	s2 =	sshrl.u32 s2, $0x3;
	s26 =	rddreg [dreg:$0x1]  }
0x111: {  	s10 =	sshrl.u32 s9, $0x3;
	s7 =	sor.u32 $0x1C04, s15;
	s2 =	sadd.s32 s26, s2  }
0x112: {  	[hbm:s2], [sflag:s7] =	dma.local [spmem:s10], $0x200  }
0x113: {  	s2 =	simm.s32 $0x0;
	s7 =	simm.s32 $0x0  }
0x114: {  	s2 =	sand.u32 $0x30, s2;
	v5 =	vmov s7  }
0x115: {  	v6 =	vmov s2;
	v5 =	vand.u32 $0x7, v5  }
0x116: {  	v6 =	vshll.u32 v6, $0x3;
	v5 =	vbroadcast v5, $0x0  }
0x117: {  	v6 =	vor.u32 v4, v6  }
0x118: {  	v5 =	vor.u32 v5, v6  }
0x119: {  	s26 =	simm.s32 $0x10;
	s10 =	simm.s32 $0x0  }
0x11a: {  	_ =	swait.ge [sflag:s19], $0x200;
	s20 =	sand.u32 $0x30, s26;
	v6 =	vmov s10  }
0x11b: {  	[sflag:s19] =	ssyncset.done $0x0;
	v7 =	vmov s20;
	v6 =	vand.u32 $0x7, v6  }
0x11c: {  	[sflag:s19] =	ssyncadd.s32 $0xFFFFFE00;
	v7 =	vshll.u32 v7, $0x3;
	v8 =	vbroadcast v6, $0x0  }
0x11d: {  	v7 =	vor.u32 v4, v7;
	v6 =	vld.idx.msk [tilespmem:v5+s18+$0x0], $0xffff  }
0x11e: {  	s11 =	simm.s32 $0x2;
	v5 =	vor.u32 v8, v7  }
0x11f: {  	s14 =	simm.s32 $0x20;
	s1 =	simm.s32 $0x0;
	s31 =	simm.s32 $0x0  }
0x120: {  	s26 =	simm.s32 $0x3;
	s7 =	sand.u32 $0x3FFFFFC0, s1;
	s10 =	simm.s32 $0x1  }
.LBB2_11:
0x121: {  	p1 =	sne.s32 s26, $0x1F;
	s1 =	sand.u32 $0x30, s14;
	v7 =	vmov s31;
	s2 =	sor.u32 s2, s7  }
0x122: {  	v8 =	vmov s1;
	v7 =	vand.u32 $0x7, v7;
	[tilespmem:s2+$0x480] =	vst v6;
	s2 =	smov.u32 s20;
	s20 =	smov.u32 s1;
	s1 =	smov.u32 s11  }
.Ltmp9:
0x123: {  	s11 =	smov.u32 s26;
	v8 =	vshll.u32 v8, $0x3;
	v7 =	vbroadcast v7, $0x0;
	v6 =	vld.idx.msk [tilespmem:v5+s18+$0x0], $0xffff;
	(pc) =	sbr.rel @p1 .LBB2_11-.Ltmp9, $4  }
0x124: {  	v5 =	vor.u32 v4, v8  }
0x125: {  	v5 =	vor.u32 v7, v5  }
0x126: {  	s14 =	sadd.s32 $0x10, s14;
	s7 =	sshll.u32 s10, $0x4;
	s10 =	smov.u32 s1  }
0x127: {  	s26 =	sadd.s32 $0x1, s26;
	s7 =	sand.u32 $0x3FFFFFC0, s7;
	s31 =	sshrl.u32 s11, $0x2  }
0x128: {  	_ = 	snop  }
0x129: {  	v7 =	vmov s31;
	s1 =	sand.u32 $0x30, s14  }
0x12a: {  	s2 =	sor.u32 s2, s7;
	v8 =	vmov s1;
	v7 =	vand.u32 $0x7, v7  }
0x12b: {  	[tilespmem:s2+$0x480] =	vst v6;
	v6 =	vshll.u32 v8, $0x3;
	v7 =	vbroadcast v7, $0x0  }
0x12c: {  	v5 =	vld.idx.msk [tilespmem:v5+s18+$0x0], $0xffff;
	v6 =	vor.u32 v4, v6  }
0x12d: {  	v6 =	vor.u32 v7, v6  }
0x12e: {  	s14 =	sshll.u32 s10, $0x4  }
0x12f: {  	s2 =	sand.u32 $0x3FFFFFC0, s14  }
0x130: {  	s2 =	sor.u32 s20, s2  }
0x131: {  	[tilespmem:s2+$0x480] =	vst v5  }
0x132: {  	v5 =	vld.idx.msk [tilespmem:v6+s18+$0x0], $0xffff;
	_ =	sdelay $0x1  }
0x133: {  	s26 =	sshll.u32 s11, $0x4  }
0x134: {  	s2 =	sand.u32 $0x3FFFFFC0, s26  }
0x135: {  	s1 =	sor.u32 s1, s2  }
0x136: {  	s7 =	simm.s32 $0x480;
	s10 =	simm.s32 $0x8C0;
	[tilespmem:s1+$0x480] =	vst v5  }
0x137: {  	[tilespmem:s10], [sflag:$0x2] =	stream.indirect.gather [hbm4b:s6+s17], $0x40, s7, s17, $0xb8;
	[tilespmem:$0x128C0] =	vst v63  }
0x138: {  	s11 =	simm.s32 $0x4C0;
	s14 =	simm.s32 $0x18C0  }
0x139: {  	[tilespmem:s14], [sflag:$0x2] =	stream.indirect.gather [hbm4b:s6+s17], $0x40, s11, s17, $0xb8;
	[tilespmem:$0x128C0] =	vst v63  }
0x13a: {  	s20 =	simm.s32 $0x500;
	s26 =	simm.s32 $0x28C0  }
0x13b: {  	[tilespmem:s26], [sflag:$0x2] =	stream.indirect.gather [hbm4b:s6+s17], $0x40, s20, s17, $0xb8;
	[tilespmem:$0x128C0] =	vst v63  }
0x13c: {  	s7 =	simm.s32 $0x540;
	s10 =	simm.s32 $0x38C0  }
0x13d: {  	[tilespmem:s10], [sflag:$0x2] =	stream.indirect.gather [hbm4b:s6+s17], $0x40, s7, s17, $0xb8;
	[tilespmem:$0x128C0] =	vst v63  }
0x13e: {  	s11 =	simm.s32 $0x580;
	s14 =	simm.s32 $0x48C0  }
0x13f: {  	[tilespmem:s14], [sflag:$0x2] =	stream.indirect.gather [hbm4b:s6+s17], $0x40, s11, s17, $0xb8;
	[tilespmem:$0x128C0] =	vst v63  }
0x140: {  	s20 =	simm.s32 $0x5C0;
	s26 =	simm.s32 $0x58C0  }
0x141: {  	[tilespmem:s26], [sflag:$0x2] =	stream.indirect.gather [hbm4b:s6+s17], $0x40, s20, s17, $0xb8;
	[tilespmem:$0x128C0] =	vst v63  }
0x142: {  	s14 =	sshll.u32 s30, $0x7;
	s20 =	rddreg [dreg:$0x8]  }
0x143: {  	s2 =	simm.s32 $0x600;
	s7 =	simm.s32 $0x68C0;
	s1 =	sadd.s32 s14, s20  }
0x144: {  	[tilespmem:s7], [sflag:$0x2] =	stream.indirect.gather [hbm4b:s6+s17], $0x40, s2, s17, $0xb8;
	[tilespmem:$0x128C0] =	vst v63  }
0x145: {  	s10 =	simm.s32 $0x640;
	s11 =	simm.s32 $0x78C0;
	s1 =	sshrl.u32 s1, $0x3  }
0x146: {  	[tilespmem:s11], [sflag:$0x2] =	stream.indirect.gather [hbm4b:s6+s17], $0x40, s10, s17, $0xb8;
	[tilespmem:$0x128C0] =	vst v63  }
0x147: {  	s26 =	simm.s32 $0x0;
	s1 =	sadd.s32 s4, s1  }
0x148: {  	[tilespmem:s17], [sflag:$0x6] =	stream.linear.gather [hbm4b:s1+s26], $0x40, $0x38;
	[tilespmem:$0x128C0] =	vst v63  }
.Ltmp10:
0x149: {  	_ = 	snop;
	(pc) =	sbr.rel @p0 .LBB2_14-.Ltmp10, $4  }
.Ltmp11:
0x14a: {  	_ =	swait.ge [sflag:s16], $0x40;
	(pc) =	sbr.rel @!p0 .LBB2_13-.Ltmp11, $4  }
0x14b: {  	[sflag:s16] =	ssyncset.done $0x0  }
0x14c: {  	s31 =	stileid.u32;
	[sflag:s16] =	ssyncadd.s32 $0xFFFFFFC0  }
0x14d: {  	[tilespmem:s22], [sflag:$0x1] =	stream.indirect.gather [hbm4b:s5+s17], $0x8, s17, s17, $0xb8;
	[tilespmem:$0x128C0] =	vst v63  }
0x14e: {  	_ = 	snop  }
.LBB2_16:
0x14f: {  	_ =	sfence.sel $0x180000  }
0x150: {  	[bflag:$0x0] =	sbarrier.arrive $0xFFFF  }
0x151: {  	_ =	strace $0x90000047  }
0x152: {  	[bflag:$0x2] =	sbarrier.arrive $0xFFFF  }
0x153: {  	p0 =	sne.s32 s31, $0x0;
	s0 =	rddreg [dreg:$0x3]  }
0x154: {  	s0 =	sadd.s32 @!p0 $0x100000, s0  }
0x155: {  	[sflag:s0] =	ssyncadd.tile.s32 @!p0 $0x1;
	_ =	shalt  }
.Lfunc_end2:
_tile_overlayer_lowered:
.L_overlay_start_2:
0x156: {  	(tag) =	ssettag $0x2  }
0x157: {  	s0 =	rddreg [dreg:$0x0];
	s2 =	stileid.u32  }
0x158: {  	s1 =	rddreg [dreg:$0x1];
	p0 =	sne.s32 s2, $0x0  }
0x159: {  	s3 =	rddreg [dreg:$0x2];
	[bflag:$0x3] =	sbarrier.arrive $0xFFFF;
	s2 =	simm.s32 @!p0 $0x1C06  }
0x15a: {  	[timem:s3], [sflag:s2] =	dma.local @!p0 [hbm:s0], s1  }
0x15b: {  	s0 =	simm.s32 @!p0 $0x6  }
0x15c: {  	_ =	swait.ge @!p0 [sflag:s0], s1  }
0x15d: {  	s1 =	ssub.s32 @!p0 $0x0, s1;
	[sflag:s0] =	ssyncset.done @!p0 $0x0  }
0x15e: {  	[sflag:s0] =	ssyncadd.s32 @!p0 s1  }
0x15f: {  	[bflag:$0x3] =	sbarrier.arrive $0xFFFF  }
0x160: {  	_ =	shalt  }

// kernel: sparse-core-data-format-call.cloned.1.call-start
scs
called_computation_lowered:
.L_overlay_start_0:
0x0: {  	s2 =	sld [smem:$0x3FD9]  }
0x1: {  	s3 =	sld [smem:$0x3FFE];
	_ =	sdelay $0x1  }
0x2: {  	s1 =	srdreg.scid  }
0x3: {  	s0 =	sand.u32 $0x1, s1  }
0x4: {  	s18 =	sshll.u32 s0, $0xA;
	s2 =	sadd.s32 s3, s2  }
0x5: {  	s2 =	sadd.s32 s2, s18  }
0x6: {  	[smem:$0x3FC5] =	sst s2  }
0x7: {  	_ = 	snop  }
0x8: {  	s2 =	sld [smem:$0x3FD0];
	(tm) =	ssettm $0x1  }
0x9: {  	s19 =	sld [smem:$0x3FFB];
	_ =	sdelay $0x3  }
0xa: {  	_ =	strace s19  }
0xb: {  	s3 =	sld [smem:$0x3FFC];
	_ =	sdelay $0x3  }
0xc: {  	_ =	strace s3  }
0xd: {  	s3 =	sld [smem:$0x3FFD];
	_ =	sdelay $0x3  }
0xe: {  	_ =	strace s3  }
0xf: {  	_ =	strace $0x8FFFFFFF  }
0x10: {  	s20 =	sld [smem:$0x3FDB];
	_ =	sdelay $0x1  }
0x11: {  	s4 =	simm.s32 $_scs_section_size  }
0x12: {  	s5 =	simm.s32 $_size__tile_overlayer_lowered;
	s6 =	simm.s32 $_tile_overlayer_lowered  }
0x13: {  	s23 =	simm.s32 $0x1BFF;
	s22 =	sshll.u32 s6, $0x1;
	s3 =	sadd.s32 s4, s20  }
0x14: {  	s7 =	simm.s32 $0x0;
	s21 =	sshll.u32 s5, $0x1;
	s5 =	sadd.s32 s22, s3  }
0x15: {  	[timem:s7], [sflag:s23] =	dma.local [hbm:s5], s21  }
0x16: {  	_ =	swait.ge [sflag:s23], s21  }
0x17: {  	s4 =	ssub.s32 $0x0, s21;
	[sflag:s23] =	ssyncset.done $0x0  }
0x18: {  	[sflag:s23] =	ssyncadd.s32 s4;
	_ =	sdelay $0x1  }
0x19: {  	s24 =	simm.s32 $0x1B8B  }
0x1a: {  	_ =	swait.ge [sflag:s24], $0x1  }
0x1b: {  	[sflag:s24] =	ssyncset.done $0x0  }
0x1c: {  	s26 =	simm.s32 $0x1B8E;
	s25 =	sld [smem:$0x3FFE];
	[sflag:s24] =	ssyncadd.s32 $0xFFFFFFFF  }
0x1d: {  	s27 =	simm.s32 $execute0_lowered;
	[smem:$0x3FD2] =	sst s26  }
0x1e: {  	s5 =	sshll.u32 s27, $0x1;
	_ =	strace $0x80000049;
	[dreg:$0x1] =	wrdreg $0xFFFFFFFF  }
0x1f: {  	s28 =	simm.s32 $_size_execute0_lowered;
	s3 =	sadd.s32 s3, s5;
	[dreg:$0x0] =	wrdreg $0x0  }
0x20: {  	s5 =	sshll.u32 s28, $0x1;
	[dreg:$0x2] =	wrdreg s3  }
0x21: {  	[dreg:$0x3] =	wrdreg s5  }
0x22: {  	[dreg:$0x4] =	wrdreg $0xC0  }
0x23: {  	_ =	task [dreg:s7], $0x5FFFF  }
0x24: {  	[dreg:$0x1] =	wrdreg $0xFFFFFFFF  }
0x25: {  	[dreg:$0x0] =	wrdreg $0x60  }
0x26: {  	[dreg:$0x2] =	wrdreg s25  }
0x27: {  	[dreg:$0x3] =	wrdreg s2  }
0x28: {  	[dreg:$0x4] =	wrdreg $0x9  }
0x29: {  	_ =	task.clear_ibuf [dreg:s7], $0x5FFFF;
	_ =	strace $0x90000049  }
0x2a: {  	s29 =	simm.s32 $0x9;
	_ =	strace $0x8000004B  }
0x2b: {  	_ =	swait.ge [sflag:s29], $0x1  }
0x2c: {  	[sflag:s29] =	ssyncadd.s32 $0xFFFFFFFF  }
0x2d: {  	_ =	strace $0x9000004B  }
0x2e: {  	_ =	sfence  }
0x2f: {  	s30 =	sld [smem:$0x0];
	_ =	sdelay $0x2  }
0x30: {  	s31 =	sshll.u32 s1, $0xD;
	s1 =	sshrl.u32 s1, $0x2  }
0x31: {  	s3 =	sand.u32 $0x4000, s31;
	s1 =	sadd.s32 s1, s30  }
0x32: {  	s0 =	sor.u32 s3, s0;
	s1 =	sshll.u32 s1, $0x11  }
0x33: {  	s0 =	sor.u32 s1, s0  }
0x34: {  	s0 =	sadd.s32 $0x8F2B, s0  }
0x35: {  	[sflag:s0] =	ssyncadd.remote.s32 $0x1  }
0x36: {  	_ =	sfence.sel $0xFFFF  }
0x37: {  	[dreg:$0x0] =	wrdreg $0xFFFFFFFF;
	(pc) =	sbr.abs _section_cstart, $3  }
0x38: {  	[dreg:$0x1] =	wrdreg $0xFFFFFFFF  }
0x39: {  	_ =	task.clear_ibuf [dreg:s7], $0x2FFFF;
	_ =	strace $0x9FFFFFFF  }
0x3a: {  	(tm) =	ssettm $0x7FFFFFFF  }
0x3b: {  	_ =	shalt  }
tec
execute0_lowered:
.L_overlay_start_1:
0x0: {  	(tag) =	ssettag $0x1  }
0x1: {  	s0 =	srdreg.scid  }
0x2: {  	s1 =	sshll.u32 s0, $0x4  }
0x3: {  	s0 =	stileid.u32;
	s1 =	sand.u32 $0x10, s1  }
0x4: {  	s1 =	sor.u32 s0, s1  }
0x5: {  	s6 =	rddreg [dreg:$0x0];
	s4 =	simm.s32 $0x1;
	s2 =	sshll.u32 s1, $0x7  }
0x6: {  	s7 =	simm.s32 $0x2;
	s12 =	simm.s32 $0x0;
	s1 =	ssub.s32 $0x1000, s2  }
0x7: {  	s8 =	simm.s32 $0x8000;
	s13 =	simm.s32 $0x0;
	s3 =	sand.u32 $0xF80, s1  }
0x8: {  	s9 =	simm.s32 $0x0;
	s5 =	sshrl.u32 s1, $0xC;
	p0 =	sne.s32 s3, $0x0  }
.Ltmp0:
0x9: {  	s1 =	rddreg [dreg:$0x2];
	s4 =	simm.s32 @!p0 $0x0;
	(pc) =	sbr.rel .LBB1_1-.Ltmp0, $4  }
0xa: {  	s11 =	simm.s32 $0x0;
	s3 =	rddreg [dreg:$0x1];
	s5 =	sadd.s32 s4, s5  }
0xb: {  	_ =	strace $0x8000004A;
	s4 =	simm.s32 $0x1;
	s5 =	smul.u32 $0x32, s5  }
0xc: {  	s6 =	sadd.s32 $0xC00, s6;
	s10 =	smov.u32 s2;
	[sflag:s4] =	ssyncpa.u1 $0x0  }
0xd: {  	p0 =	por $0x0, $0x0;
	[sflag:s7] =	ssyncpa.u1 $0x0;
	s7 =	sor.u32 $0x1, s5  }
.LBB1_4:
0xe: {  	s16 =	sshll.u32 s13, $0x3;
	s17 =	sand.u32 $0x78, s13  }
0xf: {  	s30 =	sand.u32 $0x7E00, s13;
	s12 =	sshll.u32 s12, $0xF;
	s16 =	sand.u32 $0xC00, s16  }
0x10: {  	[tilespmem:s15+$0x810 ss:$0x81] =	vst.msk $0xffff, v2;
	s31 =	sand.u32 $0x7, s13;
	s16 =	sor.u32 s17, s16;
	s17 =	sadd.s32 s3, s30  }
0x11: {  	[tilespmem:s15+$0x1020 ss:$0x81] =	vst.msk $0xffff, v0;
	s13 =	sshll.u32 s31, $0x12;
	s12 =	sadd.s32 s12, s17;
	s16 =	sshrl.u32 s16, $0x3  }
0x12: {  	[tilespmem:s15+$0x0 ss:$0x81] =	vst.msk $0xffff, v1;
	s13 =	sor.u32 $0x400, s13;
	s12 =	sadd.s32 s16, s12  }
0x13: {  	[hbm4b:s12+s13] =	stream.strided.scatter [tilespmem:s14], [sflag:$0x2], $0x2000, s8, s13, $0x20;
	[tilespmem:$0x8080] =	vst v63  }
.LBB1_5:
0x14: {  	s14 =	sadd.s32 $0x1, s9  }
0x15: {  	s12 =	sadd.s32 $0x1000, s10;
	s16 =	smov.u32 s10;
	p2 =	sgt.s32 s14, $0x31  }
0x16: {  	s16 =	smov.u32 @p2 s12  }
0x17: {  	s14 =	simm.s32 @p2 $0x0;
	p2 =	sgt.s32 s16, $0xFFF  }
0x18: {  	s16 =	smov.u32 @p2 s2;
	p2 =	sne.s32 s11, s7  }
.Ltmp1:
0x19: {  	p1 =	slt.u32 s11, $0x2;
	(pc) =	sbr.rel @!p2 .LBB1_6-.Ltmp1, $4  }
0x1a: {  	s15 =	simm.s32 @!p1 $0x2  }
0x1b: {  	s13 =	smov.u32 s10;
	p0 =	por !p0, !p0;
	_ =	swait.ge @!p1 [sflag:s15], $0x2000  }
0x1c: {  	s12 =	smov.u32 s9;
	[sflag:s15] =	ssyncset.done @!p1 $0x0;
	s9 =	smov.u32 s14  }
0x1d: {  	s11 =	sadd.s32 $0x1, s11;
	[sflag:s15] =	ssyncadd.s32 @!p1 $0xFFFFE000;
	s10 =	smov.u32 s16  }
.LBB1_1:
0x1e: {  	p1 =	sge.u32 s11, s5  }
0x1f: {  	s14 =	sand.u32 @!p1 $0x1FFFFFF, s9  }
0x20: {  	s15 =	smulhi.u32 @!p1 $0x4924925, s14;
	_ =	sdelay $0x1  }
0x21: {  	s15 =	smul.u32 @!p1 $0x38, s15  }
0x22: {  	s16 =	sxor.u32 @!p1 $0xFFFFFFFF, s11;
	s17 =	smul.u32 @!p1 $0x380, s10  }
0x23: {  	s31 =	sadd.s32 $0xFFFFFFFF, s11;
	s16 =	sshll.u32 @!p1 s16, $0xD;
	s14 =	ssub.s32 @!p1 s14, s15  }
0x24: {  	s15 =	sand.u32 @!p1 $0x2000, s16;
	s16 =	sadd.s32 @!p1 s6, s17;
	s14 =	sshll.u32 @!p1 s14, $0x4  }
0x25: {  	s17 =	simm.s32 @!p1 $0x1C00;
	s14 =	sadd.s32 @!p1 s14, s16;
	s16 =	simm.s32 @!p1 $0x40  }
0x26: {  	[tilespmem:s15], [sflag:$0x1] =	stream.strided.gather @!p1 [hbm4b:s14+s16], $0x2000, s17, s16, $0x38;
	[tilespmem:$0x8080] =	vst v63  }
0x27: {  	p1 =	sge.u32 s31, s5  }
.Ltmp2:
0x28: {  	_ = 	snop;
	(pc) =	sbr.rel @p1 .LBB1_5-.Ltmp2, $1  }
0x29: {  	_ =	sdelay $0x3  }
0x2a: {  	s14 =	simm.s32 $0x1  }
0x2b: {  	_ =	swait.ge [sflag:s4], $0x2000;
	s14 =	simm.s32 @!p0 $0x0  }
0x2c: {  	[sflag:s4] =	ssyncset.done $0x0;
	s15 =	sshll.u32 s14, $0xD  }
0x2d: {  	[sflag:s4] =	ssyncadd.s32 $0xFFFFE000;
	s18 =	sor.u32 $0x20, s15  }
0x2e: {  	s14 =	smul.u32 $0x8100, s14;
	v3 =	vld [tilespmem:s18+$0x10]  }
0x2f: {  	s30 =	sand.u32 $0x1, s11;
	v2 =	vld [tilespmem:s18+$0xFFFFFFF0]  }
0x30: {  	s15 =	smul.u32 $0x8100, s30;
	s14 =	sshrl.u32 s14, $0x2;
	v0 =	vld [tilespmem:s18+$0x0]  }
0x31: {  	v1 =	vld [tilespmem:s18+$0xFFFFFFE0];
	s16 =	sor.u32 $0x4000, s14  }
0x32: {  	s31 =	sshrl.u32 s15, $0x2;
	s15 =	sadd.s32 $0x0, s16  }
0x33: {  	s17 =	simm.s32 $0x4;
	s18 =	sadd.s32 $0x40, s18;
	s14 =	sor.u32 $0x4000, s31;
	[tilespmem:s15+$0x1830 ss:$0x81] =	vst.msk $0xffff, v3  }
.LBB1_3:
0x34: {  	v3 =	vld [tilespmem:s18+$0x10];
	p1 =	sne.s32 s17, $0x1FC;
	[tilespmem:s15+$0x810 ss:$0x81] =	vst.msk $0xffff, v2;
	s19 =	smov.u32 s17;
	s17 =	sadd.s32 $0x4, s17  }
.Ltmp3:
0x35: {  	v2 =	vld [tilespmem:s18+$0xFFFFFFF0];
	[tilespmem:s15+$0x1020 ss:$0x81] =	vst.msk $0xffff, v0;
	(pc) =	sbr.rel @p1 .LBB1_3-.Ltmp3, $4  }
0x36: {  	v0 =	vld [tilespmem:s18+$0x0];
	[tilespmem:s15+$0x0 ss:$0x81] =	vst.msk $0xffff, v1  }
0x37: {  	s15 =	sshra.s32 s19, $0x2;
	v1 =	vld [tilespmem:s18+$0xFFFFFFE0]  }
0x38: {  	s15 =	sadd.s32 s15, s16  }
0x39: {  	s18 =	sadd.s32 $0x40, s18;
	[tilespmem:s15+$0x1830 ss:$0x81] =	vst.msk $0xffff, v3  }
.Ltmp4:
0x3a: {  	_ = 	snop;
	(pc) =	sbr.rel .LBB1_4-.Ltmp4, $1  }
0x3b: {  	_ =	sdelay $0x3  }
.LBB1_6:
0x3c: {  	_ =	sfence.sel $0x180000  }
0x3d: {  	s2 =	simm.s32 $0x1;
	[bflag:$0x0] =	sbarrier.arrive $0xFFFF  }
0x3e: {  	s31 =	simm.s32 $0x2;
	[sflag:s2] =	ssyncpa.u1 $0x1  }
0x3f: {  	[sflag:s31] =	ssyncpa.u1 $0x1  }
0x40: {  	p0 =	sne.s32 s0, $0x0;
	_ =	strace $0x9000004A  }
0x41: {  	s0 =	sadd.s32 @!p0 $0x100000, s1;
	[bflag:$0x2] =	sbarrier.arrive $0xFFFF  }
0x42: {  	[sflag:s0] =	ssyncadd.tile.s32 @!p0 $0x1;
	_ =	shalt  }
.Lfunc_end1:
_tile_overlayer_lowered:
.L_overlay_start_2:
0x43: {  	(tag) =	ssettag $0x2  }
0x44: {  	s0 =	rddreg [dreg:$0x0];
	s2 =	stileid.u32  }
0x45: {  	s1 =	rddreg [dreg:$0x1];
	p0 =	sne.s32 s2, $0x0  }
0x46: {  	s3 =	rddreg [dreg:$0x2];
	[bflag:$0x3] =	sbarrier.arrive $0xFFFF;
	s2 =	simm.s32 @!p0 $0x1C01  }
0x47: {  	[timem:s3], [sflag:s2] =	dma.local @!p0 [hbm:s0], s1  }
0x48: {  	s0 =	simm.s32 @!p0 $0x1  }
0x49: {  	_ =	swait.ge @!p0 [sflag:s0], s1  }
0x4a: {  	s1 =	ssub.s32 @!p0 $0x0, s1;
	[sflag:s0] =	ssyncset.done @!p0 $0x0  }
0x4b: {  	[sflag:s0] =	ssyncadd.s32 @!p0 s1  }
0x4c: {  	[bflag:$0x3] =	sbarrier.arrive $0xFFFF  }
0x4d: {  	_ =	shalt  }

</sc_bundles>
